<compile_context>
chip_gen: v7x
topology: tpu7x:2x2x1
jax: 0.10.2.dev20260603
libtpu: 0.0.44.dev20260713+nightly
codegen_flags: <defaults>
</compile_context>

<pallas_src>
import functools

import jax
import jax.numpy as jnp
from jax import lax
from jax.experimental import pallas as pl
from jax.experimental.pallas import tpu as pltpu
from jax.experimental.pallas import tpu_sc as plsc

N = 10000
E = 320000
D_IN = 128
D_HID = 64
D_OUT = 32

NC = 2
NS = 16
NW = NC * NS
CK = 128
EROWS = E // CK
NCH = 80
NCH_LAST = EROWS - NCH * (NW - 1)
RPT = 640
RPT_LAST = N - RPT * (NS - 1)

_MESH = plsc.VectorSubcoreMesh(core_axis_name="c", subcore_axis_name="s",
                               num_cores=NC, num_subcores=NS)
_SC_PARAMS = pltpu.CompilerParams(use_tc_tiling_on_sc=False)


def _zero_vmem_2d(ref, rows, cols):
    per_row = cols // 16
    def body(i, _):
        r = i // per_row
        k = (i % per_row) * 16
        ref[r, pl.ds(k, 16)] = jnp.zeros((16,), jnp.float32)
        return 0
    lax.fori_loop(0, rows * per_row, body, 0)


def _fill_vmem_1d(ref, n, val):
    def body(i, _):
        ref[pl.ds(i * 16, 16)] = jnp.full((16,), val, jnp.float32)
        return 0
    lax.fori_loop(0, n // 16, body, 0)


def _stage_indices(ei_hbm, plane, wid, idx_ref):
    @pl.when(wid < NW - 1)
    def _():
        pltpu.sync_copy(ei_hbm.at[plane, pl.ds(NCH * wid, NCH)], idx_ref)

    @pl.when(wid == NW - 1)
    def _():
        pltpu.sync_copy(ei_hbm.at[plane, pl.ds(NCH * (NW - 1), NCH_LAST)],
                        idx_ref.at[pl.ds(0, NCH_LAST)])


def _num_rows(wid):
    return jnp.where(wid < NW - 1, NCH, NCH_LAST)



@functools.partial(
    pl.kernel,
    out_type=[jax.ShapeDtypeStruct((N,), jnp.float32),
              jax.ShapeDtypeStruct((N,), jnp.float32)],
    mesh=_MESH,
    scratch_types=[
        pltpu.VMEM((NCH, CK), jnp.int32),
        pltpu.VMEM((CK,), jnp.float32),
        pltpu.VMEM((RPT,), jnp.float32),
        pltpu.VMEM_SHARED((N,), jnp.float32),
    ],
    compiler_params=_SC_PARAMS,
)
def _deg(ei_hbm, out0, out1, didx, ones_v, zbuf, acc):
    c = lax.axis_index("c")
    s = lax.axis_index("s")
    wid = c * NS + s

    _stage_indices(ei_hbm, 1, wid, didx)
    _fill_vmem_1d(zbuf, RPT, 0.0)
    _fill_vmem_1d(ones_v, CK, 1.0)

    @pl.when(s < NS - 1)
    def _():
        pltpu.sync_copy(zbuf, acc.at[pl.ds(s * RPT, RPT)])

    @pl.when(s == NS - 1)
    def _():
        pltpu.sync_copy(zbuf.at[pl.ds(0, RPT_LAST)],
                        acc.at[pl.ds((NS - 1) * RPT, RPT_LAST)])
    plsc.subcore_barrier()

    def body(j, _):
        pltpu.sync_copy(ones_v, acc.at[didx.at[j]], add=True)
        return 0
    lax.fori_loop(0, _num_rows(wid), body, 0)

    plsc.subcore_barrier()

    @pl.when(s < NS - 1)
    def _():
        sl = pl.ds(s * RPT, RPT)

        @pl.when(c == 0)
        def _():
            pltpu.sync_copy(acc.at[sl], out0.at[sl])

        @pl.when(c == 1)
        def _():
            pltpu.sync_copy(acc.at[sl], out1.at[sl])

    @pl.when(s == NS - 1)
    def _():
        sl = pl.ds((NS - 1) * RPT, RPT_LAST)

        @pl.when(c == 0)
        def _():
            pltpu.sync_copy(acc.at[sl], out0.at[sl])

        @pl.when(c == 1)
        def _():
            pltpu.sync_copy(acc.at[sl], out1.at[sl])



def _make_propagate(D):
    @functools.partial(
        pl.kernel,
        out_type=[jax.ShapeDtypeStruct((N, D), jnp.float32),
                  jax.ShapeDtypeStruct((N, D), jnp.float32)],
        mesh=_MESH,
        scratch_types=[
            pltpu.VMEM((NCH, CK), jnp.int32),
            pltpu.VMEM((NCH, CK), jnp.int32),
            pltpu.VMEM((CK, D), jnp.float32),
            pltpu.VMEM((CK, D), jnp.float32),
            pltpu.VMEM_SHARED((N, D), jnp.float32),
            pltpu.SemaphoreType.DMA,
            pltpu.SemaphoreType.DMA,
            pltpu.SemaphoreType.DMA,
            pltpu.SemaphoreType.DMA,
        ],
        compiler_params=_SC_PARAMS,
    )
    def prop(ei_hbm, h_hbm, out0, out1, sidx, didx, buf0, buf1, acc,
             gsem0, gsem1, ssem0, ssem1):
        c = lax.axis_index("c")
        s = lax.axis_index("s")
        wid = c * NS + s

        _stage_indices(ei_hbm, 0, wid, sidx)
        _stage_indices(ei_hbm, 1, wid, didx)

        _zero_vmem_2d(buf0, CK, D)
        nz = jnp.where(s < NS - 1, RPT // CK, RPT_LAST // CK)
        def zcopy(r, _):
            pltpu.sync_copy(buf0, acc.at[pl.ds(s * RPT + r * CK, CK)])
            return 0
        lax.fori_loop(0, nz, zcopy, 0)

        @pl.when(s == NS - 1)
        def _():
            rem = RPT_LAST - (RPT_LAST // CK) * CK
            base = (NS - 1) * RPT + (RPT_LAST // CK) * CK
            pltpu.sync_copy(buf0.at[pl.ds(0, rem)], acc.at[pl.ds(base, rem)])
        plsc.subcore_barrier()

        nch2 = _num_rows(wid) // 2
        pltpu.async_copy(h_hbm.at[sidx.at[0]], buf0, gsem0)

        def body(g, _):
            j0 = 2 * g
            j1 = j0 + 1
            pltpu.make_async_copy(h_hbm.at[sidx.at[j0]], buf0, gsem0).wait()
            pltpu.async_copy(buf0, acc.at[didx.at[j0]], ssem0, add=True)

            @pl.when(g > 0)
            def _():
                pltpu.make_async_copy(buf1, acc.at[didx.at[j0]], ssem1).wait()
            pltpu.async_copy(h_hbm.at[sidx.at[j1]], buf1, gsem1)

            pltpu.make_async_copy(h_hbm.at[sidx.at[j1]], buf1, gsem1).wait()
            pltpu.async_copy(buf1, acc.at[didx.at[j1]], ssem1, add=True)
            pltpu.make_async_copy(buf0, acc.at[didx.at[j0]], ssem0).wait()

            @pl.when(g < nch2 - 1)
            def _():
                pltpu.async_copy(h_hbm.at[sidx.at[j0 + 2]], buf0, gsem0)
            return 0
        lax.fori_loop(0, nch2, body, 0)
        pltpu.make_async_copy(buf1, acc.at[didx.at[0]], ssem1).wait()

        plsc.subcore_barrier()

        @pl.when(s < NS - 1)
        def _():
            sl = pl.ds(s * RPT, RPT)

            @pl.when(c == 0)
            def _():
                pltpu.sync_copy(acc.at[sl], out0.at[sl, :])

            @pl.when(c == 1)
            def _():
                pltpu.sync_copy(acc.at[sl], out1.at[sl, :])

        @pl.when(s == NS - 1)
        def _():
            sl = pl.ds((NS - 1) * RPT, RPT_LAST)

            @pl.when(c == 0)
            def _():
                pltpu.sync_copy(acc.at[sl], out0.at[sl, :])

            @pl.when(c == 1)
            def _():
                pltpu.sync_copy(acc.at[sl], out1.at[sl, :])

    return prop


_prop_hid = _make_propagate(D_HID)
_prop_out = _make_propagate(D_OUT)



_R = 2000


def _k1_body(x_ref, w_ref, d0_ref, d1_ref, h_ref, dis_ref):
    deg = d0_ref[...] + d1_ref[...] + 1.0
    dis = lax.rsqrt(deg)
    h = jnp.dot(x_ref[...], w_ref[...], preferred_element_type=jnp.float32)
    h_ref[...] = h * dis
    dis_ref[...] = dis


_k1 = pl.pallas_call(
    _k1_body,
    grid=(N // _R,),
    in_specs=[
        pl.BlockSpec((_R, D_IN), lambda i: (i, 0)),
        pl.BlockSpec((D_IN, D_HID), lambda i: (0, 0)),
        pl.BlockSpec((_R, 1), lambda i: (i, 0)),
        pl.BlockSpec((_R, 1), lambda i: (i, 0)),
    ],
    out_specs=[
        pl.BlockSpec((_R, D_HID), lambda i: (i, 0)),
        pl.BlockSpec((_R, 1), lambda i: (i, 0)),
    ],
    out_shape=[
        jax.ShapeDtypeStruct((N, D_HID), jnp.float32),
        jax.ShapeDtypeStruct((N, 1), jnp.float32),
    ],
)


def _k2_body(p0_ref, p1_ref, h_ref, dis_ref, b_ref, w_ref, o_ref):
    dis = dis_ref[...]
    z = jnp.maximum(
        (p0_ref[...] + p1_ref[...] + h_ref[...]) * dis + b_ref[...], 0.0)
    o_ref[...] = jnp.dot(z, w_ref[...],
                         preferred_element_type=jnp.float32) * dis


_k2 = pl.pallas_call(
    _k2_body,
    grid=(N // _R,),
    in_specs=[
        pl.BlockSpec((_R, D_HID), lambda i: (i, 0)),
        pl.BlockSpec((_R, D_HID), lambda i: (i, 0)),
        pl.BlockSpec((_R, D_HID), lambda i: (i, 0)),
        pl.BlockSpec((_R, 1), lambda i: (i, 0)),
        pl.BlockSpec((1, D_HID), lambda i: (0, 0)),
        pl.BlockSpec((D_HID, D_OUT), lambda i: (0, 0)),
    ],
    out_specs=pl.BlockSpec((_R, D_OUT), lambda i: (i, 0)),
    out_shape=jax.ShapeDtypeStruct((N, D_OUT), jnp.float32),
)


def _k3_body(p0_ref, p1_ref, h_ref, dis_ref, b_ref, o_ref):
    z = (p0_ref[...] + p1_ref[...] + h_ref[...]) * dis_ref[...] + b_ref[...]
    o_ref[...] = jnp.maximum(z, 0.0)


_k3 = pl.pallas_call(
    _k3_body,
    grid=(N // _R,),
    in_specs=[
        pl.BlockSpec((_R, D_OUT), lambda i: (i, 0)),
        pl.BlockSpec((_R, D_OUT), lambda i: (i, 0)),
        pl.BlockSpec((_R, D_OUT), lambda i: (i, 0)),
        pl.BlockSpec((_R, 1), lambda i: (i, 0)),
        pl.BlockSpec((1, D_OUT), lambda i: (0, 0)),
    ],
    out_specs=pl.BlockSpec((_R, D_OUT), lambda i: (i, 0)),
    out_shape=jax.ShapeDtypeStruct((N, D_OUT), jnp.float32),
)



def kernel(x, edge_index, W1, b1, W2, b2):
    ei3 = edge_index.astype(jnp.int32).reshape(2, EROWS, CK)

    d0, d1 = _deg(ei3)
    h1, dis = _k1(x, W1, d0.reshape(N, 1), d1.reshape(N, 1))
    p0, p1 = _prop_hid(ei3, h1)
    h2 = _k2(p0, p1, h1, dis, b1.reshape(1, D_HID), W2)
    q0, q1 = _prop_out(ei3, h2)
    return _k3(q0, q1, h2, dis, b2.reshape(1, D_OUT))

# --- scband reference (transcript-rebuilt; emitter-appended) ---
"""Pipeline reference for scband-data-aware-gcn-80934363726496 (READ-ONLY COPY).

The authoritative reference and input builder live on the scoring server;
editing this copy changes nothing except your own understanding.
"""

import jax, jax.numpy as jnp
import numpy as np

N_NODES = 10000
N_EDGES = 320000
D_IN = 128
D_HID = 64
D_OUT = 32


def gcn_conv(x, edge_index, W, b, num_nodes):
    # PyG GCNConv with add_self_loops=True, normalize=True
    src = edge_index[0]
    dst = edge_index[1]
    loop = jnp.arange(num_nodes, dtype=src.dtype)
    src = jnp.concatenate([src, loop])
    dst = jnp.concatenate([dst, loop])
    deg = jnp.zeros((num_nodes,), dtype=x.dtype).at[dst].add(1.0)
    deg_inv_sqrt = jnp.where(deg > 0, deg ** -0.5, 0.0)
    norm = deg_inv_sqrt[src] * deg_inv_sqrt[dst]
    h = x @ W
    msg = h[src] * norm[:, None]
    out = jnp.zeros((num_nodes, W.shape[1]), dtype=x.dtype).at[dst].add(msg)
    return out + b


def setup_inputs(seed: int = 0) -> dict:
    key = jax.random.key(seed)
    k1, k2, k3, k4 = jax.random.split(key, 4)
    x = jax.random.normal(k1, (N_NODES, D_IN), dtype=jnp.float32)
    edge_index = jax.random.randint(k2, (2, N_EDGES), 0, N_NODES, dtype=jnp.int32).astype(jnp.int64)
    W1 = jax.random.normal(k3, (D_IN, D_HID), dtype=jnp.float32) * (1.0 / np.sqrt(D_IN))
    b1 = jnp.zeros((D_HID,), dtype=jnp.float32)
    W2 = jax.random.normal(k4, (D_HID, D_OUT), dtype=jnp.float32) * (1.0 / np.sqrt(D_HID))
    b2 = jnp.zeros((D_OUT,), dtype=jnp.float32)
    return {"x": x, "edge_index": edge_index, "W1": W1, "b1": b1, "W2": W2, "b2": b2}


def reference(x, edge_index, W1, b1, W2, b2):
    h = jax.nn.relu(gcn_conv(x, edge_index, W1, b1, N_NODES))
    out = jax.nn.relu(gcn_conv(h, edge_index, W2, b2, N_NODES))
    return out

if __name__ == "__main__":
    import jax
    _d = setup_inputs()
    print(jax.jit(kernel)(*tuple(_d.values())))

</pallas_src>

<mosaic_0001>
#map = affine_map<(d0, d1) -> (0, 0, 0)>
#map1 = affine_map<(d0, d1) -> (0, 0)>
module attributes {stable_mosaic.version = 14 : i64} {
  func.func @prop(%arg0: i32, %arg1: i32, %arg2: memref<2x2500x128xi32, #tpu.memory_space<hbm>>, %arg3: memref<10000x64xf32, #tpu.memory_space<hbm>>, %arg4: memref<10000x64xf32, #tpu.memory_space<hbm>>, %arg5: memref<10000x64xf32, #tpu.memory_space<hbm>>, %arg6: memref<80x128xi32, #tpu.memory_space<vmem>>, %arg7: memref<80x128xi32, #tpu.memory_space<vmem>>, %arg8: memref<128x64xf32, #tpu.memory_space<vmem>>, %arg9: memref<128x64xf32, #tpu.memory_space<vmem>>, %arg10: memref<10000x64xf32, #tpu.memory_space<vmem_shared>>, %arg11: memref<!tpu.dma_semaphore, #tpu.memory_space<semaphore_mem>>, %arg12: memref<!tpu.dma_semaphore, #tpu.memory_space<semaphore_mem>>, %arg13: memref<!tpu.dma_semaphore, #tpu.memory_space<semaphore_mem>>, %arg14: memref<!tpu.dma_semaphore, #tpu.memory_space<semaphore_mem>>) attributes {dimension_semantics = [#tpu.dimension_semantics<core_parallel>, #tpu.dimension_semantics<subcore_parallel>], iteration_bounds = array<i64: 2, 16>, scalar_prefetch = 0 : i64, scratch_operands = 9 : i64, tpu.core_type = #tpu.core_type<sc_vector_subcore>, window_params = [{transform_indices = #map}, {transform_indices = #map1}, {transform_indices = #map1}, {transform_indices = #map1}]} {
    %mul3A = arith.constant 16 : i32
    %mul3A_0 = arith.muli %arg0, %mul3A : i32
    %add3A = arith.addi %mul3A_0, %arg1 : i32
    %lt3A = arith.constant 31 : i32
    %lt3A_1 = arith.cmpi slt, %add3A, %lt3A : i32
    %convert_element_type3A = arith.extui %lt3A_1 : i1 to i32
    %cond3A = arith.constant 0 : i32
    %cond3A_2 = arith.cmpi ne, %convert_element_type3A, %cond3A : i32
    scf.if %cond3A_2 {
      %mul3A_100 = arith.constant 80 : i32
      %mul3A_101 = arith.muli %mul3A_100, %add3A : i32
      %run_scoped3A = arith.constant 0 : i32
      "tpu.region"() ({
        %run_scoped3A_102 = tpu.sem_alloc : memref<!tpu.dma_semaphore, #tpu.memory_space<semaphore_mem>>
        %dma_start3A_103 = arith.constant 0 : i32
        %dma_start3A_104 = tpu.memref_slice %arg2[%run_scoped3A, %mul3A_101, %dma_start3A_103] : memref<2x2500x128xi32, #tpu.memory_space<hbm>> -> memref<1x80x128xi32, #tpu.memory_space<hbm>>
        %dma_start3A_105 = tpu.memref_squeeze %dma_start3A_104 : memref<1x80x128xi32, #tpu.memory_space<hbm>> -> memref<80x128xi32, #tpu.memory_space<hbm>>
        %dma_start3A_106 = arith.constant 0 : i32
        %dma_start3A_107 = tpu.memref_slice %arg2[%run_scoped3A, %mul3A_101, %dma_start3A_106] : memref<2x2500x128xi32, #tpu.memory_space<hbm>> -> memref<1x80x128xi32, #tpu.memory_space<hbm>>
        %dma_start3A_108 = tpu.memref_squeeze %dma_start3A_107 : memref<1x80x128xi32, #tpu.memory_space<hbm>> -> memref<80x128xi32, #tpu.memory_space<hbm>>
        tpu.enqueue_dma source(%dma_start3A_108 : memref<80x128xi32, #tpu.memory_space<hbm>>) target(%arg6 : memref<80x128xi32, #tpu.memory_space<vmem>>) target_semaphore(%run_scoped3A_102 : memref<!tpu.dma_semaphore, #tpu.memory_space<semaphore_mem>>)
        %dma_wait3A_109 = arith.constant 0 : i32
        %dma_wait3A_110 = tpu.memref_slice %arg2[%run_scoped3A, %mul3A_101, %dma_wait3A_109] : memref<2x2500x128xi32, #tpu.memory_space<hbm>> -> memref<1x80x128xi32, #tpu.memory_space<hbm>>
        %dma_wait3A_111 = tpu.memref_squeeze %dma_wait3A_110 : memref<1x80x128xi32, #tpu.memory_space<hbm>> -> memref<80x128xi32, #tpu.memory_space<hbm>>
        %dma_wait3A_112 = arith.constant 0 : i32
        %dma_wait3A_113 = tpu.memref_slice %arg2[%run_scoped3A, %mul3A_101, %dma_wait3A_112] : memref<2x2500x128xi32, #tpu.memory_space<hbm>> -> memref<1x80x128xi32, #tpu.memory_space<hbm>>
        %dma_wait3A_114 = tpu.memref_squeeze %dma_wait3A_113 : memref<1x80x128xi32, #tpu.memory_space<hbm>> -> memref<80x128xi32, #tpu.memory_space<hbm>>
        tpu.wait_dma2 semaphore(%run_scoped3A_102 : memref<!tpu.dma_semaphore, #tpu.memory_space<semaphore_mem>>) src(%dma_wait3A_114 : memref<80x128xi32, #tpu.memory_space<hbm>>) dst(%arg6 : memref<80x128xi32, #tpu.memory_space<vmem>>)
        tpu.yield
      }) : () -> ()
    } else {
    }
    %eq3A = arith.constant 31 : i32
    %eq3A_3 = arith.cmpi eq, %add3A, %eq3A : i32
    %convert_element_type3A_4 = arith.extui %eq3A_3 : i1 to i32
    %cond3A_5 = arith.constant 0 : i32
    %cond3A_6 = arith.cmpi ne, %convert_element_type3A_4, %cond3A_5 : i32
    scf.if %cond3A_6 {
      %run_scoped3A = arith.constant 0 : i32
      "tpu.region"() ({
        %run_scoped3A_100 = tpu.sem_alloc : memref<!tpu.dma_semaphore, #tpu.memory_space<semaphore_mem>>
        %dma_start3A_101 = arith.constant 0 : i32
        %dma_start3A_102 = arith.constant 0 : i32
        %dma_start3A_103 = tpu.memref_slice %arg6[%dma_start3A_101, %dma_start3A_102] : memref<80x128xi32, #tpu.memory_space<vmem>> -> memref<20x128xi32, #tpu.memory_space<vmem>>
        %dma_start3A_104 = arith.constant 2480 : i32
        %dma_start3A_105 = arith.constant 0 : i32
        %dma_start3A_106 = tpu.memref_slice %arg2[%run_scoped3A, %dma_start3A_104, %dma_start3A_105] : memref<2x2500x128xi32, #tpu.memory_space<hbm>> -> memref<1x20x128xi32, #tpu.memory_space<hbm>>
        %dma_start3A_107 = tpu.memref_squeeze %dma_start3A_106 : memref<1x20x128xi32, #tpu.memory_space<hbm>> -> memref<20x128xi32, #tpu.memory_space<hbm>>
        %dma_start3A_108 = arith.constant 0 : i32
        %dma_start3A_109 = arith.constant 0 : i32
        %dma_start3A_110 = tpu.memref_slice %arg6[%dma_start3A_108, %dma_start3A_109] : memref<80x128xi32, #tpu.memory_space<vmem>> -> memref<20x128xi32, #tpu.memory_space<vmem>>
        %dma_start3A_111 = arith.constant 2480 : i32
        %dma_start3A_112 = arith.constant 0 : i32
        %dma_start3A_113 = tpu.memref_slice %arg2[%run_scoped3A, %dma_start3A_111, %dma_start3A_112] : memref<2x2500x128xi32, #tpu.memory_space<hbm>> -> memref<1x20x128xi32, #tpu.memory_space<hbm>>
        %dma_start3A_114 = tpu.memref_squeeze %dma_start3A_113 : memref<1x20x128xi32, #tpu.memory_space<hbm>> -> memref<20x128xi32, #tpu.memory_space<hbm>>
        tpu.enqueue_dma source(%dma_start3A_114 : memref<20x128xi32, #tpu.memory_space<hbm>>) target(%dma_start3A_110 : memref<20x128xi32, #tpu.memory_space<vmem>>) target_semaphore(%run_scoped3A_100 : memref<!tpu.dma_semaphore, #tpu.memory_space<semaphore_mem>>)
        %dma_wait3A_115 = arith.constant 0 : i32
        %dma_wait3A_116 = arith.constant 0 : i32
        %dma_wait3A_117 = tpu.memref_slice %arg6[%dma_wait3A_115, %dma_wait3A_116] : memref<80x128xi32, #tpu.memory_space<vmem>> -> memref<20x128xi32, #tpu.memory_space<vmem>>
        %dma_wait3A_118 = arith.constant 2480 : i32
        %dma_wait3A_119 = arith.constant 0 : i32
        %dma_wait3A_120 = tpu.memref_slice %arg2[%run_scoped3A, %dma_wait3A_118, %dma_wait3A_119] : memref<2x2500x128xi32, #tpu.memory_space<hbm>> -> memref<1x20x128xi32, #tpu.memory_space<hbm>>
        %dma_wait3A_121 = tpu.memref_squeeze %dma_wait3A_120 : memref<1x20x128xi32, #tpu.memory_space<hbm>> -> memref<20x128xi32, #tpu.memory_space<hbm>>
        %dma_wait3A_122 = arith.constant 0 : i32
        %dma_wait3A_123 = arith.constant 0 : i32
        %dma_wait3A_124 = tpu.memref_slice %arg6[%dma_wait3A_122, %dma_wait3A_123] : memref<80x128xi32, #tpu.memory_space<vmem>> -> memref<20x128xi32, #tpu.memory_space<vmem>>
        %dma_wait3A_125 = arith.constant 2480 : i32
        %dma_wait3A_126 = arith.constant 0 : i32
        %dma_wait3A_127 = tpu.memref_slice %arg2[%run_scoped3A, %dma_wait3A_125, %dma_wait3A_126] : memref<2x2500x128xi32, #tpu.memory_space<hbm>> -> memref<1x20x128xi32, #tpu.memory_space<hbm>>
        %dma_wait3A_128 = tpu.memref_squeeze %dma_wait3A_127 : memref<1x20x128xi32, #tpu.memory_space<hbm>> -> memref<20x128xi32, #tpu.memory_space<hbm>>
        tpu.wait_dma2 semaphore(%run_scoped3A_100 : memref<!tpu.dma_semaphore, #tpu.memory_space<semaphore_mem>>) src(%dma_wait3A_128 : memref<20x128xi32, #tpu.memory_space<hbm>>) dst(%dma_wait3A_124 : memref<20x128xi32, #tpu.memory_space<vmem>>)
        tpu.yield
      }) : () -> ()
    } else {
    }
    %lt3A_7 = arith.constant 31 : i32
    %lt3A_8 = arith.cmpi slt, %add3A, %lt3A_7 : i32
    %convert_element_type3A_9 = arith.extui %lt3A_8 : i1 to i32
    %cond3A_10 = arith.constant 0 : i32
    %cond3A_11 = arith.cmpi ne, %convert_element_type3A_9, %cond3A_10 : i32
    scf.if %cond3A_11 {
      %mul3A_100 = arith.constant 80 : i32
      %mul3A_101 = arith.muli %mul3A_100, %add3A : i32
      %run_scoped3A = arith.constant 1 : i32
      "tpu.region"() ({
        %run_scoped3A_102 = tpu.sem_alloc : memref<!tpu.dma_semaphore, #tpu.memory_space<semaphore_mem>>
        %dma_start3A_103 = arith.constant 0 : i32
        %dma_start3A_104 = tpu.memref_slice %arg2[%run_scoped3A, %mul3A_101, %dma_start3A_103] : memref<2x2500x128xi32, #tpu.memory_space<hbm>> -> memref<1x80x128xi32, #tpu.memory_space<hbm>>
        %dma_start3A_105 = tpu.memref_squeeze %dma_start3A_104 : memref<1x80x128xi32, #tpu.memory_space<hbm>> -> memref<80x128xi32, #tpu.memory_space<hbm>>
        %dma_start3A_106 = arith.constant 0 : i32
        %dma_start3A_107 = tpu.memref_slice %arg2[%run_scoped3A, %mul3A_101, %dma_start3A_106] : memref<2x2500x128xi32, #tpu.memory_space<hbm>> -> memref<1x80x128xi32, #tpu.memory_space<hbm>>
        %dma_start3A_108 = tpu.memref_squeeze %dma_start3A_107 : memref<1x80x128xi32, #tpu.memory_space<hbm>> -> memref<80x128xi32, #tpu.memory_space<hbm>>
        tpu.enqueue_dma source(%dma_start3A_108 : memref<80x128xi32, #tpu.memory_space<hbm>>) target(%arg7 : memref<80x128xi32, #tpu.memory_space<vmem>>) target_semaphore(%run_scoped3A_102 : memref<!tpu.dma_semaphore, #tpu.memory_space<semaphore_mem>>)
        %dma_wait3A_109 = arith.constant 0 : i32
        %dma_wait3A_110 = tpu.memref_slice %arg2[%run_scoped3A, %mul3A_101, %dma_wait3A_109] : memref<2x2500x128xi32, #tpu.memory_space<hbm>> -> memref<1x80x128xi32, #tpu.memory_space<hbm>>
        %dma_wait3A_111 = tpu.memref_squeeze %dma_wait3A_110 : memref<1x80x128xi32, #tpu.memory_space<hbm>> -> memref<80x128xi32, #tpu.memory_space<hbm>>
        %dma_wait3A_112 = arith.constant 0 : i32
        %dma_wait3A_113 = tpu.memref_slice %arg2[%run_scoped3A, %mul3A_101, %dma_wait3A_112] : memref<2x2500x128xi32, #tpu.memory_space<hbm>> -> memref<1x80x128xi32, #tpu.memory_space<hbm>>
        %dma_wait3A_114 = tpu.memref_squeeze %dma_wait3A_113 : memref<1x80x128xi32, #tpu.memory_space<hbm>> -> memref<80x128xi32, #tpu.memory_space<hbm>>
        tpu.wait_dma2 semaphore(%run_scoped3A_102 : memref<!tpu.dma_semaphore, #tpu.memory_space<semaphore_mem>>) src(%dma_wait3A_114 : memref<80x128xi32, #tpu.memory_space<hbm>>) dst(%arg7 : memref<80x128xi32, #tpu.memory_space<vmem>>)
        tpu.yield
      }) : () -> ()
    } else {
    }
    %eq3A_12 = arith.constant 31 : i32
    %eq3A_13 = arith.cmpi eq, %add3A, %eq3A_12 : i32
    %convert_element_type3A_14 = arith.extui %eq3A_13 : i1 to i32
    %cond3A_15 = arith.constant 0 : i32
    %cond3A_16 = arith.cmpi ne, %convert_element_type3A_14, %cond3A_15 : i32
    scf.if %cond3A_16 {
      %run_scoped3A = arith.constant 1 : i32
      "tpu.region"() ({
        %run_scoped3A_100 = tpu.sem_alloc : memref<!tpu.dma_semaphore, #tpu.memory_space<semaphore_mem>>
        %dma_start3A_101 = arith.constant 0 : i32
        %dma_start3A_102 = arith.constant 0 : i32
        %dma_start3A_103 = tpu.memref_slice %arg7[%dma_start3A_101, %dma_start3A_102] : memref<80x128xi32, #tpu.memory_space<vmem>> -> memref<20x128xi32, #tpu.memory_space<vmem>>
        %dma_start3A_104 = arith.constant 2480 : i32
        %dma_start3A_105 = arith.constant 0 : i32
        %dma_start3A_106 = tpu.memref_slice %arg2[%run_scoped3A, %dma_start3A_104, %dma_start3A_105] : memref<2x2500x128xi32, #tpu.memory_space<hbm>> -> memref<1x20x128xi32, #tpu.memory_space<hbm>>
        %dma_start3A_107 = tpu.memref_squeeze %dma_start3A_106 : memref<1x20x128xi32, #tpu.memory_space<hbm>> -> memref<20x128xi32, #tpu.memory_space<hbm>>
        %dma_start3A_108 = arith.constant 0 : i32
        %dma_start3A_109 = arith.constant 0 : i32
        %dma_start3A_110 = tpu.memref_slice %arg7[%dma_start3A_108, %dma_start3A_109] : memref<80x128xi32, #tpu.memory_space<vmem>> -> memref<20x128xi32, #tpu.memory_space<vmem>>
        %dma_start3A_111 = arith.constant 2480 : i32
        %dma_start3A_112 = arith.constant 0 : i32
        %dma_start3A_113 = tpu.memref_slice %arg2[%run_scoped3A, %dma_start3A_111, %dma_start3A_112] : memref<2x2500x128xi32, #tpu.memory_space<hbm>> -> memref<1x20x128xi32, #tpu.memory_space<hbm>>
        %dma_start3A_114 = tpu.memref_squeeze %dma_start3A_113 : memref<1x20x128xi32, #tpu.memory_space<hbm>> -> memref<20x128xi32, #tpu.memory_space<hbm>>
        tpu.enqueue_dma source(%dma_start3A_114 : memref<20x128xi32, #tpu.memory_space<hbm>>) target(%dma_start3A_110 : memref<20x128xi32, #tpu.memory_space<vmem>>) target_semaphore(%run_scoped3A_100 : memref<!tpu.dma_semaphore, #tpu.memory_space<semaphore_mem>>)
        %dma_wait3A_115 = arith.constant 0 : i32
        %dma_wait3A_116 = arith.constant 0 : i32
        %dma_wait3A_117 = tpu.memref_slice %arg7[%dma_wait3A_115, %dma_wait3A_116] : memref<80x128xi32, #tpu.memory_space<vmem>> -> memref<20x128xi32, #tpu.memory_space<vmem>>
        %dma_wait3A_118 = arith.constant 2480 : i32
        %dma_wait3A_119 = arith.constant 0 : i32
        %dma_wait3A_120 = tpu.memref_slice %arg2[%run_scoped3A, %dma_wait3A_118, %dma_wait3A_119] : memref<2x2500x128xi32, #tpu.memory_space<hbm>> -> memref<1x20x128xi32, #tpu.memory_space<hbm>>
        %dma_wait3A_121 = tpu.memref_squeeze %dma_wait3A_120 : memref<1x20x128xi32, #tpu.memory_space<hbm>> -> memref<20x128xi32, #tpu.memory_space<hbm>>
        %dma_wait3A_122 = arith.constant 0 : i32
        %dma_wait3A_123 = arith.constant 0 : i32
        %dma_wait3A_124 = tpu.memref_slice %arg7[%dma_wait3A_122, %dma_wait3A_123] : memref<80x128xi32, #tpu.memory_space<vmem>> -> memref<20x128xi32, #tpu.memory_space<vmem>>
        %dma_wait3A_125 = arith.constant 2480 : i32
        %dma_wait3A_126 = arith.constant 0 : i32
        %dma_wait3A_127 = tpu.memref_slice %arg2[%run_scoped3A, %dma_wait3A_125, %dma_wait3A_126] : memref<2x2500x128xi32, #tpu.memory_space<hbm>> -> memref<1x20x128xi32, #tpu.memory_space<hbm>>
        %dma_wait3A_128 = tpu.memref_squeeze %dma_wait3A_127 : memref<1x20x128xi32, #tpu.memory_space<hbm>> -> memref<20x128xi32, #tpu.memory_space<hbm>>
        tpu.wait_dma2 semaphore(%run_scoped3A_100 : memref<!tpu.dma_semaphore, #tpu.memory_space<semaphore_mem>>) src(%dma_wait3A_128 : memref<20x128xi32, #tpu.memory_space<hbm>>) dst(%dma_wait3A_124 : memref<20x128xi32, #tpu.memory_space<vmem>>)
        tpu.yield
      }) : () -> ()
    } else {
    }
    %scan3A = arith.constant 0 : i32
    %scan3A_17 = arith.constant 0 : i32
    %scan3A_18 = arith.constant 512 : i32
    %scan3A_19 = arith.addi %scan3A_17, %scan3A_18 : i32
    %scan3A_20 = arith.constant 1 : i32
    %scan3A_21 = scf.for %scan3A_100 = %scan3A_17 to %scan3A_19 step %scan3A_20 iter_args(%scan3A_101 = %scan3A) -> (i32)  : i32 {
      %jit3A_102 = arith.constant 4 : i32
      %div3A_103 = arith.divsi %scan3A_100, %jit3A_102 : i32
      %sign3A_104 = arith.constant 0 : i32
      %sign3A_105 = arith.cmpi sgt, %scan3A_100, %sign3A_104 : i32
      %sign3A_106 = arith.extui %sign3A_105 : i1 to i32
      %sign3A_107 = arith.constant 0 : i32
      %sign3A_108 = arith.cmpi slt, %scan3A_100, %sign3A_107 : i32
      %sign3A_109 = arith.extui %sign3A_108 : i1 to i32
      %sign3A_110 = arith.subi %sign3A_106, %sign3A_109 : i32
      %sign3A_111 = arith.constant 0 : i32
      %sign3A_112 = arith.cmpi sgt, %jit3A_102, %sign3A_111 : i32
      %sign3A_113 = arith.extui %sign3A_112 : i1 to i32
      %sign3A_114 = arith.constant 0 : i32
      %sign3A_115 = arith.cmpi slt, %jit3A_102, %sign3A_114 : i32
      %sign3A_116 = arith.extui %sign3A_115 : i1 to i32
      %sign3A_117 = arith.subi %sign3A_113, %sign3A_116 : i32
      %ne3A_118 = arith.cmpi ne, %sign3A_110, %sign3A_117 : i32
      %rem3A_119 = arith.remsi %scan3A_100, %jit3A_102 : i32
      %ne3A_120 = arith.constant 0 : i32
      %ne3A_121 = arith.cmpi ne, %rem3A_119, %ne3A_120 : i32
      %and3A_122 = arith.andi %ne3A_118, %ne3A_121 : i1
      %sub3A_123 = arith.constant 1 : i32
      %sub3A_124 = arith.subi %div3A_103, %sub3A_123 : i32
      %select_n3A_125 = arith.select %and3A_122, %sub3A_124, %div3A_103 : i32
      %jit3A_126 = arith.constant 4 : i32
      %eq3A_127 = arith.constant 0 : i32
      %eq3A_128 = arith.cmpi eq, %jit3A_126, %eq3A_127 : i32
      %jit3A_129 = arith.constant 1 : i32
      %select_n3A_130 = arith.select %eq3A_128, %jit3A_129, %jit3A_126 : i32
      %rem3A_131 = arith.remsi %scan3A_100, %select_n3A_130 : i32
      %ne3A_132 = arith.constant 0 : i32
      %ne3A_133 = arith.cmpi ne, %rem3A_131, %ne3A_132 : i32
      %lt3A_134 = arith.constant 0 : i32
      %lt3A_135 = arith.cmpi slt, %rem3A_131, %lt3A_134 : i32
      %lt3A_136 = arith.constant 0 : i32
      %lt3A_137 = arith.cmpi slt, %select_n3A_130, %lt3A_136 : i32
      %ne3A_138 = arith.xori %lt3A_135, %lt3A_137 : i1
      %and3A_139 = arith.andi %ne3A_138, %ne3A_133 : i1
      %add3A_140 = arith.addi %rem3A_131, %select_n3A_130 : i32
      %select_n3A_141 = arith.select %and3A_139, %add3A_140, %rem3A_131 : i32
      %mul3A_142 = arith.constant 16 : i32
      %mul3A_143 = arith.muli %select_n3A_141, %mul3A_142 : i32
      %broadcast_in_dim3A = arith.constant 0.000000e+00 : f32
      %broadcast_in_dim3A_144 = vector.broadcast %broadcast_in_dim3A : f32 to vector<16xf32>
      %swap3A = arith.index_cast %select_n3A_125 : i32 to index
      %swap3A_145 = arith.index_cast %mul3A_143 : i32 to index
      %swap3A_146 = tpu.vector_load %arg8[%swap3A, %swap3A_145] {strides = array<i32>} : memref<128x64xf32, #tpu.memory_space<vmem>>, vector<1x16xf32>,
      %swap3A_147 = vector.shape_cast %swap3A_146 : vector<1x16xf32> to vector<16xf32>
      %swap3A_148 = vector.shape_cast %broadcast_in_dim3A_144 : vector<16xf32> to vector<1x16xf32>
      tpu.vector_store %arg8[%swap3A, %swap3A_145], %swap3A_148 {strides = array<i32>} : memref<128x64xf32, #tpu.memory_space<vmem>>, vector<1x16xf32>,
      %scan3A_149 = arith.constant 0 : i32
      scf.yield %scan3A_149 : i32
    }
    %scan3A_22 = arith.constant 512 : i32
    %lt3A_23 = arith.constant 15 : i32
    %lt3A_24 = arith.cmpi slt, %arg1, %lt3A_23 : i32
    %jit3A = arith.constant 5 : i32
    %jit3A_25 = arith.constant 3 : i32
    %select_n3A = arith.select %lt3A_24, %jit3A, %jit3A_25 : i32
    %while3A = arith.constant 0 : i32
    %while3A_26 = arith.constant 0 : i32
    %while3A_27 = arith.subi %select_n3A, %while3A : i32
    %while3A_28 = arith.addi %while3A, %while3A_27 : i32
    %while3A_29 = arith.constant 1 : i32
    %while3A_30 = arith.divsi %while3A_27, %while3A_29 : i32
    %while3A_31 = arith.muli %while3A_30, %while3A_29 : i32
    %while3A_32 = arith.addi %while3A, %while3A_31 : i32
    %while3A_33 = arith.constant 1 : i32
    %while3A_34 = scf.for %while3A_100 = %while3A to %while3A_32 step %while3A_33 iter_args(%while3A_101 = %while3A_26) -> (i32)  : i32 {
      %mul3A_102 = arith.constant 640 : i32
      %mul3A_103 = arith.muli %arg1, %mul3A_102 : i32
      %mul3A_104 = arith.constant 128 : i32
      %mul3A_105 = arith.muli %while3A_100, %mul3A_104 : i32
      %add3A_106 = arith.addi %mul3A_103, %mul3A_105 : i32
      "tpu.region"() ({
        %run_scoped3A = tpu.sem_alloc : memref<!tpu.dma_semaphore, #tpu.memory_space<semaphore_mem>>
        %dma_start3A_108 = arith.constant 0 : i32
        %dma_start3A_109 = tpu.memref_slice %arg10[%add3A_106, %dma_start3A_108] : memref<10000x64xf32, #tpu.memory_space<vmem_shared>> -> memref<128x64xf32, #tpu.memory_space<vmem_shared>>
        %dma_start3A_110 = arith.constant 0 : i32
        %dma_start3A_111 = tpu.memref_slice %arg10[%add3A_106, %dma_start3A_110] : memref<10000x64xf32, #tpu.memory_space<vmem_shared>> -> memref<128x64xf32, #tpu.memory_space<vmem_shared>>
        tpu.enqueue_dma source(%arg8 : memref<128x64xf32, #tpu.memory_space<vmem>>) target(%dma_start3A_111 : memref<128x64xf32, #tpu.memory_space<vmem_shared>>) target_semaphore(%run_scoped3A : memref<!tpu.dma_semaphore, #tpu.memory_space<semaphore_mem>>)
        %dma_wait3A_112 = arith.constant 0 : i32
        %dma_wait3A_113 = tpu.memref_slice %arg10[%add3A_106, %dma_wait3A_112] : memref<10000x64xf32, #tpu.memory_space<vmem_shared>> -> memref<128x64xf32, #tpu.memory_space<vmem_shared>>
        %dma_wait3A_114 = arith.constant 0 : i32
        %dma_wait3A_115 = tpu.memref_slice %arg10[%add3A_106, %dma_wait3A_114] : memref<10000x64xf32, #tpu.memory_space<vmem_shared>> -> memref<128x64xf32, #tpu.memory_space<vmem_shared>>
        tpu.wait_dma2 semaphore(%run_scoped3A : memref<!tpu.dma_semaphore, #tpu.memory_space<semaphore_mem>>) src(%arg8 : memref<128x64xf32, #tpu.memory_space<vmem>>) dst(%dma_wait3A_115 : memref<128x64xf32, #tpu.memory_space<vmem_shared>>)
        tpu.yield
      }) : () -> ()
      %while3A_107 = arith.constant 0 : i32
      scf.yield %while3A_107 : i32
    }
    %while3A_35 = arith.constant 1 : i32
    %while3A_36 = scf.for %while3A_100 = %while3A_32 to %while3A_28 step %while3A_35 iter_args(%while3A_101 = %while3A_34) -> (i32)  : i32 {
      %mul3A_102 = arith.constant 640 : i32
      %mul3A_103 = arith.muli %arg1, %mul3A_102 : i32
      %mul3A_104 = arith.constant 128 : i32
      %mul3A_105 = arith.muli %while3A_100, %mul3A_104 : i32
      %add3A_106 = arith.addi %mul3A_103, %mul3A_105 : i32
      "tpu.region"() ({
        %run_scoped3A = tpu.sem_alloc : memref<!tpu.dma_semaphore, #tpu.memory_space<semaphore_mem>>
        %dma_start3A_108 = arith.constant 0 : i32
        %dma_start3A_109 = tpu.memref_slice %arg10[%add3A_106, %dma_start3A_108] : memref<10000x64xf32, #tpu.memory_space<vmem_shared>> -> memref<128x64xf32, #tpu.memory_space<vmem_shared>>
        %dma_start3A_110 = arith.constant 0 : i32
        %dma_start3A_111 = tpu.memref_slice %arg10[%add3A_106, %dma_start3A_110] : memref<10000x64xf32, #tpu.memory_space<vmem_shared>> -> memref<128x64xf32, #tpu.memory_space<vmem_shared>>
        tpu.enqueue_dma source(%arg8 : memref<128x64xf32, #tpu.memory_space<vmem>>) target(%dma_start3A_111 : memref<128x64xf32, #tpu.memory_space<vmem_shared>>) target_semaphore(%run_scoped3A : memref<!tpu.dma_semaphore, #tpu.memory_space<semaphore_mem>>)
        %dma_wait3A_112 = arith.constant 0 : i32
        %dma_wait3A_113 = tpu.memref_slice %arg10[%add3A_106, %dma_wait3A_112] : memref<10000x64xf32, #tpu.memory_space<vmem_shared>> -> memref<128x64xf32, #tpu.memory_space<vmem_shared>>
        %dma_wait3A_114 = arith.constant 0 : i32
        %dma_wait3A_115 = tpu.memref_slice %arg10[%add3A_106, %dma_wait3A_114] : memref<10000x64xf32, #tpu.memory_space<vmem_shared>> -> memref<128x64xf32, #tpu.memory_space<vmem_shared>>
        tpu.wait_dma2 semaphore(%run_scoped3A : memref<!tpu.dma_semaphore, #tpu.memory_space<semaphore_mem>>) src(%arg8 : memref<128x64xf32, #tpu.memory_space<vmem>>) dst(%dma_wait3A_115 : memref<128x64xf32, #tpu.memory_space<vmem_shared>>)
        tpu.yield
      }) : () -> ()
      %while3A_107 = arith.constant 0 : i32
      scf.yield %while3A_107 : i32
    }
    %eq3A_37 = arith.constant 15 : i32
    %eq3A_38 = arith.cmpi eq, %arg1, %eq3A_37 : i32
    %convert_element_type3A_39 = arith.extui %eq3A_38 : i1 to i32
    %cond3A_40 = arith.constant 0 : i32
    %cond3A_41 = arith.cmpi ne, %convert_element_type3A_39, %cond3A_40 : i32
    scf.if %cond3A_41 {
      "tpu.region"() ({
        %run_scoped3A = tpu.sem_alloc : memref<!tpu.dma_semaphore, #tpu.memory_space<semaphore_mem>>
        %dma_start3A_100 = arith.constant 0 : i32
        %dma_start3A_101 = arith.constant 0 : i32
        %dma_start3A_102 = tpu.memref_slice %arg8[%dma_start3A_100, %dma_start3A_101] : memref<128x64xf32, #tpu.memory_space<vmem>> -> memref<16x64xf32, #tpu.memory_space<vmem>>
        %dma_start3A_103 = arith.constant 9984 : i32
        %dma_start3A_104 = arith.constant 0 : i32
        %dma_start3A_105 = tpu.memref_slice %arg10[%dma_start3A_103, %dma_start3A_104] : memref<10000x64xf32, #tpu.memory_space<vmem_shared>> -> memref<16x64xf32, #tpu.memory_space<vmem_shared>>
        %dma_start3A_106 = arith.constant 9984 : i32
        %dma_start3A_107 = arith.constant 0 : i32
        %dma_start3A_108 = tpu.memref_slice %arg10[%dma_start3A_106, %dma_start3A_107] : memref<10000x64xf32, #tpu.memory_space<vmem_shared>> -> memref<16x64xf32, #tpu.memory_space<vmem_shared>>
        %dma_start3A_109 = arith.constant 0 : i32
        %dma_start3A_110 = arith.constant 0 : i32
        %dma_start3A_111 = tpu.memref_slice %arg8[%dma_start3A_109, %dma_start3A_110] : memref<128x64xf32, #tpu.memory_space<vmem>> -> memref<16x64xf32, #tpu.memory_space<vmem>>
        tpu.enqueue_dma source(%dma_start3A_111 : memref<16x64xf32, #tpu.memory_space<vmem>>) target(%dma_start3A_108 : memref<16x64xf32, #tpu.memory_space<vmem_shared>>) target_semaphore(%run_scoped3A : memref<!tpu.dma_semaphore, #tpu.memory_space<semaphore_mem>>)
        %dma_wait3A_112 = arith.constant 0 : i32
        %dma_wait3A_113 = arith.constant 0 : i32
        %dma_wait3A_114 = tpu.memref_slice %arg8[%dma_wait3A_112, %dma_wait3A_113] : memref<128x64xf32, #tpu.memory_space<vmem>> -> memref<16x64xf32, #tpu.memory_space<vmem>>
        %dma_wait3A_115 = arith.constant 9984 : i32
        %dma_wait3A_116 = arith.constant 0 : i32
        %dma_wait3A_117 = tpu.memref_slice %arg10[%dma_wait3A_115, %dma_wait3A_116] : memref<10000x64xf32, #tpu.memory_space<vmem_shared>> -> memref<16x64xf32, #tpu.memory_space<vmem_shared>>
        %dma_wait3A_118 = arith.constant 9984 : i32
        %dma_wait3A_119 = arith.constant 0 : i32
        %dma_wait3A_120 = tpu.memref_slice %arg10[%dma_wait3A_118, %dma_wait3A_119] : memref<10000x64xf32, #tpu.memory_space<vmem_shared>> -> memref<16x64xf32, #tpu.memory_space<vmem_shared>>
        %dma_wait3A_121 = arith.constant 0 : i32
        %dma_wait3A_122 = arith.constant 0 : i32
        %dma_wait3A_123 = tpu.memref_slice %arg8[%dma_wait3A_121, %dma_wait3A_122] : memref<128x64xf32, #tpu.memory_space<vmem>> -> memref<16x64xf32, #tpu.memory_space<vmem>>
        tpu.wait_dma2 semaphore(%run_scoped3A : memref<!tpu.dma_semaphore, #tpu.memory_space<semaphore_mem>>) src(%dma_wait3A_123 : memref<16x64xf32, #tpu.memory_space<vmem>>) dst(%dma_wait3A_120 : memref<16x64xf32, #tpu.memory_space<vmem_shared>>)
        tpu.yield
      }) : () -> ()
    } else {
    }
    %barrier3A = arith.constant 0 : index
    tpu.barrier barrier_id(%barrier3A)
    %lt3A_42 = arith.constant 31 : i32
    %lt3A_43 = arith.cmpi slt, %add3A, %lt3A_42 : i32
    %jit3A_44 = arith.constant 80 : i32
    %jit3A_45 = arith.constant 20 : i32
    %select_n3A_46 = arith.select %lt3A_43, %jit3A_44, %jit3A_45 : i32
    %jit3A_47 = arith.constant 2 : i32
    %div3A = arith.divsi %select_n3A_46, %jit3A_47 : i32
    %sign3A = arith.constant 0 : i32
    %sign3A_48 = arith.cmpi sgt, %select_n3A_46, %sign3A : i32
    %sign3A_49 = arith.extui %sign3A_48 : i1 to i32
    %sign3A_50 = arith.constant 0 : i32
    %sign3A_51 = arith.cmpi slt, %select_n3A_46, %sign3A_50 : i32
    %sign3A_52 = arith.extui %sign3A_51 : i1 to i32
    %sign3A_53 = arith.subi %sign3A_49, %sign3A_52 : i32
    %sign3A_54 = arith.constant 0 : i32
    %sign3A_55 = arith.cmpi sgt, %jit3A_47, %sign3A_54 : i32
    %sign3A_56 = arith.extui %sign3A_55 : i1 to i32
    %sign3A_57 = arith.constant 0 : i32
    %sign3A_58 = arith.cmpi slt, %jit3A_47, %sign3A_57 : i32
    %sign3A_59 = arith.extui %sign3A_58 : i1 to i32
    %sign3A_60 = arith.subi %sign3A_56, %sign3A_59 : i32
    %ne3A = arith.cmpi ne, %sign3A_53, %sign3A_60 : i32
    %rem3A = arith.remsi %select_n3A_46, %jit3A_47 : i32
    %ne3A_61 = arith.constant 0 : i32
    %ne3A_62 = arith.cmpi ne, %rem3A, %ne3A_61 : i32
    %and3A = arith.andi %ne3A, %ne3A_62 : i1
    %sub3A = arith.constant 1 : i32
    %sub3A_63 = arith.subi %div3A, %sub3A : i32
    %select_n3A_64 = arith.select %and3A, %sub3A_63, %div3A : i32
    %dma_start3A = arith.constant 0 : i32
    %dma_start3A_65 = arith.constant 0 : i32
    %dma_start3A_66 = tpu.memref_slice %arg6[%dma_start3A, %dma_start3A_65] : memref<80x128xi32, #tpu.memory_space<vmem>> -> memref<1x128xi32, #tpu.memory_space<vmem>>
    %dma_start3A_67 = tpu.memref_squeeze %dma_start3A_66 : memref<1x128xi32, #tpu.memory_space<vmem>> -> memref<128xi32, #tpu.memory_space<vmem>>
    %dma_start3A_68 = arith.constant 0 : i32
    %dma_start3A_69 = arith.constant 0 : i32
    %dma_start3A_70 = tpu.memref_slice %arg3[%dma_start3A_68, %dma_start3A_69] : memref<10000x64xf32, #tpu.memory_space<hbm>> -> memref<10000x64xf32, #tpu.memory_space<hbm>>
    tpu.enqueue_indirect_dma source(%dma_start3A_70 : memref<10000x64xf32, #tpu.memory_space<hbm>>) target(%arg8 : memref<128x64xf32, #tpu.memory_space<vmem>>) offsets(%dma_start3A_67 : memref<128xi32, #tpu.memory_space<vmem>>) semaphore(%arg11 : memref<!tpu.dma_semaphore, #tpu.memory_space<semaphore_mem>>)
    %while3A_71 = arith.constant 0 : i32
    %while3A_72 = arith.constant 0 : i32
    %while3A_73 = arith.subi %select_n3A_64, %while3A_71 : i32
    %while3A_74 = arith.addi %while3A_71, %while3A_73 : i32
    %while3A_75 = arith.constant 1 : i32
    %while3A_76 = arith.divsi %while3A_73, %while3A_75 : i32
    %while3A_77 = arith.muli %while3A_76, %while3A_75 : i32
    %while3A_78 = arith.addi %while3A_71, %while3A_77 : i32
    %while3A_79 = arith.constant 1 : i32
    %while3A_80 = scf.for %while3A_100 = %while3A_71 to %while3A_78 step %while3A_79 iter_args(%while3A_101 = %while3A_72) -> (i32)  : i32 {
      %mul3A_102 = arith.constant 2 : i32
      %mul3A_103 = arith.muli %mul3A_102, %while3A_100 : i32
      %add3A_104 = arith.constant 1 : i32
      %add3A_105 = arith.addi %mul3A_103, %add3A_104 : i32
      %dma_wait3A_106 = arith.constant 0 : i32
      %dma_wait3A_107 = tpu.memref_slice %arg6[%mul3A_103, %dma_wait3A_106] : memref<80x128xi32, #tpu.memory_space<vmem>> -> memref<1x128xi32, #tpu.memory_space<vmem>>
      %dma_wait3A_108 = tpu.memref_squeeze %dma_wait3A_107 : memref<1x128xi32, #tpu.memory_space<vmem>> -> memref<128xi32, #tpu.memory_space<vmem>>
      %dma_wait3A_109 = arith.constant 0 : i32
      %dma_wait3A_110 = arith.constant 0 : i32
      %dma_wait3A_111 = tpu.memref_slice %arg3[%dma_wait3A_109, %dma_wait3A_110] : memref<10000x64xf32, #tpu.memory_space<hbm>> -> memref<10000x64xf32, #tpu.memory_space<hbm>>
      tpu.wait_indirect_dma semaphore(%arg11 : memref<!tpu.dma_semaphore, #tpu.memory_space<semaphore_mem>>) src(%dma_wait3A_111 : memref<10000x64xf32, #tpu.memory_space<hbm>>) dst(%arg8 : memref<128x64xf32, #tpu.memory_space<vmem>>)
      %dma_start3A_112 = arith.constant 0 : i32
      %dma_start3A_113 = tpu.memref_slice %arg7[%mul3A_103, %dma_start3A_112] : memref<80x128xi32, #tpu.memory_space<vmem>> -> memref<1x128xi32, #tpu.memory_space<vmem>>
      %dma_start3A_114 = tpu.memref_squeeze %dma_start3A_113 : memref<1x128xi32, #tpu.memory_space<vmem>> -> memref<128xi32, #tpu.memory_space<vmem>>
      %dma_start3A_115 = arith.constant 0 : i32
      %dma_start3A_116 = arith.constant 0 : i32
      %dma_start3A_117 = tpu.memref_slice %arg10[%dma_start3A_115, %dma_start3A_116] : memref<10000x64xf32, #tpu.memory_space<vmem_shared>> -> memref<10000x64xf32, #tpu.memory_space<vmem_shared>>
      tpu.enqueue_indirect_dma source(%arg8 : memref<128x64xf32, #tpu.memory_space<vmem>>) target(%dma_start3A_117 : memref<10000x64xf32, #tpu.memory_space<vmem_shared>>) offsets(%dma_start3A_114 : memref<128xi32, #tpu.memory_space<vmem>>) semaphore(%arg13 : memref<!tpu.dma_semaphore, #tpu.memory_space<semaphore_mem>>) {add = true}
      %gt3A = arith.constant 0 : i32
      %gt3A_118 = arith.cmpi sgt, %while3A_100, %gt3A : i32
      %convert_element_type3A_119 = arith.extui %gt3A_118 : i1 to i32
      %cond3A_120 = arith.constant 0 : i32
      %cond3A_121 = arith.cmpi ne, %convert_element_type3A_119, %cond3A_120 : i32
      scf.if %cond3A_121 {
        %dma_wait3A_153 = arith.constant 0 : i32
        %dma_wait3A_154 = tpu.memref_slice %arg7[%mul3A_103, %dma_wait3A_153] : memref<80x128xi32, #tpu.memory_space<vmem>> -> memref<1x128xi32, #tpu.memory_space<vmem>>
        %dma_wait3A_155 = tpu.memref_squeeze %dma_wait3A_154 : memref<1x128xi32, #tpu.memory_space<vmem>> -> memref<128xi32, #tpu.memory_space<vmem>>
        %dma_wait3A_156 = arith.constant 0 : i32
        %dma_wait3A_157 = arith.constant 0 : i32
        %dma_wait3A_158 = tpu.memref_slice %arg10[%dma_wait3A_156, %dma_wait3A_157] : memref<10000x64xf32, #tpu.memory_space<vmem_shared>> -> memref<10000x64xf32, #tpu.memory_space<vmem_shared>>
        tpu.wait_indirect_dma semaphore(%arg14 : memref<!tpu.dma_semaphore, #tpu.memory_space<semaphore_mem>>) src(%arg9 : memref<128x64xf32, #tpu.memory_space<vmem>>) dst(%dma_wait3A_158 : memref<10000x64xf32, #tpu.memory_space<vmem_shared>>)
      } else {
      }
      %dma_start3A_122 = arith.constant 0 : i32
      %dma_start3A_123 = tpu.memref_slice %arg6[%add3A_105, %dma_start3A_122] : memref<80x128xi32, #tpu.memory_space<vmem>> -> memref<1x128xi32, #tpu.memory_space<vmem>>
      %dma_start3A_124 = tpu.memref_squeeze %dma_start3A_123 : memref<1x128xi32, #tpu.memory_space<vmem>> -> memref<128xi32, #tpu.memory_space<vmem>>
      %dma_start3A_125 = arith.constant 0 : i32
      %dma_start3A_126 = arith.constant 0 : i32
      %dma_start3A_127 = tpu.memref_slice %arg3[%dma_start3A_125, %dma_start3A_126] : memref<10000x64xf32, #tpu.memory_space<hbm>> -> memref<10000x64xf32, #tpu.memory_space<hbm>>
      tpu.enqueue_indirect_dma source(%dma_start3A_127 : memref<10000x64xf32, #tpu.memory_space<hbm>>) target(%arg9 : memref<128x64xf32, #tpu.memory_space<vmem>>) offsets(%dma_start3A_124 : memref<128xi32, #tpu.memory_space<vmem>>) semaphore(%arg12 : memref<!tpu.dma_semaphore, #tpu.memory_space<semaphore_mem>>)
      %dma_wait3A_128 = arith.constant 0 : i32
      %dma_wait3A_129 = tpu.memref_slice %arg6[%add3A_105, %dma_wait3A_128] : memref<80x128xi32, #tpu.memory_space<vmem>> -> memref<1x128xi32, #tpu.memory_space<vmem>>
      %dma_wait3A_130 = tpu.memref_squeeze %dma_wait3A_129 : memref<1x128xi32, #tpu.memory_space<vmem>> -> memref<128xi32, #tpu.memory_space<vmem>>
      %dma_wait3A_131 = arith.constant 0 : i32
      %dma_wait3A_132 = arith.constant 0 : i32
      %dma_wait3A_133 = tpu.memref_slice %arg3[%dma_wait3A_131, %dma_wait3A_132] : memref<10000x64xf32, #tpu.memory_space<hbm>> -> memref<10000x64xf32, #tpu.memory_space<hbm>>
      tpu.wait_indirect_dma semaphore(%arg12 : memref<!tpu.dma_semaphore, #tpu.memory_space<semaphore_mem>>) src(%dma_wait3A_133 : memref<10000x64xf32, #tpu.memory_space<hbm>>) dst(%arg9 : memref<128x64xf32, #tpu.memory_space<vmem>>)
      %dma_start3A_134 = arith.constant 0 : i32
      %dma_start3A_135 = tpu.memref_slice %arg7[%add3A_105, %dma_start3A_134] : memref<80x128xi32, #tpu.memory_space<vmem>> -> memref<1x128xi32, #tpu.memory_space<vmem>>
      %dma_start3A_136 = tpu.memref_squeeze %dma_start3A_135 : memref<1x128xi32, #tpu.memory_space<vmem>> -> memref<128xi32, #tpu.memory_space<vmem>>
      %dma_start3A_137 = arith.constant 0 : i32
      %dma_start3A_138 = arith.constant 0 : i32
      %dma_start3A_139 = tpu.memref_slice %arg10[%dma_start3A_137, %dma_start3A_138] : memref<10000x64xf32, #tpu.memory_space<vmem_shared>> -> memref<10000x64xf32, #tpu.memory_space<vmem_shared>>
      tpu.enqueue_indirect_dma source(%arg9 : memref<128x64xf32, #tpu.memory_space<vmem>>) target(%dma_start3A_139 : memref<10000x64xf32, #tpu.memory_space<vmem_shared>>) offsets(%dma_start3A_136 : memref<128xi32, #tpu.memory_space<vmem>>) semaphore(%arg14 : memref<!tpu.dma_semaphore, #tpu.memory_space<semaphore_mem>>) {add = true}
      %dma_wait3A_140 = arith.constant 0 : i32
      %dma_wait3A_141 = tpu.memref_slice %arg7[%mul3A_103, %dma_wait3A_140] : memref<80x128xi32, #tpu.memory_space<vmem>> -> memref<1x128xi32, #tpu.memory_space<vmem>>
      %dma_wait3A_142 = tpu.memref_squeeze %dma_wait3A_141 : memref<1x128xi32, #tpu.memory_space<vmem>> -> memref<128xi32, #tpu.memory_space<vmem>>
      %dma_wait3A_143 = arith.constant 0 : i32
      %dma_wait3A_144 = arith.constant 0 : i32
      %dma_wait3A_145 = tpu.memref_slice %arg10[%dma_wait3A_143, %dma_wait3A_144] : memref<10000x64xf32, #tpu.memory_space<vmem_shared>> -> memref<10000x64xf32, #tpu.memory_space<vmem_shared>>
      tpu.wait_indirect_dma semaphore(%arg13 : memref<!tpu.dma_semaphore, #tpu.memory_space<semaphore_mem>>) src(%arg8 : memref<128x64xf32, #tpu.memory_space<vmem>>) dst(%dma_wait3A_145 : memref<10000x64xf32, #tpu.memory_space<vmem_shared>>)
      %sub3A_146 = arith.constant 1 : i32
      %sub3A_147 = arith.subi %select_n3A_64, %sub3A_146 : i32
      %lt3A_148 = arith.cmpi slt, %while3A_100, %sub3A_147 : i32
      %convert_element_type3A_149 = arith.extui %lt3A_148 : i1 to i32
      %cond3A_150 = arith.constant 0 : i32
      %cond3A_151 = arith.cmpi ne, %convert_element_type3A_149, %cond3A_150 : i32
      scf.if %cond3A_151 {
        %add3A_153 = arith.constant 2 : i32
        %add3A_154 = arith.addi %mul3A_103, %add3A_153 : i32
        %dma_start3A_155 = arith.constant 0 : i32
        %dma_start3A_156 = tpu.memref_slice %arg6[%add3A_154, %dma_start3A_155] : memref<80x128xi32, #tpu.memory_space<vmem>> -> memref<1x128xi32, #tpu.memory_space<vmem>>
        %dma_start3A_157 = tpu.memref_squeeze %dma_start3A_156 : memref<1x128xi32, #tpu.memory_space<vmem>> -> memref<128xi32, #tpu.memory_space<vmem>>
        %dma_start3A_158 = arith.constant 0 : i32
        %dma_start3A_159 = arith.constant 0 : i32
        %dma_start3A_160 = tpu.memref_slice %arg3[%dma_start3A_158, %dma_start3A_159] : memref<10000x64xf32, #tpu.memory_space<hbm>> -> memref<10000x64xf32, #tpu.memory_space<hbm>>
        tpu.enqueue_indirect_dma source(%dma_start3A_160 : memref<10000x64xf32, #tpu.memory_space<hbm>>) target(%arg8 : memref<128x64xf32, #tpu.memory_space<vmem>>) offsets(%dma_start3A_157 : memref<128xi32, #tpu.memory_space<vmem>>) semaphore(%arg11 : memref<!tpu.dma_semaphore, #tpu.memory_space<semaphore_mem>>)
      } else {
      }
      %while3A_152 = arith.constant 0 : i32
      scf.yield %while3A_152 : i32
    }
    %while3A_81 = arith.constant 1 : i32
    %while3A_82 = scf.for %while3A_100 = %while3A_78 to %while3A_74 step %while3A_81 iter_args(%while3A_101 = %while3A_80) -> (i32)  : i32 {
      %mul3A_102 = arith.constant 2 : i32
      %mul3A_103 = arith.muli %mul3A_102, %while3A_100 : i32
      %add3A_104 = arith.constant 1 : i32
      %add3A_105 = arith.addi %mul3A_103, %add3A_104 : i32
      %dma_wait3A_106 = arith.constant 0 : i32
      %dma_wait3A_107 = tpu.memref_slice %arg6[%mul3A_103, %dma_wait3A_106] : memref<80x128xi32, #tpu.memory_space<vmem>> -> memref<1x128xi32, #tpu.memory_space<vmem>>
      %dma_wait3A_108 = tpu.memref_squeeze %dma_wait3A_107 : memref<1x128xi32, #tpu.memory_space<vmem>> -> memref<128xi32, #tpu.memory_space<vmem>>
      %dma_wait3A_109 = arith.constant 0 : i32
      %dma_wait3A_110 = arith.constant 0 : i32
      %dma_wait3A_111 = tpu.memref_slice %arg3[%dma_wait3A_109, %dma_wait3A_110] : memref<10000x64xf32, #tpu.memory_space<hbm>> -> memref<10000x64xf32, #tpu.memory_space<hbm>>
      tpu.wait_indirect_dma semaphore(%arg11 : memref<!tpu.dma_semaphore, #tpu.memory_space<semaphore_mem>>) src(%dma_wait3A_111 : memref<10000x64xf32, #tpu.memory_space<hbm>>) dst(%arg8 : memref<128x64xf32, #tpu.memory_space<vmem>>)
      %dma_start3A_112 = arith.constant 0 : i32
      %dma_start3A_113 = tpu.memref_slice %arg7[%mul3A_103, %dma_start3A_112] : memref<80x128xi32, #tpu.memory_space<vmem>> -> memref<1x128xi32, #tpu.memory_space<vmem>>
      %dma_start3A_114 = tpu.memref_squeeze %dma_start3A_113 : memref<1x128xi32, #tpu.memory_space<vmem>> -> memref<128xi32, #tpu.memory_space<vmem>>
      %dma_start3A_115 = arith.constant 0 : i32
      %dma_start3A_116 = arith.constant 0 : i32
      %dma_start3A_117 = tpu.memref_slice %arg10[%dma_start3A_115, %dma_start3A_116] : memref<10000x64xf32, #tpu.memory_space<vmem_shared>> -> memref<10000x64xf32, #tpu.memory_space<vmem_shared>>
      tpu.enqueue_indirect_dma source(%arg8 : memref<128x64xf32, #tpu.memory_space<vmem>>) target(%dma_start3A_117 : memref<10000x64xf32, #tpu.memory_space<vmem_shared>>) offsets(%dma_start3A_114 : memref<128xi32, #tpu.memory_space<vmem>>) semaphore(%arg13 : memref<!tpu.dma_semaphore, #tpu.memory_space<semaphore_mem>>) {add = true}
      %gt3A = arith.constant 0 : i32
      %gt3A_118 = arith.cmpi sgt, %while3A_100, %gt3A : i32
      %convert_element_type3A_119 = arith.extui %gt3A_118 : i1 to i32
      %cond3A_120 = arith.constant 0 : i32
      %cond3A_121 = arith.cmpi ne, %convert_element_type3A_119, %cond3A_120 : i32
      scf.if %cond3A_121 {
        %dma_wait3A_153 = arith.constant 0 : i32
        %dma_wait3A_154 = tpu.memref_slice %arg7[%mul3A_103, %dma_wait3A_153] : memref<80x128xi32, #tpu.memory_space<vmem>> -> memref<1x128xi32, #tpu.memory_space<vmem>>
        %dma_wait3A_155 = tpu.memref_squeeze %dma_wait3A_154 : memref<1x128xi32, #tpu.memory_space<vmem>> -> memref<128xi32, #tpu.memory_space<vmem>>
        %dma_wait3A_156 = arith.constant 0 : i32
        %dma_wait3A_157 = arith.constant 0 : i32
        %dma_wait3A_158 = tpu.memref_slice %arg10[%dma_wait3A_156, %dma_wait3A_157] : memref<10000x64xf32, #tpu.memory_space<vmem_shared>> -> memref<10000x64xf32, #tpu.memory_space<vmem_shared>>
        tpu.wait_indirect_dma semaphore(%arg14 : memref<!tpu.dma_semaphore, #tpu.memory_space<semaphore_mem>>) src(%arg9 : memref<128x64xf32, #tpu.memory_space<vmem>>) dst(%dma_wait3A_158 : memref<10000x64xf32, #tpu.memory_space<vmem_shared>>)
      } else {
      }
      %dma_start3A_122 = arith.constant 0 : i32
      %dma_start3A_123 = tpu.memref_slice %arg6[%add3A_105, %dma_start3A_122] : memref<80x128xi32, #tpu.memory_space<vmem>> -> memref<1x128xi32, #tpu.memory_space<vmem>>
      %dma_start3A_124 = tpu.memref_squeeze %dma_start3A_123 : memref<1x128xi32, #tpu.memory_space<vmem>> -> memref<128xi32, #tpu.memory_space<vmem>>
      %dma_start3A_125 = arith.constant 0 : i32
      %dma_start3A_126 = arith.constant 0 : i32
      %dma_start3A_127 = tpu.memref_slice %arg3[%dma_start3A_125, %dma_start3A_126] : memref<10000x64xf32, #tpu.memory_space<hbm>> -> memref<10000x64xf32, #tpu.memory_space<hbm>>
      tpu.enqueue_indirect_dma source(%dma_start3A_127 : memref<10000x64xf32, #tpu.memory_space<hbm>>) target(%arg9 : memref<128x64xf32, #tpu.memory_space<vmem>>) offsets(%dma_start3A_124 : memref<128xi32, #tpu.memory_space<vmem>>) semaphore(%arg12 : memref<!tpu.dma_semaphore, #tpu.memory_space<semaphore_mem>>)
      %dma_wait3A_128 = arith.constant 0 : i32
      %dma_wait3A_129 = tpu.memref_slice %arg6[%add3A_105, %dma_wait3A_128] : memref<80x128xi32, #tpu.memory_space<vmem>> -> memref<1x128xi32, #tpu.memory_space<vmem>>
      %dma_wait3A_130 = tpu.memref_squeeze %dma_wait3A_129 : memref<1x128xi32, #tpu.memory_space<vmem>> -> memref<128xi32, #tpu.memory_space<vmem>>
      %dma_wait3A_131 = arith.constant 0 : i32
      %dma_wait3A_132 = arith.constant 0 : i32
      %dma_wait3A_133 = tpu.memref_slice %arg3[%dma_wait3A_131, %dma_wait3A_132] : memref<10000x64xf32, #tpu.memory_space<hbm>> -> memref<10000x64xf32, #tpu.memory_space<hbm>>
      tpu.wait_indirect_dma semaphore(%arg12 : memref<!tpu.dma_semaphore, #tpu.memory_space<semaphore_mem>>) src(%dma_wait3A_133 : memref<10000x64xf32, #tpu.memory_space<hbm>>) dst(%arg9 : memref<128x64xf32, #tpu.memory_space<vmem>>)
      %dma_start3A_134 = arith.constant 0 : i32
      %dma_start3A_135 = tpu.memref_slice %arg7[%add3A_105, %dma_start3A_134] : memref<80x128xi32, #tpu.memory_space<vmem>> -> memref<1x128xi32, #tpu.memory_space<vmem>>
      %dma_start3A_136 = tpu.memref_squeeze %dma_start3A_135 : memref<1x128xi32, #tpu.memory_space<vmem>> -> memref<128xi32, #tpu.memory_space<vmem>>
      %dma_start3A_137 = arith.constant 0 : i32
      %dma_start3A_138 = arith.constant 0 : i32
      %dma_start3A_139 = tpu.memref_slice %arg10[%dma_start3A_137, %dma_start3A_138] : memref<10000x64xf32, #tpu.memory_space<vmem_shared>> -> memref<10000x64xf32, #tpu.memory_space<vmem_shared>>
      tpu.enqueue_indirect_dma source(%arg9 : memref<128x64xf32, #tpu.memory_space<vmem>>) target(%dma_start3A_139 : memref<10000x64xf32, #tpu.memory_space<vmem_shared>>) offsets(%dma_start3A_136 : memref<128xi32, #tpu.memory_space<vmem>>) semaphore(%arg14 : memref<!tpu.dma_semaphore, #tpu.memory_space<semaphore_mem>>) {add = true}
      %dma_wait3A_140 = arith.constant 0 : i32
      %dma_wait3A_141 = tpu.memref_slice %arg7[%mul3A_103, %dma_wait3A_140] : memref<80x128xi32, #tpu.memory_space<vmem>> -> memref<1x128xi32, #tpu.memory_space<vmem>>
      %dma_wait3A_142 = tpu.memref_squeeze %dma_wait3A_141 : memref<1x128xi32, #tpu.memory_space<vmem>> -> memref<128xi32, #tpu.memory_space<vmem>>
      %dma_wait3A_143 = arith.constant 0 : i32
      %dma_wait3A_144 = arith.constant 0 : i32
      %dma_wait3A_145 = tpu.memref_slice %arg10[%dma_wait3A_143, %dma_wait3A_144] : memref<10000x64xf32, #tpu.memory_space<vmem_shared>> -> memref<10000x64xf32, #tpu.memory_space<vmem_shared>>
      tpu.wait_indirect_dma semaphore(%arg13 : memref<!tpu.dma_semaphore, #tpu.memory_space<semaphore_mem>>) src(%arg8 : memref<128x64xf32, #tpu.memory_space<vmem>>) dst(%dma_wait3A_145 : memref<10000x64xf32, #tpu.memory_space<vmem_shared>>)
      %sub3A_146 = arith.constant 1 : i32
      %sub3A_147 = arith.subi %select_n3A_64, %sub3A_146 : i32
      %lt3A_148 = arith.cmpi slt, %while3A_100, %sub3A_147 : i32
      %convert_element_type3A_149 = arith.extui %lt3A_148 : i1 to i32
      %cond3A_150 = arith.constant 0 : i32
      %cond3A_151 = arith.cmpi ne, %convert_element_type3A_149, %cond3A_150 : i32
      scf.if %cond3A_151 {
        %add3A_153 = arith.constant 2 : i32
        %add3A_154 = arith.addi %mul3A_103, %add3A_153 : i32
        %dma_start3A_155 = arith.constant 0 : i32
        %dma_start3A_156 = tpu.memref_slice %arg6[%add3A_154, %dma_start3A_155] : memref<80x128xi32, #tpu.memory_space<vmem>> -> memref<1x128xi32, #tpu.memory_space<vmem>>
        %dma_start3A_157 = tpu.memref_squeeze %dma_start3A_156 : memref<1x128xi32, #tpu.memory_space<vmem>> -> memref<128xi32, #tpu.memory_space<vmem>>
        %dma_start3A_158 = arith.constant 0 : i32
        %dma_start3A_159 = arith.constant 0 : i32
        %dma_start3A_160 = tpu.memref_slice %arg3[%dma_start3A_158, %dma_start3A_159] : memref<10000x64xf32, #tpu.memory_space<hbm>> -> memref<10000x64xf32, #tpu.memory_space<hbm>>
        tpu.enqueue_indirect_dma source(%dma_start3A_160 : memref<10000x64xf32, #tpu.memory_space<hbm>>) target(%arg8 : memref<128x64xf32, #tpu.memory_space<vmem>>) offsets(%dma_start3A_157 : memref<128xi32, #tpu.memory_space<vmem>>) semaphore(%arg11 : memref<!tpu.dma_semaphore, #tpu.memory_space<semaphore_mem>>)
      } else {
      }
      %while3A_152 = arith.constant 0 : i32
      scf.yield %while3A_152 : i32
    }
    %dma_wait3A = arith.constant 0 : i32
    %dma_wait3A_83 = arith.constant 0 : i32
    %dma_wait3A_84 = tpu.memref_slice %arg7[%dma_wait3A, %dma_wait3A_83] : memref<80x128xi32, #tpu.memory_space<vmem>> -> memref<1x128xi32, #tpu.memory_space<vmem>>
    %dma_wait3A_85 = tpu.memref_squeeze %dma_wait3A_84 : memref<1x128xi32, #tpu.memory_space<vmem>> -> memref<128xi32, #tpu.memory_space<vmem>>
    %dma_wait3A_86 = arith.constant 0 : i32
    %dma_wait3A_87 = arith.constant 0 : i32
    %dma_wait3A_88 = tpu.memref_slice %arg10[%dma_wait3A_86, %dma_wait3A_87] : memref<10000x64xf32, #tpu.memory_space<vmem_shared>> -> memref<10000x64xf32, #tpu.memory_space<vmem_shared>>
    tpu.wait_indirect_dma semaphore(%arg14 : memref<!tpu.dma_semaphore, #tpu.memory_space<semaphore_mem>>) src(%arg9 : memref<128x64xf32, #tpu.memory_space<vmem>>) dst(%dma_wait3A_88 : memref<10000x64xf32, #tpu.memory_space<vmem_shared>>)
    %barrier3A_89 = arith.constant 0 : index
    tpu.barrier barrier_id(%barrier3A_89)
    %lt3A_90 = arith.constant 15 : i32
    %lt3A_91 = arith.cmpi slt, %arg1, %lt3A_90 : i32
    %convert_element_type3A_92 = arith.extui %lt3A_91 : i1 to i32
    %cond3A_93 = arith.constant 0 : i32
    %cond3A_94 = arith.cmpi ne, %convert_element_type3A_92, %cond3A_93 : i32
    scf.if %cond3A_94 {
      %mul3A_100 = arith.constant 640 : i32
      %mul3A_101 = arith.muli %arg1, %mul3A_100 : i32
      %eq3A_102 = arith.constant 0 : i32
      %eq3A_103 = arith.cmpi eq, %arg0, %eq3A_102 : i32
      %convert_element_type3A_104 = arith.extui %eq3A_103 : i1 to i32
      %cond3A_105 = arith.constant 0 : i32
      %cond3A_106 = arith.cmpi ne, %convert_element_type3A_104, %cond3A_105 : i32
      scf.if %cond3A_106 {
        "tpu.region"() ({
          %run_scoped3A = tpu.sem_alloc : memref<!tpu.dma_semaphore, #tpu.memory_space<semaphore_mem>>
          %dma_start3A_112 = arith.constant 0 : i32
          %dma_start3A_113 = tpu.memref_slice %arg4[%mul3A_101, %dma_start3A_112] : memref<10000x64xf32, #tpu.memory_space<hbm>> -> memref<640x64xf32, #tpu.memory_space<hbm>>
          %dma_start3A_114 = arith.constant 0 : i32
          %dma_start3A_115 = tpu.memref_slice %arg10[%mul3A_101, %dma_start3A_114] : memref<10000x64xf32, #tpu.memory_space<vmem_shared>> -> memref<640x64xf32, #tpu.memory_space<vmem_shared>>
          tpu.enqueue_dma source(%dma_start3A_115 : memref<640x64xf32, #tpu.memory_space<vmem_shared>>) target(%dma_start3A_113 : memref<640x64xf32, #tpu.memory_space<hbm>>) target_semaphore(%run_scoped3A : memref<!tpu.dma_semaphore, #tpu.memory_space<semaphore_mem>>)
          %dma_wait3A_116 = arith.constant 0 : i32
          %dma_wait3A_117 = tpu.memref_slice %arg4[%mul3A_101, %dma_wait3A_116] : memref<10000x64xf32, #tpu.memory_space<hbm>> -> memref<640x64xf32, #tpu.memory_space<hbm>>
          %dma_wait3A_118 = arith.constant 0 : i32
          %dma_wait3A_119 = tpu.memref_slice %arg10[%mul3A_101, %dma_wait3A_118] : memref<10000x64xf32, #tpu.memory_space<vmem_shared>> -> memref<640x64xf32, #tpu.memory_space<vmem_shared>>
          tpu.wait_dma2 semaphore(%run_scoped3A : memref<!tpu.dma_semaphore, #tpu.memory_space<semaphore_mem>>) src(%dma_wait3A_119 : memref<640x64xf32, #tpu.memory_space<vmem_shared>>) dst(%dma_wait3A_117 : memref<640x64xf32, #tpu.memory_space<hbm>>)
          tpu.yield
        }) : () -> ()
      } else {
      }
      %eq3A_107 = arith.constant 1 : i32
      %eq3A_108 = arith.cmpi eq, %arg0, %eq3A_107 : i32
      %convert_element_type3A_109 = arith.extui %eq3A_108 : i1 to i32
      %cond3A_110 = arith.constant 0 : i32
      %cond3A_111 = arith.cmpi ne, %convert_element_type3A_109, %cond3A_110 : i32
      scf.if %cond3A_111 {
        "tpu.region"() ({
          %run_scoped3A = tpu.sem_alloc : memref<!tpu.dma_semaphore, #tpu.memory_space<semaphore_mem>>
          %dma_start3A_112 = arith.constant 0 : i32
          %dma_start3A_113 = tpu.memref_slice %arg5[%mul3A_101, %dma_start3A_112] : memref<10000x64xf32, #tpu.memory_space<hbm>> -> memref<640x64xf32, #tpu.memory_space<hbm>>
          %dma_start3A_114 = arith.constant 0 : i32
          %dma_start3A_115 = tpu.memref_slice %arg10[%mul3A_101, %dma_start3A_114] : memref<10000x64xf32, #tpu.memory_space<vmem_shared>> -> memref<640x64xf32, #tpu.memory_space<vmem_shared>>
          tpu.enqueue_dma source(%dma_start3A_115 : memref<640x64xf32, #tpu.memory_space<vmem_shared>>) target(%dma_start3A_113 : memref<640x64xf32, #tpu.memory_space<hbm>>) target_semaphore(%run_scoped3A : memref<!tpu.dma_semaphore, #tpu.memory_space<semaphore_mem>>)
          %dma_wait3A_116 = arith.constant 0 : i32
          %dma_wait3A_117 = tpu.memref_slice %arg5[%mul3A_101, %dma_wait3A_116] : memref<10000x64xf32, #tpu.memory_space<hbm>> -> memref<640x64xf32, #tpu.memory_space<hbm>>
          %dma_wait3A_118 = arith.constant 0 : i32
          %dma_wait3A_119 = tpu.memref_slice %arg10[%mul3A_101, %dma_wait3A_118] : memref<10000x64xf32, #tpu.memory_space<vmem_shared>> -> memref<640x64xf32, #tpu.memory_space<vmem_shared>>
          tpu.wait_dma2 semaphore(%run_scoped3A : memref<!tpu.dma_semaphore, #tpu.memory_space<semaphore_mem>>) src(%dma_wait3A_119 : memref<640x64xf32, #tpu.memory_space<vmem_shared>>) dst(%dma_wait3A_117 : memref<640x64xf32, #tpu.memory_space<hbm>>)
          tpu.yield
        }) : () -> ()
      } else {
      }
    } else {
    }
    %eq3A_95 = arith.constant 15 : i32
    %eq3A_96 = arith.cmpi eq, %arg1, %eq3A_95 : i32
    %convert_element_type3A_97 = arith.extui %eq3A_96 : i1 to i32
    %cond3A_98 = arith.constant 0 : i32
    %cond3A_99 = arith.cmpi ne, %convert_element_type3A_97, %cond3A_98 : i32
    scf.if %cond3A_99 {
      %eq3A_100 = arith.constant 0 : i32
      %eq3A_101 = arith.cmpi eq, %arg0, %eq3A_100 : i32
      %convert_element_type3A_102 = arith.extui %eq3A_101 : i1 to i32
      %cond3A_103 = arith.constant 0 : i32
      %cond3A_104 = arith.cmpi ne, %convert_element_type3A_102, %cond3A_103 : i32
      scf.if %cond3A_104 {
        "tpu.region"() ({
          %run_scoped3A = tpu.sem_alloc : memref<!tpu.dma_semaphore, #tpu.memory_space<semaphore_mem>>
          %dma_start3A_110 = arith.constant 9600 : i32
          %dma_start3A_111 = arith.constant 0 : i32
          %dma_start3A_112 = tpu.memref_slice %arg4[%dma_start3A_110, %dma_start3A_111] : memref<10000x64xf32, #tpu.memory_space<hbm>> -> memref<400x64xf32, #tpu.memory_space<hbm>>
          %dma_start3A_113 = arith.constant 9600 : i32
          %dma_start3A_114 = arith.constant 0 : i32
          %dma_start3A_115 = tpu.memref_slice %arg10[%dma_start3A_113, %dma_start3A_114] : memref<10000x64xf32, #tpu.memory_space<vmem_shared>> -> memref<400x64xf32, #tpu.memory_space<vmem_shared>>
          tpu.enqueue_dma source(%dma_start3A_115 : memref<400x64xf32, #tpu.memory_space<vmem_shared>>) target(%dma_start3A_112 : memref<400x64xf32, #tpu.memory_space<hbm>>) target_semaphore(%run_scoped3A : memref<!tpu.dma_semaphore, #tpu.memory_space<semaphore_mem>>)
          %dma_wait3A_116 = arith.constant 9600 : i32
          %dma_wait3A_117 = arith.constant 0 : i32
          %dma_wait3A_118 = tpu.memref_slice %arg4[%dma_wait3A_116, %dma_wait3A_117] : memref<10000x64xf32, #tpu.memory_space<hbm>> -> memref<400x64xf32, #tpu.memory_space<hbm>>
          %dma_wait3A_119 = arith.constant 9600 : i32
          %dma_wait3A_120 = arith.constant 0 : i32
          %dma_wait3A_121 = tpu.memref_slice %arg10[%dma_wait3A_119, %dma_wait3A_120] : memref<10000x64xf32, #tpu.memory_space<vmem_shared>> -> memref<400x64xf32, #tpu.memory_space<vmem_shared>>
          tpu.wait_dma2 semaphore(%run_scoped3A : memref<!tpu.dma_semaphore, #tpu.memory_space<semaphore_mem>>) src(%dma_wait3A_121 : memref<400x64xf32, #tpu.memory_space<vmem_shared>>) dst(%dma_wait3A_118 : memref<400x64xf32, #tpu.memory_space<hbm>>)
          tpu.yield
        }) : () -> ()
      } else {
      }
      %eq3A_105 = arith.constant 1 : i32
      %eq3A_106 = arith.cmpi eq, %arg0, %eq3A_105 : i32
      %convert_element_type3A_107 = arith.extui %eq3A_106 : i1 to i32
      %cond3A_108 = arith.constant 0 : i32
      %cond3A_109 = arith.cmpi ne, %convert_element_type3A_107, %cond3A_108 : i32
      scf.if %cond3A_109 {
        "tpu.region"() ({
          %run_scoped3A = tpu.sem_alloc : memref<!tpu.dma_semaphore, #tpu.memory_space<semaphore_mem>>
          %dma_start3A_110 = arith.constant 9600 : i32
          %dma_start3A_111 = arith.constant 0 : i32
          %dma_start3A_112 = tpu.memref_slice %arg5[%dma_start3A_110, %dma_start3A_111] : memref<10000x64xf32, #tpu.memory_space<hbm>> -> memref<400x64xf32, #tpu.memory_space<hbm>>
          %dma_start3A_113 = arith.constant 9600 : i32
          %dma_start3A_114 = arith.constant 0 : i32
          %dma_start3A_115 = tpu.memref_slice %arg10[%dma_start3A_113, %dma_start3A_114] : memref<10000x64xf32, #tpu.memory_space<vmem_shared>> -> memref<400x64xf32, #tpu.memory_space<vmem_shared>>
          tpu.enqueue_dma source(%dma_start3A_115 : memref<400x64xf32, #tpu.memory_space<vmem_shared>>) target(%dma_start3A_112 : memref<400x64xf32, #tpu.memory_space<hbm>>) target_semaphore(%run_scoped3A : memref<!tpu.dma_semaphore, #tpu.memory_space<semaphore_mem>>)
          %dma_wait3A_116 = arith.constant 9600 : i32
          %dma_wait3A_117 = arith.constant 0 : i32
          %dma_wait3A_118 = tpu.memref_slice %arg5[%dma_wait3A_116, %dma_wait3A_117] : memref<10000x64xf32, #tpu.memory_space<hbm>> -> memref<400x64xf32, #tpu.memory_space<hbm>>
          %dma_wait3A_119 = arith.constant 9600 : i32
          %dma_wait3A_120 = arith.constant 0 : i32
          %dma_wait3A_121 = tpu.memref_slice %arg10[%dma_wait3A_119, %dma_wait3A_120] : memref<10000x64xf32, #tpu.memory_space<vmem_shared>> -> memref<400x64xf32, #tpu.memory_space<vmem_shared>>
          tpu.wait_dma2 semaphore(%run_scoped3A : memref<!tpu.dma_semaphore, #tpu.memory_space<semaphore_mem>>) src(%dma_wait3A_121 : memref<400x64xf32, #tpu.memory_space<vmem_shared>>) dst(%dma_wait3A_118 : memref<400x64xf32, #tpu.memory_space<hbm>>)
          tpu.yield
        }) : () -> ()
      } else {
      }
    } else {
    }
    return
  }
}

#map = affine_map<(d0, d1) -> (0, 0, 0)>
#map1 = affine_map<(d0, d1) -> (0)>
module attributes {stable_mosaic.version = 14 : i64} {
  func.func @_deg(%arg0: i32, %arg1: i32, %arg2: memref<2x2500x128xi32, #tpu.memory_space<hbm>>, %arg3: memref<10000xf32, #tpu.memory_space<hbm>>, %arg4: memref<10000xf32, #tpu.memory_space<hbm>>, %arg5: memref<80x128xi32, #tpu.memory_space<vmem>>, %arg6: memref<128xf32, #tpu.memory_space<vmem>>, %arg7: memref<640xf32, #tpu.memory_space<vmem>>, %arg8: memref<10000xf32, #tpu.memory_space<vmem_shared>>) attributes {dimension_semantics = [#tpu.dimension_semantics<core_parallel>, #tpu.dimension_semantics<subcore_parallel>], iteration_bounds = array<i64: 2, 16>, scalar_prefetch = 0 : i64, scratch_operands = 4 : i64, tpu.core_type = #tpu.core_type<sc_vector_subcore>, window_params = [{transform_indices = #map}, {transform_indices = #map1}, {transform_indices = #map1}]} {
    %mul3A = arith.constant 16 : i32
    %mul3A_0 = arith.muli %arg0, %mul3A : i32
    %add3A = arith.addi %mul3A_0, %arg1 : i32
    %lt3A = arith.constant 31 : i32
    %lt3A_1 = arith.cmpi slt, %add3A, %lt3A : i32
    %convert_element_type3A = arith.extui %lt3A_1 : i1 to i32
    %cond3A = arith.constant 0 : i32
    %cond3A_2 = arith.cmpi ne, %convert_element_type3A, %cond3A : i32
    scf.if %cond3A_2 {
      %mul3A_55 = arith.constant 80 : i32
      %mul3A_56 = arith.muli %mul3A_55, %add3A : i32
      %run_scoped3A = arith.constant 1 : i32
      "tpu.region"() ({
        %run_scoped3A_57 = tpu.sem_alloc : memref<!tpu.dma_semaphore, #tpu.memory_space<semaphore_mem>>
        %dma_start3A = arith.constant 0 : i32
        %dma_start3A_58 = tpu.memref_slice %arg2[%run_scoped3A, %mul3A_56, %dma_start3A] : memref<2x2500x128xi32, #tpu.memory_space<hbm>> -> memref<1x80x128xi32, #tpu.memory_space<hbm>>
        %dma_start3A_59 = tpu.memref_squeeze %dma_start3A_58 : memref<1x80x128xi32, #tpu.memory_space<hbm>> -> memref<80x128xi32, #tpu.memory_space<hbm>>
        %dma_start3A_60 = arith.constant 0 : i32
        %dma_start3A_61 = tpu.memref_slice %arg2[%run_scoped3A, %mul3A_56, %dma_start3A_60] : memref<2x2500x128xi32, #tpu.memory_space<hbm>> -> memref<1x80x128xi32, #tpu.memory_space<hbm>>
        %dma_start3A_62 = tpu.memref_squeeze %dma_start3A_61 : memref<1x80x128xi32, #tpu.memory_space<hbm>> -> memref<80x128xi32, #tpu.memory_space<hbm>>
        tpu.enqueue_dma source(%dma_start3A_62 : memref<80x128xi32, #tpu.memory_space<hbm>>) target(%arg5 : memref<80x128xi32, #tpu.memory_space<vmem>>) target_semaphore(%run_scoped3A_57 : memref<!tpu.dma_semaphore, #tpu.memory_space<semaphore_mem>>)
        %dma_wait3A = arith.constant 0 : i32
        %dma_wait3A_63 = tpu.memref_slice %arg2[%run_scoped3A, %mul3A_56, %dma_wait3A] : memref<2x2500x128xi32, #tpu.memory_space<hbm>> -> memref<1x80x128xi32, #tpu.memory_space<hbm>>
        %dma_wait3A_64 = tpu.memref_squeeze %dma_wait3A_63 : memref<1x80x128xi32, #tpu.memory_space<hbm>> -> memref<80x128xi32, #tpu.memory_space<hbm>>
        %dma_wait3A_65 = arith.constant 0 : i32
        %dma_wait3A_66 = tpu.memref_slice %arg2[%run_scoped3A, %mul3A_56, %dma_wait3A_65] : memref<2x2500x128xi32, #tpu.memory_space<hbm>> -> memref<1x80x128xi32, #tpu.memory_space<hbm>>
        %dma_wait3A_67 = tpu.memref_squeeze %dma_wait3A_66 : memref<1x80x128xi32, #tpu.memory_space<hbm>> -> memref<80x128xi32, #tpu.memory_space<hbm>>
        tpu.wait_dma2 semaphore(%run_scoped3A_57 : memref<!tpu.dma_semaphore, #tpu.memory_space<semaphore_mem>>) src(%dma_wait3A_67 : memref<80x128xi32, #tpu.memory_space<hbm>>) dst(%arg5 : memref<80x128xi32, #tpu.memory_space<vmem>>)
        tpu.yield
      }) : () -> ()
    } else {
    }
    %eq3A = arith.constant 31 : i32
    %eq3A_3 = arith.cmpi eq, %add3A, %eq3A : i32
    %convert_element_type3A_4 = arith.extui %eq3A_3 : i1 to i32
    %cond3A_5 = arith.constant 0 : i32
    %cond3A_6 = arith.cmpi ne, %convert_element_type3A_4, %cond3A_5 : i32
    scf.if %cond3A_6 {
      %run_scoped3A = arith.constant 1 : i32
      "tpu.region"() ({
        %run_scoped3A_55 = tpu.sem_alloc : memref<!tpu.dma_semaphore, #tpu.memory_space<semaphore_mem>>
        %dma_start3A = arith.constant 0 : i32
        %dma_start3A_56 = arith.constant 0 : i32
        %dma_start3A_57 = tpu.memref_slice %arg5[%dma_start3A, %dma_start3A_56] : memref<80x128xi32, #tpu.memory_space<vmem>> -> memref<20x128xi32, #tpu.memory_space<vmem>>
        %dma_start3A_58 = arith.constant 2480 : i32
        %dma_start3A_59 = arith.constant 0 : i32
        %dma_start3A_60 = tpu.memref_slice %arg2[%run_scoped3A, %dma_start3A_58, %dma_start3A_59] : memref<2x2500x128xi32, #tpu.memory_space<hbm>> -> memref<1x20x128xi32, #tpu.memory_space<hbm>>
        %dma_start3A_61 = tpu.memref_squeeze %dma_start3A_60 : memref<1x20x128xi32, #tpu.memory_space<hbm>> -> memref<20x128xi32, #tpu.memory_space<hbm>>
        %dma_start3A_62 = arith.constant 0 : i32
        %dma_start3A_63 = arith.constant 0 : i32
        %dma_start3A_64 = tpu.memref_slice %arg5[%dma_start3A_62, %dma_start3A_63] : memref<80x128xi32, #tpu.memory_space<vmem>> -> memref<20x128xi32, #tpu.memory_space<vmem>>
        %dma_start3A_65 = arith.constant 2480 : i32
        %dma_start3A_66 = arith.constant 0 : i32
        %dma_start3A_67 = tpu.memref_slice %arg2[%run_scoped3A, %dma_start3A_65, %dma_start3A_66] : memref<2x2500x128xi32, #tpu.memory_space<hbm>> -> memref<1x20x128xi32, #tpu.memory_space<hbm>>
        %dma_start3A_68 = tpu.memref_squeeze %dma_start3A_67 : memref<1x20x128xi32, #tpu.memory_space<hbm>> -> memref<20x128xi32, #tpu.memory_space<hbm>>
        tpu.enqueue_dma source(%dma_start3A_68 : memref<20x128xi32, #tpu.memory_space<hbm>>) target(%dma_start3A_64 : memref<20x128xi32, #tpu.memory_space<vmem>>) target_semaphore(%run_scoped3A_55 : memref<!tpu.dma_semaphore, #tpu.memory_space<semaphore_mem>>)
        %dma_wait3A = arith.constant 0 : i32
        %dma_wait3A_69 = arith.constant 0 : i32
        %dma_wait3A_70 = tpu.memref_slice %arg5[%dma_wait3A, %dma_wait3A_69] : memref<80x128xi32, #tpu.memory_space<vmem>> -> memref<20x128xi32, #tpu.memory_space<vmem>>
        %dma_wait3A_71 = arith.constant 2480 : i32
        %dma_wait3A_72 = arith.constant 0 : i32
        %dma_wait3A_73 = tpu.memref_slice %arg2[%run_scoped3A, %dma_wait3A_71, %dma_wait3A_72] : memref<2x2500x128xi32, #tpu.memory_space<hbm>> -> memref<1x20x128xi32, #tpu.memory_space<hbm>>
        %dma_wait3A_74 = tpu.memref_squeeze %dma_wait3A_73 : memref<1x20x128xi32, #tpu.memory_space<hbm>> -> memref<20x128xi32, #tpu.memory_space<hbm>>
        %dma_wait3A_75 = arith.constant 0 : i32
        %dma_wait3A_76 = arith.constant 0 : i32
        %dma_wait3A_77 = tpu.memref_slice %arg5[%dma_wait3A_75, %dma_wait3A_76] : memref<80x128xi32, #tpu.memory_space<vmem>> -> memref<20x128xi32, #tpu.memory_space<vmem>>
        %dma_wait3A_78 = arith.constant 2480 : i32
        %dma_wait3A_79 = arith.constant 0 : i32
        %dma_wait3A_80 = tpu.memref_slice %arg2[%run_scoped3A, %dma_wait3A_78, %dma_wait3A_79] : memref<2x2500x128xi32, #tpu.memory_space<hbm>> -> memref<1x20x128xi32, #tpu.memory_space<hbm>>
        %dma_wait3A_81 = tpu.memref_squeeze %dma_wait3A_80 : memref<1x20x128xi32, #tpu.memory_space<hbm>> -> memref<20x128xi32, #tpu.memory_space<hbm>>
        tpu.wait_dma2 semaphore(%run_scoped3A_55 : memref<!tpu.dma_semaphore, #tpu.memory_space<semaphore_mem>>) src(%dma_wait3A_81 : memref<20x128xi32, #tpu.memory_space<hbm>>) dst(%dma_wait3A_77 : memref<20x128xi32, #tpu.memory_space<vmem>>)
        tpu.yield
      }) : () -> ()
    } else {
    }
    %scan3A = arith.constant 0 : i32
    %scan3A_7 = arith.constant 0 : i32
    %scan3A_8 = arith.constant 40 : i32
    %scan3A_9 = arith.addi %scan3A_7, %scan3A_8 : i32
    %scan3A_10 = arith.constant 1 : i32
    %scan3A_11 = scf.for %scan3A_55 = %scan3A_7 to %scan3A_9 step %scan3A_10 iter_args(%scan3A_56 = %scan3A) -> (i32)  : i32 {
      %broadcast_in_dim3A = arith.constant 0.000000e+00 : f32
      %broadcast_in_dim3A_57 = vector.broadcast %broadcast_in_dim3A : f32 to vector<16xf32>
      %mul3A_58 = arith.constant 16 : i32
      %mul3A_59 = arith.muli %scan3A_55, %mul3A_58 : i32
      %swap3A = arith.index_cast %mul3A_59 : i32 to index
      %swap3A_60 = tpu.vector_load %arg7[%swap3A] {strides = array<i32>} : memref<640xf32, #tpu.memory_space<vmem>>, vector<16xf32>,
      %swap3A_61 = vector.shape_cast %swap3A_60 : vector<16xf32> to vector<16xf32>
      %swap3A_62 = vector.shape_cast %broadcast_in_dim3A_57 : vector<16xf32> to vector<16xf32>
      tpu.vector_store %arg7[%swap3A], %swap3A_62 {strides = array<i32>} : memref<640xf32, #tpu.memory_space<vmem>>, vector<16xf32>,
      %scan3A_63 = arith.constant 0 : i32
      scf.yield %scan3A_63 : i32
    }
    %scan3A_12 = arith.constant 40 : i32
    %scan3A_13 = arith.constant 0 : i32
    %scan3A_14 = arith.constant 0 : i32
    %scan3A_15 = arith.constant 8 : i32
    %scan3A_16 = arith.addi %scan3A_14, %scan3A_15 : i32
    %scan3A_17 = arith.constant 1 : i32
    %scan3A_18 = scf.for %scan3A_55 = %scan3A_14 to %scan3A_16 step %scan3A_17 iter_args(%scan3A_56 = %scan3A_13) -> (i32)  : i32 {
      %broadcast_in_dim3A = arith.constant 1.000000e+00 : f32
      %broadcast_in_dim3A_57 = vector.broadcast %broadcast_in_dim3A : f32 to vector<16xf32>
      %mul3A_58 = arith.constant 16 : i32
      %mul3A_59 = arith.muli %scan3A_55, %mul3A_58 : i32
      %swap3A = arith.index_cast %mul3A_59 : i32 to index
      %swap3A_60 = tpu.vector_load %arg6[%swap3A] {strides = array<i32>} : memref<128xf32, #tpu.memory_space<vmem>>, vector<16xf32>,
      %swap3A_61 = vector.shape_cast %swap3A_60 : vector<16xf32> to vector<16xf32>
      %swap3A_62 = vector.shape_cast %broadcast_in_dim3A_57 : vector<16xf32> to vector<16xf32>
      tpu.vector_store %arg6[%swap3A], %swap3A_62 {strides = array<i32>} : memref<128xf32, #tpu.memory_space<vmem>>, vector<16xf32>,
      %scan3A_63 = arith.constant 0 : i32
      scf.yield %scan3A_63 : i32
    }
    %scan3A_19 = arith.constant 8 : i32
    %lt3A_20 = arith.constant 15 : i32
    %lt3A_21 = arith.cmpi slt, %arg1, %lt3A_20 : i32
    %convert_element_type3A_22 = arith.extui %lt3A_21 : i1 to i32
    %cond3A_23 = arith.constant 0 : i32
    %cond3A_24 = arith.cmpi ne, %convert_element_type3A_22, %cond3A_23 : i32
    scf.if %cond3A_24 {
      %mul3A_55 = arith.constant 640 : i32
      %mul3A_56 = arith.muli %arg1, %mul3A_55 : i32
      "tpu.region"() ({
        %run_scoped3A = tpu.sem_alloc : memref<!tpu.dma_semaphore, #tpu.memory_space<semaphore_mem>>
        %dma_start3A = tpu.memref_slice %arg8[%mul3A_56] : memref<10000xf32, #tpu.memory_space<vmem_shared>> -> memref<640xf32, #tpu.memory_space<vmem_shared>>
        %dma_start3A_57 = tpu.memref_slice %arg8[%mul3A_56] : memref<10000xf32, #tpu.memory_space<vmem_shared>> -> memref<640xf32, #tpu.memory_space<vmem_shared>>
        tpu.enqueue_dma source(%arg7 : memref<640xf32, #tpu.memory_space<vmem>>) target(%dma_start3A_57 : memref<640xf32, #tpu.memory_space<vmem_shared>>) target_semaphore(%run_scoped3A : memref<!tpu.dma_semaphore, #tpu.memory_space<semaphore_mem>>)
        %dma_wait3A = tpu.memref_slice %arg8[%mul3A_56] : memref<10000xf32, #tpu.memory_space<vmem_shared>> -> memref<640xf32, #tpu.memory_space<vmem_shared>>
        %dma_wait3A_58 = tpu.memref_slice %arg8[%mul3A_56] : memref<10000xf32, #tpu.memory_space<vmem_shared>> -> memref<640xf32, #tpu.memory_space<vmem_shared>>
        tpu.wait_dma2 semaphore(%run_scoped3A : memref<!tpu.dma_semaphore, #tpu.memory_space<semaphore_mem>>) src(%arg7 : memref<640xf32, #tpu.memory_space<vmem>>) dst(%dma_wait3A_58 : memref<640xf32, #tpu.memory_space<vmem_shared>>)
        tpu.yield
      }) : () -> ()
    } else {
    }
    %eq3A_25 = arith.constant 15 : i32
    %eq3A_26 = arith.cmpi eq, %arg1, %eq3A_25 : i32
    %convert_element_type3A_27 = arith.extui %eq3A_26 : i1 to i32
    %cond3A_28 = arith.constant 0 : i32
    %cond3A_29 = arith.cmpi ne, %convert_element_type3A_27, %cond3A_28 : i32
    scf.if %cond3A_29 {
      "tpu.region"() ({
        %run_scoped3A = tpu.sem_alloc : memref<!tpu.dma_semaphore, #tpu.memory_space<semaphore_mem>>
        %dma_start3A = arith.constant 0 : i32
        %dma_start3A_55 = tpu.memref_slice %arg7[%dma_start3A] : memref<640xf32, #tpu.memory_space<vmem>> -> memref<400xf32, #tpu.memory_space<vmem>>
        %dma_start3A_56 = arith.constant 9600 : i32
        %dma_start3A_57 = tpu.memref_slice %arg8[%dma_start3A_56] : memref<10000xf32, #tpu.memory_space<vmem_shared>> -> memref<400xf32, #tpu.memory_space<vmem_shared>>
        %dma_start3A_58 = arith.constant 9600 : i32
        %dma_start3A_59 = tpu.memref_slice %arg8[%dma_start3A_58] : memref<10000xf32, #tpu.memory_space<vmem_shared>> -> memref<400xf32, #tpu.memory_space<vmem_shared>>
        %dma_start3A_60 = arith.constant 0 : i32
        %dma_start3A_61 = tpu.memref_slice %arg7[%dma_start3A_60] : memref<640xf32, #tpu.memory_space<vmem>> -> memref<400xf32, #tpu.memory_space<vmem>>
        tpu.enqueue_dma source(%dma_start3A_61 : memref<400xf32, #tpu.memory_space<vmem>>) target(%dma_start3A_59 : memref<400xf32, #tpu.memory_space<vmem_shared>>) target_semaphore(%run_scoped3A : memref<!tpu.dma_semaphore, #tpu.memory_space<semaphore_mem>>)
        %dma_wait3A = arith.constant 0 : i32
        %dma_wait3A_62 = tpu.memref_slice %arg7[%dma_wait3A] : memref<640xf32, #tpu.memory_space<vmem>> -> memref<400xf32, #tpu.memory_space<vmem>>
        %dma_wait3A_63 = arith.constant 9600 : i32
        %dma_wait3A_64 = tpu.memref_slice %arg8[%dma_wait3A_63] : memref<10000xf32, #tpu.memory_space<vmem_shared>> -> memref<400xf32, #tpu.memory_space<vmem_shared>>
        %dma_wait3A_65 = arith.constant 9600 : i32
        %dma_wait3A_66 = tpu.memref_slice %arg8[%dma_wait3A_65] : memref<10000xf32, #tpu.memory_space<vmem_shared>> -> memref<400xf32, #tpu.memory_space<vmem_shared>>
        %dma_wait3A_67 = arith.constant 0 : i32
        %dma_wait3A_68 = tpu.memref_slice %arg7[%dma_wait3A_67] : memref<640xf32, #tpu.memory_space<vmem>> -> memref<400xf32, #tpu.memory_space<vmem>>
        tpu.wait_dma2 semaphore(%run_scoped3A : memref<!tpu.dma_semaphore, #tpu.memory_space<semaphore_mem>>) src(%dma_wait3A_68 : memref<400xf32, #tpu.memory_space<vmem>>) dst(%dma_wait3A_66 : memref<400xf32, #tpu.memory_space<vmem_shared>>)
        tpu.yield
      }) : () -> ()
    } else {
    }
    %barrier3A = arith.constant 0 : index
    tpu.barrier barrier_id(%barrier3A)
    %lt3A_30 = arith.constant 31 : i32
    %lt3A_31 = arith.cmpi slt, %add3A, %lt3A_30 : i32
    %jit3A = arith.constant 80 : i32
    %jit3A_32 = arith.constant 20 : i32
    %select_n3A = arith.select %lt3A_31, %jit3A, %jit3A_32 : i32
    %while3A = arith.constant 0 : i32
    %while3A_33 = arith.constant 0 : i32
    %while3A_34 = arith.subi %select_n3A, %while3A : i32
    %while3A_35 = arith.addi %while3A, %while3A_34 : i32
    %while3A_36 = arith.constant 1 : i32
    %while3A_37 = arith.divsi %while3A_34, %while3A_36 : i32
    %while3A_38 = arith.muli %while3A_37, %while3A_36 : i32
    %while3A_39 = arith.addi %while3A, %while3A_38 : i32
    %while3A_40 = arith.constant 1 : i32
    %while3A_41 = scf.for %while3A_55 = %while3A to %while3A_39 step %while3A_40 iter_args(%while3A_56 = %while3A_33) -> (i32)  : i32 {
      "tpu.region"() ({
        %run_scoped3A = tpu.sem_alloc : memref<!tpu.dma_semaphore, #tpu.memory_space<semaphore_mem>>
        %dma_start3A = arith.constant 0 : i32
        %dma_start3A_58 = tpu.memref_slice %arg5[%while3A_55, %dma_start3A] : memref<80x128xi32, #tpu.memory_space<vmem>> -> memref<1x128xi32, #tpu.memory_space<vmem>>
        %dma_start3A_59 = tpu.memref_squeeze %dma_start3A_58 : memref<1x128xi32, #tpu.memory_space<vmem>> -> memref<128xi32, #tpu.memory_space<vmem>>
        %dma_start3A_60 = arith.constant 0 : i32
        %dma_start3A_61 = tpu.memref_slice %arg8[%dma_start3A_60] : memref<10000xf32, #tpu.memory_space<vmem_shared>> -> memref<10000xf32, #tpu.memory_space<vmem_shared>>
        tpu.enqueue_indirect_dma source(%arg6 : memref<128xf32, #tpu.memory_space<vmem>>) target(%dma_start3A_61 : memref<10000xf32, #tpu.memory_space<vmem_shared>>) offsets(%dma_start3A_59 : memref<128xi32, #tpu.memory_space<vmem>>) semaphore(%run_scoped3A : memref<!tpu.dma_semaphore, #tpu.memory_space<semaphore_mem>>) {add = true}
        %dma_wait3A = arith.constant 0 : i32
        %dma_wait3A_62 = tpu.memref_slice %arg5[%while3A_55, %dma_wait3A] : memref<80x128xi32, #tpu.memory_space<vmem>> -> memref<1x128xi32, #tpu.memory_space<vmem>>
        %dma_wait3A_63 = tpu.memref_squeeze %dma_wait3A_62 : memref<1x128xi32, #tpu.memory_space<vmem>> -> memref<128xi32, #tpu.memory_space<vmem>>
        %dma_wait3A_64 = arith.constant 0 : i32
        %dma_wait3A_65 = tpu.memref_slice %arg8[%dma_wait3A_64] : memref<10000xf32, #tpu.memory_space<vmem_shared>> -> memref<10000xf32, #tpu.memory_space<vmem_shared>>
        tpu.wait_indirect_dma semaphore(%run_scoped3A : memref<!tpu.dma_semaphore, #tpu.memory_space<semaphore_mem>>) src(%arg6 : memref<128xf32, #tpu.memory_space<vmem>>) dst(%dma_wait3A_65 : memref<10000xf32, #tpu.memory_space<vmem_shared>>)
        tpu.yield
      }) : () -> ()
      %while3A_57 = arith.constant 0 : i32
      scf.yield %while3A_57 : i32
    }
    %while3A_42 = arith.constant 1 : i32
    %while3A_43 = scf.for %while3A_55 = %while3A_39 to %while3A_35 step %while3A_42 iter_args(%while3A_56 = %while3A_41) -> (i32)  : i32 {
      "tpu.region"() ({
        %run_scoped3A = tpu.sem_alloc : memref<!tpu.dma_semaphore, #tpu.memory_space<semaphore_mem>>
        %dma_start3A = arith.constant 0 : i32
        %dma_start3A_58 = tpu.memref_slice %arg5[%while3A_55, %dma_start3A] : memref<80x128xi32, #tpu.memory_space<vmem>> -> memref<1x128xi32, #tpu.memory_space<vmem>>
        %dma_start3A_59 = tpu.memref_squeeze %dma_start3A_58 : memref<1x128xi32, #tpu.memory_space<vmem>> -> memref<128xi32, #tpu.memory_space<vmem>>
        %dma_start3A_60 = arith.constant 0 : i32
        %dma_start3A_61 = tpu.memref_slice %arg8[%dma_start3A_60] : memref<10000xf32, #tpu.memory_space<vmem_shared>> -> memref<10000xf32, #tpu.memory_space<vmem_shared>>
        tpu.enqueue_indirect_dma source(%arg6 : memref<128xf32, #tpu.memory_space<vmem>>) target(%dma_start3A_61 : memref<10000xf32, #tpu.memory_space<vmem_shared>>) offsets(%dma_start3A_59 : memref<128xi32, #tpu.memory_space<vmem>>) semaphore(%run_scoped3A : memref<!tpu.dma_semaphore, #tpu.memory_space<semaphore_mem>>) {add = true}
        %dma_wait3A = arith.constant 0 : i32
        %dma_wait3A_62 = tpu.memref_slice %arg5[%while3A_55, %dma_wait3A] : memref<80x128xi32, #tpu.memory_space<vmem>> -> memref<1x128xi32, #tpu.memory_space<vmem>>
        %dma_wait3A_63 = tpu.memref_squeeze %dma_wait3A_62 : memref<1x128xi32, #tpu.memory_space<vmem>> -> memref<128xi32, #tpu.memory_space<vmem>>
        %dma_wait3A_64 = arith.constant 0 : i32
        %dma_wait3A_65 = tpu.memref_slice %arg8[%dma_wait3A_64] : memref<10000xf32, #tpu.memory_space<vmem_shared>> -> memref<10000xf32, #tpu.memory_space<vmem_shared>>
        tpu.wait_indirect_dma semaphore(%run_scoped3A : memref<!tpu.dma_semaphore, #tpu.memory_space<semaphore_mem>>) src(%arg6 : memref<128xf32, #tpu.memory_space<vmem>>) dst(%dma_wait3A_65 : memref<10000xf32, #tpu.memory_space<vmem_shared>>)
        tpu.yield
      }) : () -> ()
      %while3A_57 = arith.constant 0 : i32
      scf.yield %while3A_57 : i32
    }
    %barrier3A_44 = arith.constant 0 : index
    tpu.barrier barrier_id(%barrier3A_44)
    %lt3A_45 = arith.constant 15 : i32
    %lt3A_46 = arith.cmpi slt, %arg1, %lt3A_45 : i32
    %convert_element_type3A_47 = arith.extui %lt3A_46 : i1 to i32
    %cond3A_48 = arith.constant 0 : i32
    %cond3A_49 = arith.cmpi ne, %convert_element_type3A_47, %cond3A_48 : i32
    scf.if %cond3A_49 {
      %mul3A_55 = arith.constant 640 : i32
      %mul3A_56 = arith.muli %arg1, %mul3A_55 : i32
      %eq3A_57 = arith.constant 0 : i32
      %eq3A_58 = arith.cmpi eq, %arg0, %eq3A_57 : i32
      %convert_element_type3A_59 = arith.extui %eq3A_58 : i1 to i32
      %cond3A_60 = arith.constant 0 : i32
      %cond3A_61 = arith.cmpi ne, %convert_element_type3A_59, %cond3A_60 : i32
      scf.if %cond3A_61 {
        "tpu.region"() ({
          %run_scoped3A = tpu.sem_alloc : memref<!tpu.dma_semaphore, #tpu.memory_space<semaphore_mem>>
          %dma_start3A = tpu.memref_slice %arg3[%mul3A_56] : memref<10000xf32, #tpu.memory_space<hbm>> -> memref<640xf32, #tpu.memory_space<hbm>>
          %dma_start3A_67 = tpu.memref_slice %arg8[%mul3A_56] : memref<10000xf32, #tpu.memory_space<vmem_shared>> -> memref<640xf32, #tpu.memory_space<vmem_shared>>
          tpu.enqueue_dma source(%dma_start3A_67 : memref<640xf32, #tpu.memory_space<vmem_shared>>) target(%dma_start3A : memref<640xf32, #tpu.memory_space<hbm>>) target_semaphore(%run_scoped3A : memref<!tpu.dma_semaphore, #tpu.memory_space<semaphore_mem>>)
          %dma_wait3A = tpu.memref_slice %arg3[%mul3A_56] : memref<10000xf32, #tpu.memory_space<hbm>> -> memref<640xf32, #tpu.memory_space<hbm>>
          %dma_wait3A_68 = tpu.memref_slice %arg8[%mul3A_56] : memref<10000xf32, #tpu.memory_space<vmem_shared>> -> memref<640xf32, #tpu.memory_space<vmem_shared>>
          tpu.wait_dma2 semaphore(%run_scoped3A : memref<!tpu.dma_semaphore, #tpu.memory_space<semaphore_mem>>) src(%dma_wait3A_68 : memref<640xf32, #tpu.memory_space<vmem_shared>>) dst(%dma_wait3A : memref<640xf32, #tpu.memory_space<hbm>>)
          tpu.yield
        }) : () -> ()
      } else {
      }
      %eq3A_62 = arith.constant 1 : i32
      %eq3A_63 = arith.cmpi eq, %arg0, %eq3A_62 : i32
      %convert_element_type3A_64 = arith.extui %eq3A_63 : i1 to i32
      %cond3A_65 = arith.constant 0 : i32
      %cond3A_66 = arith.cmpi ne, %convert_element_type3A_64, %cond3A_65 : i32
      scf.if %cond3A_66 {
        "tpu.region"() ({
          %run_scoped3A = tpu.sem_alloc : memref<!tpu.dma_semaphore, #tpu.memory_space<semaphore_mem>>
          %dma_start3A = tpu.memref_slice %arg4[%mul3A_56] : memref<10000xf32, #tpu.memory_space<hbm>> -> memref<640xf32, #tpu.memory_space<hbm>>
          %dma_start3A_67 = tpu.memref_slice %arg8[%mul3A_56] : memref<10000xf32, #tpu.memory_space<vmem_shared>> -> memref<640xf32, #tpu.memory_space<vmem_shared>>
          tpu.enqueue_dma source(%dma_start3A_67 : memref<640xf32, #tpu.memory_space<vmem_shared>>) target(%dma_start3A : memref<640xf32, #tpu.memory_space<hbm>>) target_semaphore(%run_scoped3A : memref<!tpu.dma_semaphore, #tpu.memory_space<semaphore_mem>>)
          %dma_wait3A = tpu.memref_slice %arg4[%mul3A_56] : memref<10000xf32, #tpu.memory_space<hbm>> -> memref<640xf32, #tpu.memory_space<hbm>>
          %dma_wait3A_68 = tpu.memref_slice %arg8[%mul3A_56] : memref<10000xf32, #tpu.memory_space<vmem_shared>> -> memref<640xf32, #tpu.memory_space<vmem_shared>>
          tpu.wait_dma2 semaphore(%run_scoped3A : memref<!tpu.dma_semaphore, #tpu.memory_space<semaphore_mem>>) src(%dma_wait3A_68 : memref<640xf32, #tpu.memory_space<vmem_shared>>) dst(%dma_wait3A : memref<640xf32, #tpu.memory_space<hbm>>)
          tpu.yield
        }) : () -> ()
      } else {
      }
    } else {
    }
    %eq3A_50 = arith.constant 15 : i32
    %eq3A_51 = arith.cmpi eq, %arg1, %eq3A_50 : i32
    %convert_element_type3A_52 = arith.extui %eq3A_51 : i1 to i32
    %cond3A_53 = arith.constant 0 : i32
    %cond3A_54 = arith.cmpi ne, %convert_element_type3A_52, %cond3A_53 : i32
    scf.if %cond3A_54 {
      %eq3A_55 = arith.constant 0 : i32
      %eq3A_56 = arith.cmpi eq, %arg0, %eq3A_55 : i32
      %convert_element_type3A_57 = arith.extui %eq3A_56 : i1 to i32
      %cond3A_58 = arith.constant 0 : i32
      %cond3A_59 = arith.cmpi ne, %convert_element_type3A_57, %cond3A_58 : i32
      scf.if %cond3A_59 {
        "tpu.region"() ({
          %run_scoped3A = tpu.sem_alloc : memref<!tpu.dma_semaphore, #tpu.memory_space<semaphore_mem>>
          %dma_start3A = arith.constant 9600 : i32
          %dma_start3A_65 = tpu.memref_slice %arg3[%dma_start3A] : memref<10000xf32, #tpu.memory_space<hbm>> -> memref<400xf32, #tpu.memory_space<hbm>>
          %dma_start3A_66 = arith.constant 9600 : i32
          %dma_start3A_67 = tpu.memref_slice %arg8[%dma_start3A_66] : memref<10000xf32, #tpu.memory_space<vmem_shared>> -> memref<400xf32, #tpu.memory_space<vmem_shared>>
          tpu.enqueue_dma source(%dma_start3A_67 : memref<400xf32, #tpu.memory_space<vmem_shared>>) target(%dma_start3A_65 : memref<400xf32, #tpu.memory_space<hbm>>) target_semaphore(%run_scoped3A : memref<!tpu.dma_semaphore, #tpu.memory_space<semaphore_mem>>)
          %dma_wait3A = arith.constant 9600 : i32
          %dma_wait3A_68 = tpu.memref_slice %arg3[%dma_wait3A] : memref<10000xf32, #tpu.memory_space<hbm>> -> memref<400xf32, #tpu.memory_space<hbm>>
          %dma_wait3A_69 = arith.constant 9600 : i32
          %dma_wait3A_70 = tpu.memref_slice %arg8[%dma_wait3A_69] : memref<10000xf32, #tpu.memory_space<vmem_shared>> -> memref<400xf32, #tpu.memory_space<vmem_shared>>
          tpu.wait_dma2 semaphore(%run_scoped3A : memref<!tpu.dma_semaphore, #tpu.memory_space<semaphore_mem>>) src(%dma_wait3A_70 : memref<400xf32, #tpu.memory_space<vmem_shared>>) dst(%dma_wait3A_68 : memref<400xf32, #tpu.memory_space<hbm>>)
          tpu.yield
        }) : () -> ()
      } else {
      }
      %eq3A_60 = arith.constant 1 : i32
      %eq3A_61 = arith.cmpi eq, %arg0, %eq3A_60 : i32
      %convert_element_type3A_62 = arith.extui %eq3A_61 : i1 to i32
      %cond3A_63 = arith.constant 0 : i32
      %cond3A_64 = arith.cmpi ne, %convert_element_type3A_62, %cond3A_63 : i32
      scf.if %cond3A_64 {
        "tpu.region"() ({
          %run_scoped3A = tpu.sem_alloc : memref<!tpu.dma_semaphore, #tpu.memory_space<semaphore_mem>>
          %dma_start3A = arith.constant 9600 : i32
          %dma_start3A_65 = tpu.memref_slice %arg4[%dma_start3A] : memref<10000xf32, #tpu.memory_space<hbm>> -> memref<400xf32, #tpu.memory_space<hbm>>
          %dma_start3A_66 = arith.constant 9600 : i32
          %dma_start3A_67 = tpu.memref_slice %arg8[%dma_start3A_66] : memref<10000xf32, #tpu.memory_space<vmem_shared>> -> memref<400xf32, #tpu.memory_space<vmem_shared>>
          tpu.enqueue_dma source(%dma_start3A_67 : memref<400xf32, #tpu.memory_space<vmem_shared>>) target(%dma_start3A_65 : memref<400xf32, #tpu.memory_space<hbm>>) target_semaphore(%run_scoped3A : memref<!tpu.dma_semaphore, #tpu.memory_space<semaphore_mem>>)
          %dma_wait3A = arith.constant 9600 : i32
          %dma_wait3A_68 = tpu.memref_slice %arg4[%dma_wait3A] : memref<10000xf32, #tpu.memory_space<hbm>> -> memref<400xf32, #tpu.memory_space<hbm>>
          %dma_wait3A_69 = arith.constant 9600 : i32
          %dma_wait3A_70 = tpu.memref_slice %arg8[%dma_wait3A_69] : memref<10000xf32, #tpu.memory_space<vmem_shared>> -> memref<400xf32, #tpu.memory_space<vmem_shared>>
          tpu.wait_dma2 semaphore(%run_scoped3A : memref<!tpu.dma_semaphore, #tpu.memory_space<semaphore_mem>>) src(%dma_wait3A_70 : memref<400xf32, #tpu.memory_space<vmem_shared>>) dst(%dma_wait3A_68 : memref<400xf32, #tpu.memory_space<hbm>>)
          tpu.yield
        }) : () -> ()
      } else {
      }
    } else {
    }
    return
  }
}

#map = affine_map<(d0, d1) -> (0, 0, 0)>
#map1 = affine_map<(d0, d1) -> (0, 0)>
module attributes {stable_mosaic.version = 14 : i64} {
  func.func @prop(%arg0: i32, %arg1: i32, %arg2: memref<2x2500x128xi32, #tpu.memory_space<hbm>>, %arg3: memref<10000x32xf32, #tpu.memory_space<hbm>>, %arg4: memref<10000x32xf32, #tpu.memory_space<hbm>>, %arg5: memref<10000x32xf32, #tpu.memory_space<hbm>>, %arg6: memref<80x128xi32, #tpu.memory_space<vmem>>, %arg7: memref<80x128xi32, #tpu.memory_space<vmem>>, %arg8: memref<128x32xf32, #tpu.memory_space<vmem>>, %arg9: memref<128x32xf32, #tpu.memory_space<vmem>>, %arg10: memref<10000x32xf32, #tpu.memory_space<vmem_shared>>, %arg11: memref<!tpu.dma_semaphore, #tpu.memory_space<semaphore_mem>>, %arg12: memref<!tpu.dma_semaphore, #tpu.memory_space<semaphore_mem>>, %arg13: memref<!tpu.dma_semaphore, #tpu.memory_space<semaphore_mem>>, %arg14: memref<!tpu.dma_semaphore, #tpu.memory_space<semaphore_mem>>) attributes {dimension_semantics = [#tpu.dimension_semantics<core_parallel>, #tpu.dimension_semantics<subcore_parallel>], iteration_bounds = array<i64: 2, 16>, scalar_prefetch = 0 : i64, scratch_operands = 9 : i64, tpu.core_type = #tpu.core_type<sc_vector_subcore>, window_params = [{transform_indices = #map}, {transform_indices = #map1}, {transform_indices = #map1}, {transform_indices = #map1}]} {
    %mul3A = arith.constant 16 : i32
    %mul3A_0 = arith.muli %arg0, %mul3A : i32
    %add3A = arith.addi %mul3A_0, %arg1 : i32
    %lt3A = arith.constant 31 : i32
    %lt3A_1 = arith.cmpi slt, %add3A, %lt3A : i32
    %convert_element_type3A = arith.extui %lt3A_1 : i1 to i32
    %cond3A = arith.constant 0 : i32
    %cond3A_2 = arith.cmpi ne, %convert_element_type3A, %cond3A : i32
    scf.if %cond3A_2 {
      %mul3A_100 = arith.constant 80 : i32
      %mul3A_101 = arith.muli %mul3A_100, %add3A : i32
      %run_scoped3A = arith.constant 0 : i32
      "tpu.region"() ({
        %run_scoped3A_102 = tpu.sem_alloc : memref<!tpu.dma_semaphore, #tpu.memory_space<semaphore_mem>>
        %dma_start3A_103 = arith.constant 0 : i32
        %dma_start3A_104 = tpu.memref_slice %arg2[%run_scoped3A, %mul3A_101, %dma_start3A_103] : memref<2x2500x128xi32, #tpu.memory_space<hbm>> -> memref<1x80x128xi32, #tpu.memory_space<hbm>>
        %dma_start3A_105 = tpu.memref_squeeze %dma_start3A_104 : memref<1x80x128xi32, #tpu.memory_space<hbm>> -> memref<80x128xi32, #tpu.memory_space<hbm>>
        %dma_start3A_106 = arith.constant 0 : i32
        %dma_start3A_107 = tpu.memref_slice %arg2[%run_scoped3A, %mul3A_101, %dma_start3A_106] : memref<2x2500x128xi32, #tpu.memory_space<hbm>> -> memref<1x80x128xi32, #tpu.memory_space<hbm>>
        %dma_start3A_108 = tpu.memref_squeeze %dma_start3A_107 : memref<1x80x128xi32, #tpu.memory_space<hbm>> -> memref<80x128xi32, #tpu.memory_space<hbm>>
        tpu.enqueue_dma source(%dma_start3A_108 : memref<80x128xi32, #tpu.memory_space<hbm>>) target(%arg6 : memref<80x128xi32, #tpu.memory_space<vmem>>) target_semaphore(%run_scoped3A_102 : memref<!tpu.dma_semaphore, #tpu.memory_space<semaphore_mem>>)
        %dma_wait3A_109 = arith.constant 0 : i32
        %dma_wait3A_110 = tpu.memref_slice %arg2[%run_scoped3A, %mul3A_101, %dma_wait3A_109] : memref<2x2500x128xi32, #tpu.memory_space<hbm>> -> memref<1x80x128xi32, #tpu.memory_space<hbm>>
        %dma_wait3A_111 = tpu.memref_squeeze %dma_wait3A_110 : memref<1x80x128xi32, #tpu.memory_space<hbm>> -> memref<80x128xi32, #tpu.memory_space<hbm>>
        %dma_wait3A_112 = arith.constant 0 : i32
        %dma_wait3A_113 = tpu.memref_slice %arg2[%run_scoped3A, %mul3A_101, %dma_wait3A_112] : memref<2x2500x128xi32, #tpu.memory_space<hbm>> -> memref<1x80x128xi32, #tpu.memory_space<hbm>>
        %dma_wait3A_114 = tpu.memref_squeeze %dma_wait3A_113 : memref<1x80x128xi32, #tpu.memory_space<hbm>> -> memref<80x128xi32, #tpu.memory_space<hbm>>
        tpu.wait_dma2 semaphore(%run_scoped3A_102 : memref<!tpu.dma_semaphore, #tpu.memory_space<semaphore_mem>>) src(%dma_wait3A_114 : memref<80x128xi32, #tpu.memory_space<hbm>>) dst(%arg6 : memref<80x128xi32, #tpu.memory_space<vmem>>)
        tpu.yield
      }) : () -> ()
    } else {
    }
    %eq3A = arith.constant 31 : i32
    %eq3A_3 = arith.cmpi eq, %add3A, %eq3A : i32
    %convert_element_type3A_4 = arith.extui %eq3A_3 : i1 to i32
    %cond3A_5 = arith.constant 0 : i32
    %cond3A_6 = arith.cmpi ne, %convert_element_type3A_4, %cond3A_5 : i32
    scf.if %cond3A_6 {
      %run_scoped3A = arith.constant 0 : i32
      "tpu.region"() ({
        %run_scoped3A_100 = tpu.sem_alloc : memref<!tpu.dma_semaphore, #tpu.memory_space<semaphore_mem>>
        %dma_start3A_101 = arith.constant 0 : i32
        %dma_start3A_102 = arith.constant 0 : i32
        %dma_start3A_103 = tpu.memref_slice %arg6[%dma_start3A_101, %dma_start3A_102] : memref<80x128xi32, #tpu.memory_space<vmem>> -> memref<20x128xi32, #tpu.memory_space<vmem>>
        %dma_start3A_104 = arith.constant 2480 : i32
        %dma_start3A_105 = arith.constant 0 : i32
        %dma_start3A_106 = tpu.memref_slice %arg2[%run_scoped3A, %dma_start3A_104, %dma_start3A_105] : memref<2x2500x128xi32, #tpu.memory_space<hbm>> -> memref<1x20x128xi32, #tpu.memory_space<hbm>>
        %dma_start3A_107 = tpu.memref_squeeze %dma_start3A_106 : memref<1x20x128xi32, #tpu.memory_space<hbm>> -> memref<20x128xi32, #tpu.memory_space<hbm>>
        %dma_start3A_108 = arith.constant 0 : i32
        %dma_start3A_109 = arith.constant 0 : i32
        %dma_start3A_110 = tpu.memref_slice %arg6[%dma_start3A_108, %dma_start3A_109] : memref<80x128xi32, #tpu.memory_space<vmem>> -> memref<20x128xi32, #tpu.memory_space<vmem>>
        %dma_start3A_111 = arith.constant 2480 : i32
        %dma_start3A_112 = arith.constant 0 : i32
        %dma_start3A_113 = tpu.memref_slice %arg2[%run_scoped3A, %dma_start3A_111, %dma_start3A_112] : memref<2x2500x128xi32, #tpu.memory_space<hbm>> -> memref<1x20x128xi32, #tpu.memory_space<hbm>>
        %dma_start3A_114 = tpu.memref_squeeze %dma_start3A_113 : memref<1x20x128xi32, #tpu.memory_space<hbm>> -> memref<20x128xi32, #tpu.memory_space<hbm>>
        tpu.enqueue_dma source(%dma_start3A_114 : memref<20x128xi32, #tpu.memory_space<hbm>>) target(%dma_start3A_110 : memref<20x128xi32, #tpu.memory_space<vmem>>) target_semaphore(%run_scoped3A_100 : memref<!tpu.dma_semaphore, #tpu.memory_space<semaphore_mem>>)
        %dma_wait3A_115 = arith.constant 0 : i32
        %dma_wait3A_116 = arith.constant 0 : i32
        %dma_wait3A_117 = tpu.memref_slice %arg6[%dma_wait3A_115, %dma_wait3A_116] : memref<80x128xi32, #tpu.memory_space<vmem>> -> memref<20x128xi32, #tpu.memory_space<vmem>>
        %dma_wait3A_118 = arith.constant 2480 : i32
        %dma_wait3A_119 = arith.constant 0 : i32
        %dma_wait3A_120 = tpu.memref_slice %arg2[%run_scoped3A, %dma_wait3A_118, %dma_wait3A_119] : memref<2x2500x128xi32, #tpu.memory_space<hbm>> -> memref<1x20x128xi32, #tpu.memory_space<hbm>>
        %dma_wait3A_121 = tpu.memref_squeeze %dma_wait3A_120 : memref<1x20x128xi32, #tpu.memory_space<hbm>> -> memref<20x128xi32, #tpu.memory_space<hbm>>
        %dma_wait3A_122 = arith.constant 0 : i32
        %dma_wait3A_123 = arith.constant 0 : i32
        %dma_wait3A_124 = tpu.memref_slice %arg6[%dma_wait3A_122, %dma_wait3A_123] : memref<80x128xi32, #tpu.memory_space<vmem>> -> memref<20x128xi32, #tpu.memory_space<vmem>>
        %dma_wait3A_125 = arith.constant 2480 : i32
        %dma_wait3A_126 = arith.constant 0 : i32
        %dma_wait3A_127 = tpu.memref_slice %arg2[%run_scoped3A, %dma_wait3A_125, %dma_wait3A_126] : memref<2x2500x128xi32, #tpu.memory_space<hbm>> -> memref<1x20x128xi32, #tpu.memory_space<hbm>>
        %dma_wait3A_128 = tpu.memref_squeeze %dma_wait3A_127 : memref<1x20x128xi32, #tpu.memory_space<hbm>> -> memref<20x128xi32, #tpu.memory_space<hbm>>
        tpu.wait_dma2 semaphore(%run_scoped3A_100 : memref<!tpu.dma_semaphore, #tpu.memory_space<semaphore_mem>>) src(%dma_wait3A_128 : memref<20x128xi32, #tpu.memory_space<hbm>>) dst(%dma_wait3A_124 : memref<20x128xi32, #tpu.memory_space<vmem>>)
        tpu.yield
      }) : () -> ()
    } else {
    }
    %lt3A_7 = arith.constant 31 : i32
    %lt3A_8 = arith.cmpi slt, %add3A, %lt3A_7 : i32
    %convert_element_type3A_9 = arith.extui %lt3A_8 : i1 to i32
    %cond3A_10 = arith.constant 0 : i32
    %cond3A_11 = arith.cmpi ne, %convert_element_type3A_9, %cond3A_10 : i32
    scf.if %cond3A_11 {
      %mul3A_100 = arith.constant 80 : i32
      %mul3A_101 = arith.muli %mul3A_100, %add3A : i32
      %run_scoped3A = arith.constant 1 : i32
      "tpu.region"() ({
        %run_scoped3A_102 = tpu.sem_alloc : memref<!tpu.dma_semaphore, #tpu.memory_space<semaphore_mem>>
        %dma_start3A_103 = arith.constant 0 : i32
        %dma_start3A_104 = tpu.memref_slice %arg2[%run_scoped3A, %mul3A_101, %dma_start3A_103] : memref<2x2500x128xi32, #tpu.memory_space<hbm>> -> memref<1x80x128xi32, #tpu.memory_space<hbm>>
        %dma_start3A_105 = tpu.memref_squeeze %dma_start3A_104 : memref<1x80x128xi32, #tpu.memory_space<hbm>> -> memref<80x128xi32, #tpu.memory_space<hbm>>
        %dma_start3A_106 = arith.constant 0 : i32
        %dma_start3A_107 = tpu.memref_slice %arg2[%run_scoped3A, %mul3A_101, %dma_start3A_106] : memref<2x2500x128xi32, #tpu.memory_space<hbm>> -> memref<1x80x128xi32, #tpu.memory_space<hbm>>
        %dma_start3A_108 = tpu.memref_squeeze %dma_start3A_107 : memref<1x80x128xi32, #tpu.memory_space<hbm>> -> memref<80x128xi32, #tpu.memory_space<hbm>>
        tpu.enqueue_dma source(%dma_start3A_108 : memref<80x128xi32, #tpu.memory_space<hbm>>) target(%arg7 : memref<80x128xi32, #tpu.memory_space<vmem>>) target_semaphore(%run_scoped3A_102 : memref<!tpu.dma_semaphore, #tpu.memory_space<semaphore_mem>>)
        %dma_wait3A_109 = arith.constant 0 : i32
        %dma_wait3A_110 = tpu.memref_slice %arg2[%run_scoped3A, %mul3A_101, %dma_wait3A_109] : memref<2x2500x128xi32, #tpu.memory_space<hbm>> -> memref<1x80x128xi32, #tpu.memory_space<hbm>>
        %dma_wait3A_111 = tpu.memref_squeeze %dma_wait3A_110 : memref<1x80x128xi32, #tpu.memory_space<hbm>> -> memref<80x128xi32, #tpu.memory_space<hbm>>
        %dma_wait3A_112 = arith.constant 0 : i32
        %dma_wait3A_113 = tpu.memref_slice %arg2[%run_scoped3A, %mul3A_101, %dma_wait3A_112] : memref<2x2500x128xi32, #tpu.memory_space<hbm>> -> memref<1x80x128xi32, #tpu.memory_space<hbm>>
        %dma_wait3A_114 = tpu.memref_squeeze %dma_wait3A_113 : memref<1x80x128xi32, #tpu.memory_space<hbm>> -> memref<80x128xi32, #tpu.memory_space<hbm>>
        tpu.wait_dma2 semaphore(%run_scoped3A_102 : memref<!tpu.dma_semaphore, #tpu.memory_space<semaphore_mem>>) src(%dma_wait3A_114 : memref<80x128xi32, #tpu.memory_space<hbm>>) dst(%arg7 : memref<80x128xi32, #tpu.memory_space<vmem>>)
        tpu.yield
      }) : () -> ()
    } else {
    }
    %eq3A_12 = arith.constant 31 : i32
    %eq3A_13 = arith.cmpi eq, %add3A, %eq3A_12 : i32
    %convert_element_type3A_14 = arith.extui %eq3A_13 : i1 to i32
    %cond3A_15 = arith.constant 0 : i32
    %cond3A_16 = arith.cmpi ne, %convert_element_type3A_14, %cond3A_15 : i32
    scf.if %cond3A_16 {
      %run_scoped3A = arith.constant 1 : i32
      "tpu.region"() ({
        %run_scoped3A_100 = tpu.sem_alloc : memref<!tpu.dma_semaphore, #tpu.memory_space<semaphore_mem>>
        %dma_start3A_101 = arith.constant 0 : i32
        %dma_start3A_102 = arith.constant 0 : i32
        %dma_start3A_103 = tpu.memref_slice %arg7[%dma_start3A_101, %dma_start3A_102] : memref<80x128xi32, #tpu.memory_space<vmem>> -> memref<20x128xi32, #tpu.memory_space<vmem>>
        %dma_start3A_104 = arith.constant 2480 : i32
        %dma_start3A_105 = arith.constant 0 : i32
        %dma_start3A_106 = tpu.memref_slice %arg2[%run_scoped3A, %dma_start3A_104, %dma_start3A_105] : memref<2x2500x128xi32, #tpu.memory_space<hbm>> -> memref<1x20x128xi32, #tpu.memory_space<hbm>>
        %dma_start3A_107 = tpu.memref_squeeze %dma_start3A_106 : memref<1x20x128xi32, #tpu.memory_space<hbm>> -> memref<20x128xi32, #tpu.memory_space<hbm>>
        %dma_start3A_108 = arith.constant 0 : i32
        %dma_start3A_109 = arith.constant 0 : i32
        %dma_start3A_110 = tpu.memref_slice %arg7[%dma_start3A_108, %dma_start3A_109] : memref<80x128xi32, #tpu.memory_space<vmem>> -> memref<20x128xi32, #tpu.memory_space<vmem>>
        %dma_start3A_111 = arith.constant 2480 : i32
        %dma_start3A_112 = arith.constant 0 : i32
        %dma_start3A_113 = tpu.memref_slice %arg2[%run_scoped3A, %dma_start3A_111, %dma_start3A_112] : memref<2x2500x128xi32, #tpu.memory_space<hbm>> -> memref<1x20x128xi32, #tpu.memory_space<hbm>>
        %dma_start3A_114 = tpu.memref_squeeze %dma_start3A_113 : memref<1x20x128xi32, #tpu.memory_space<hbm>> -> memref<20x128xi32, #tpu.memory_space<hbm>>
        tpu.enqueue_dma source(%dma_start3A_114 : memref<20x128xi32, #tpu.memory_space<hbm>>) target(%dma_start3A_110 : memref<20x128xi32, #tpu.memory_space<vmem>>) target_semaphore(%run_scoped3A_100 : memref<!tpu.dma_semaphore, #tpu.memory_space<semaphore_mem>>)
        %dma_wait3A_115 = arith.constant 0 : i32
        %dma_wait3A_116 = arith.constant 0 : i32
        %dma_wait3A_117 = tpu.memref_slice %arg7[%dma_wait3A_115, %dma_wait3A_116] : memref<80x128xi32, #tpu.memory_space<vmem>> -> memref<20x128xi32, #tpu.memory_space<vmem>>
        %dma_wait3A_118 = arith.constant 2480 : i32
        %dma_wait3A_119 = arith.constant 0 : i32
        %dma_wait3A_120 = tpu.memref_slice %arg2[%run_scoped3A, %dma_wait3A_118, %dma_wait3A_119] : memref<2x2500x128xi32, #tpu.memory_space<hbm>> -> memref<1x20x128xi32, #tpu.memory_space<hbm>>
        %dma_wait3A_121 = tpu.memref_squeeze %dma_wait3A_120 : memref<1x20x128xi32, #tpu.memory_space<hbm>> -> memref<20x128xi32, #tpu.memory_space<hbm>>
        %dma_wait3A_122 = arith.constant 0 : i32
        %dma_wait3A_123 = arith.constant 0 : i32
        %dma_wait3A_124 = tpu.memref_slice %arg7[%dma_wait3A_122, %dma_wait3A_123] : memref<80x128xi32, #tpu.memory_space<vmem>> -> memref<20x128xi32, #tpu.memory_space<vmem>>
        %dma_wait3A_125 = arith.constant 2480 : i32
        %dma_wait3A_126 = arith.constant 0 : i32
        %dma_wait3A_127 = tpu.memref_slice %arg2[%run_scoped3A, %dma_wait3A_125, %dma_wait3A_126] : memref<2x2500x128xi32, #tpu.memory_space<hbm>> -> memref<1x20x128xi32, #tpu.memory_space<hbm>>
        %dma_wait3A_128 = tpu.memref_squeeze %dma_wait3A_127 : memref<1x20x128xi32, #tpu.memory_space<hbm>> -> memref<20x128xi32, #tpu.memory_space<hbm>>
        tpu.wait_dma2 semaphore(%run_scoped3A_100 : memref<!tpu.dma_semaphore, #tpu.memory_space<semaphore_mem>>) src(%dma_wait3A_128 : memref<20x128xi32, #tpu.memory_space<hbm>>) dst(%dma_wait3A_124 : memref<20x128xi32, #tpu.memory_space<vmem>>)
        tpu.yield
      }) : () -> ()
    } else {
    }
    %scan3A = arith.constant 0 : i32
    %scan3A_17 = arith.constant 0 : i32
    %scan3A_18 = arith.constant 256 : i32
    %scan3A_19 = arith.addi %scan3A_17, %scan3A_18 : i32
    %scan3A_20 = arith.constant 1 : i32
    %scan3A_21 = scf.for %scan3A_100 = %scan3A_17 to %scan3A_19 step %scan3A_20 iter_args(%scan3A_101 = %scan3A) -> (i32)  : i32 {
      %jit3A_102 = arith.constant 2 : i32
      %div3A_103 = arith.divsi %scan3A_100, %jit3A_102 : i32
      %sign3A_104 = arith.constant 0 : i32
      %sign3A_105 = arith.cmpi sgt, %scan3A_100, %sign3A_104 : i32
      %sign3A_106 = arith.extui %sign3A_105 : i1 to i32
      %sign3A_107 = arith.constant 0 : i32
      %sign3A_108 = arith.cmpi slt, %scan3A_100, %sign3A_107 : i32
      %sign3A_109 = arith.extui %sign3A_108 : i1 to i32
      %sign3A_110 = arith.subi %sign3A_106, %sign3A_109 : i32
      %sign3A_111 = arith.constant 0 : i32
      %sign3A_112 = arith.cmpi sgt, %jit3A_102, %sign3A_111 : i32
      %sign3A_113 = arith.extui %sign3A_112 : i1 to i32
      %sign3A_114 = arith.constant 0 : i32
      %sign3A_115 = arith.cmpi slt, %jit3A_102, %sign3A_114 : i32
      %sign3A_116 = arith.extui %sign3A_115 : i1 to i32
      %sign3A_117 = arith.subi %sign3A_113, %sign3A_116 : i32
      %ne3A_118 = arith.cmpi ne, %sign3A_110, %sign3A_117 : i32
      %rem3A_119 = arith.remsi %scan3A_100, %jit3A_102 : i32
      %ne3A_120 = arith.constant 0 : i32
      %ne3A_121 = arith.cmpi ne, %rem3A_119, %ne3A_120 : i32
      %and3A_122 = arith.andi %ne3A_118, %ne3A_121 : i1
      %sub3A_123 = arith.constant 1 : i32
      %sub3A_124 = arith.subi %div3A_103, %sub3A_123 : i32
      %select_n3A_125 = arith.select %and3A_122, %sub3A_124, %div3A_103 : i32
      %jit3A_126 = arith.constant 2 : i32
      %eq3A_127 = arith.constant 0 : i32
      %eq3A_128 = arith.cmpi eq, %jit3A_126, %eq3A_127 : i32
      %jit3A_129 = arith.constant 1 : i32
      %select_n3A_130 = arith.select %eq3A_128, %jit3A_129, %jit3A_126 : i32
      %rem3A_131 = arith.remsi %scan3A_100, %select_n3A_130 : i32
      %ne3A_132 = arith.constant 0 : i32
      %ne3A_133 = arith.cmpi ne, %rem3A_131, %ne3A_132 : i32
      %lt3A_134 = arith.constant 0 : i32
      %lt3A_135 = arith.cmpi slt, %rem3A_131, %lt3A_134 : i32
      %lt3A_136 = arith.constant 0 : i32
      %lt3A_137 = arith.cmpi slt, %select_n3A_130, %lt3A_136 : i32
      %ne3A_138 = arith.xori %lt3A_135, %lt3A_137 : i1
      %and3A_139 = arith.andi %ne3A_138, %ne3A_133 : i1
      %add3A_140 = arith.addi %rem3A_131, %select_n3A_130 : i32
      %select_n3A_141 = arith.select %and3A_139, %add3A_140, %rem3A_131 : i32
      %mul3A_142 = arith.constant 16 : i32
      %mul3A_143 = arith.muli %select_n3A_141, %mul3A_142 : i32
      %broadcast_in_dim3A = arith.constant 0.000000e+00 : f32
      %broadcast_in_dim3A_144 = vector.broadcast %broadcast_in_dim3A : f32 to vector<16xf32>
      %swap3A = arith.index_cast %select_n3A_125 : i32 to index
      %swap3A_145 = arith.index_cast %mul3A_143 : i32 to index
      %swap3A_146 = tpu.vector_load %arg8[%swap3A, %swap3A_145] {strides = array<i32>} : memref<128x32xf32, #tpu.memory_space<vmem>>, vector<1x16xf32>,
      %swap3A_147 = vector.shape_cast %swap3A_146 : vector<1x16xf32> to vector<16xf32>
      %swap3A_148 = vector.shape_cast %broadcast_in_dim3A_144 : vector<16xf32> to vector<1x16xf32>
      tpu.vector_store %arg8[%swap3A, %swap3A_145], %swap3A_148 {strides = array<i32>} : memref<128x32xf32, #tpu.memory_space<vmem>>, vector<1x16xf32>,
      %scan3A_149 = arith.constant 0 : i32
      scf.yield %scan3A_149 : i32
    }
    %scan3A_22 = arith.constant 256 : i32
    %lt3A_23 = arith.constant 15 : i32
    %lt3A_24 = arith.cmpi slt, %arg1, %lt3A_23 : i32
    %jit3A = arith.constant 5 : i32
    %jit3A_25 = arith.constant 3 : i32
    %select_n3A = arith.select %lt3A_24, %jit3A, %jit3A_25 : i32
    %while3A = arith.constant 0 : i32
    %while3A_26 = arith.constant 0 : i32
    %while3A_27 = arith.subi %select_n3A, %while3A : i32
    %while3A_28 = arith.addi %while3A, %while3A_27 : i32
    %while3A_29 = arith.constant 1 : i32
    %while3A_30 = arith.divsi %while3A_27, %while3A_29 : i32
    %while3A_31 = arith.muli %while3A_30, %while3A_29 : i32
    %while3A_32 = arith.addi %while3A, %while3A_31 : i32
    %while3A_33 = arith.constant 1 : i32
    %while3A_34 = scf.for %while3A_100 = %while3A to %while3A_32 step %while3A_33 iter_args(%while3A_101 = %while3A_26) -> (i32)  : i32 {
      %mul3A_102 = arith.constant 640 : i32
      %mul3A_103 = arith.muli %arg1, %mul3A_102 : i32
      %mul3A_104 = arith.constant 128 : i32
      %mul3A_105 = arith.muli %while3A_100, %mul3A_104 : i32
      %add3A_106 = arith.addi %mul3A_103, %mul3A_105 : i32
      "tpu.region"() ({
        %run_scoped3A = tpu.sem_alloc : memref<!tpu.dma_semaphore, #tpu.memory_space<semaphore_mem>>
        %dma_start3A_108 = arith.constant 0 : i32
        %dma_start3A_109 = tpu.memref_slice %arg10[%add3A_106, %dma_start3A_108] : memref<10000x32xf32, #tpu.memory_space<vmem_shared>> -> memref<128x32xf32, #tpu.memory_space<vmem_shared>>
        %dma_start3A_110 = arith.constant 0 : i32
        %dma_start3A_111 = tpu.memref_slice %arg10[%add3A_106, %dma_start3A_110] : memref<10000x32xf32, #tpu.memory_space<vmem_shared>> -> memref<128x32xf32, #tpu.memory_space<vmem_shared>>
        tpu.enqueue_dma source(%arg8 : memref<128x32xf32, #tpu.memory_space<vmem>>) target(%dma_start3A_111 : memref<128x32xf32, #tpu.memory_space<vmem_shared>>) target_semaphore(%run_scoped3A : memref<!tpu.dma_semaphore, #tpu.memory_space<semaphore_mem>>)
        %dma_wait3A_112 = arith.constant 0 : i32
        %dma_wait3A_113 = tpu.memref_slice %arg10[%add3A_106, %dma_wait3A_112] : memref<10000x32xf32, #tpu.memory_space<vmem_shared>> -> memref<128x32xf32, #tpu.memory_space<vmem_shared>>
        %dma_wait3A_114 = arith.constant 0 : i32
        %dma_wait3A_115 = tpu.memref_slice %arg10[%add3A_106, %dma_wait3A_114] : memref<10000x32xf32, #tpu.memory_space<vmem_shared>> -> memref<128x32xf32, #tpu.memory_space<vmem_shared>>
        tpu.wait_dma2 semaphore(%run_scoped3A : memref<!tpu.dma_semaphore, #tpu.memory_space<semaphore_mem>>) src(%arg8 : memref<128x32xf32, #tpu.memory_space<vmem>>) dst(%dma_wait3A_115 : memref<128x32xf32, #tpu.memory_space<vmem_shared>>)
        tpu.yield
      }) : () -> ()
      %while3A_107 = arith.constant 0 : i32
      scf.yield %while3A_107 : i32
    }
    %while3A_35 = arith.constant 1 : i32
    %while3A_36 = scf.for %while3A_100 = %while3A_32 to %while3A_28 step %while3A_35 iter_args(%while3A_101 = %while3A_34) -> (i32)  : i32 {
      %mul3A_102 = arith.constant 640 : i32
      %mul3A_103 = arith.muli %arg1, %mul3A_102 : i32
      %mul3A_104 = arith.constant 128 : i32
      %mul3A_105 = arith.muli %while3A_100, %mul3A_104 : i32
      %add3A_106 = arith.addi %mul3A_103, %mul3A_105 : i32
      "tpu.region"() ({
        %run_scoped3A = tpu.sem_alloc : memref<!tpu.dma_semaphore, #tpu.memory_space<semaphore_mem>>
        %dma_start3A_108 = arith.constant 0 : i32
        %dma_start3A_109 = tpu.memref_slice %arg10[%add3A_106, %dma_start3A_108] : memref<10000x32xf32, #tpu.memory_space<vmem_shared>> -> memref<128x32xf32, #tpu.memory_space<vmem_shared>>
        %dma_start3A_110 = arith.constant 0 : i32
        %dma_start3A_111 = tpu.memref_slice %arg10[%add3A_106, %dma_start3A_110] : memref<10000x32xf32, #tpu.memory_space<vmem_shared>> -> memref<128x32xf32, #tpu.memory_space<vmem_shared>>
        tpu.enqueue_dma source(%arg8 : memref<128x32xf32, #tpu.memory_space<vmem>>) target(%dma_start3A_111 : memref<128x32xf32, #tpu.memory_space<vmem_shared>>) target_semaphore(%run_scoped3A : memref<!tpu.dma_semaphore, #tpu.memory_space<semaphore_mem>>)
        %dma_wait3A_112 = arith.constant 0 : i32
        %dma_wait3A_113 = tpu.memref_slice %arg10[%add3A_106, %dma_wait3A_112] : memref<10000x32xf32, #tpu.memory_space<vmem_shared>> -> memref<128x32xf32, #tpu.memory_space<vmem_shared>>
        %dma_wait3A_114 = arith.constant 0 : i32
        %dma_wait3A_115 = tpu.memref_slice %arg10[%add3A_106, %dma_wait3A_114] : memref<10000x32xf32, #tpu.memory_space<vmem_shared>> -> memref<128x32xf32, #tpu.memory_space<vmem_shared>>
        tpu.wait_dma2 semaphore(%run_scoped3A : memref<!tpu.dma_semaphore, #tpu.memory_space<semaphore_mem>>) src(%arg8 : memref<128x32xf32, #tpu.memory_space<vmem>>) dst(%dma_wait3A_115 : memref<128x32xf32, #tpu.memory_space<vmem_shared>>)
        tpu.yield
      }) : () -> ()
      %while3A_107 = arith.constant 0 : i32
      scf.yield %while3A_107 : i32
    }
    %eq3A_37 = arith.constant 15 : i32
    %eq3A_38 = arith.cmpi eq, %arg1, %eq3A_37 : i32
    %convert_element_type3A_39 = arith.extui %eq3A_38 : i1 to i32
    %cond3A_40 = arith.constant 0 : i32
    %cond3A_41 = arith.cmpi ne, %convert_element_type3A_39, %cond3A_40 : i32
    scf.if %cond3A_41 {
      "tpu.region"() ({
        %run_scoped3A = tpu.sem_alloc : memref<!tpu.dma_semaphore, #tpu.memory_space<semaphore_mem>>
        %dma_start3A_100 = arith.constant 0 : i32
        %dma_start3A_101 = arith.constant 0 : i32
        %dma_start3A_102 = tpu.memref_slice %arg8[%dma_start3A_100, %dma_start3A_101] : memref<128x32xf32, #tpu.memory_space<vmem>> -> memref<16x32xf32, #tpu.memory_space<vmem>>
        %dma_start3A_103 = arith.constant 9984 : i32
        %dma_start3A_104 = arith.constant 0 : i32
        %dma_start3A_105 = tpu.memref_slice %arg10[%dma_start3A_103, %dma_start3A_104] : memref<10000x32xf32, #tpu.memory_space<vmem_shared>> -> memref<16x32xf32, #tpu.memory_space<vmem_shared>>
        %dma_start3A_106 = arith.constant 9984 : i32
        %dma_start3A_107 = arith.constant 0 : i32
        %dma_start3A_108 = tpu.memref_slice %arg10[%dma_start3A_106, %dma_start3A_107] : memref<10000x32xf32, #tpu.memory_space<vmem_shared>> -> memref<16x32xf32, #tpu.memory_space<vmem_shared>>
        %dma_start3A_109 = arith.constant 0 : i32
        %dma_start3A_110 = arith.constant 0 : i32
        %dma_start3A_111 = tpu.memref_slice %arg8[%dma_start3A_109, %dma_start3A_110] : memref<128x32xf32, #tpu.memory_space<vmem>> -> memref<16x32xf32, #tpu.memory_space<vmem>>
        tpu.enqueue_dma source(%dma_start3A_111 : memref<16x32xf32, #tpu.memory_space<vmem>>) target(%dma_start3A_108 : memref<16x32xf32, #tpu.memory_space<vmem_shared>>) target_semaphore(%run_scoped3A : memref<!tpu.dma_semaphore, #tpu.memory_space<semaphore_mem>>)
        %dma_wait3A_112 = arith.constant 0 : i32
        %dma_wait3A_113 = arith.constant 0 : i32
        %dma_wait3A_114 = tpu.memref_slice %arg8[%dma_wait3A_112, %dma_wait3A_113] : memref<128x32xf32, #tpu.memory_space<vmem>> -> memref<16x32xf32, #tpu.memory_space<vmem>>
        %dma_wait3A_115 = arith.constant 9984 : i32
        %dma_wait3A_116 = arith.constant 0 : i32
        %dma_wait3A_117 = tpu.memref_slice %arg10[%dma_wait3A_115, %dma_wait3A_116] : memref<10000x32xf32, #tpu.memory_space<vmem_shared>> -> memref<16x32xf32, #tpu.memory_space<vmem_shared>>
        %dma_wait3A_118 = arith.constant 9984 : i32
        %dma_wait3A_119 = arith.constant 0 : i32
        %dma_wait3A_120 = tpu.memref_slice %arg10[%dma_wait3A_118, %dma_wait3A_119] : memref<10000x32xf32, #tpu.memory_space<vmem_shared>> -> memref<16x32xf32, #tpu.memory_space<vmem_shared>>
        %dma_wait3A_121 = arith.constant 0 : i32
        %dma_wait3A_122 = arith.constant 0 : i32
        %dma_wait3A_123 = tpu.memref_slice %arg8[%dma_wait3A_121, %dma_wait3A_122] : memref<128x32xf32, #tpu.memory_space<vmem>> -> memref<16x32xf32, #tpu.memory_space<vmem>>
        tpu.wait_dma2 semaphore(%run_scoped3A : memref<!tpu.dma_semaphore, #tpu.memory_space<semaphore_mem>>) src(%dma_wait3A_123 : memref<16x32xf32, #tpu.memory_space<vmem>>) dst(%dma_wait3A_120 : memref<16x32xf32, #tpu.memory_space<vmem_shared>>)
        tpu.yield
      }) : () -> ()
    } else {
    }
    %barrier3A = arith.constant 0 : index
    tpu.barrier barrier_id(%barrier3A)
    %lt3A_42 = arith.constant 31 : i32
    %lt3A_43 = arith.cmpi slt, %add3A, %lt3A_42 : i32
    %jit3A_44 = arith.constant 80 : i32
    %jit3A_45 = arith.constant 20 : i32
    %select_n3A_46 = arith.select %lt3A_43, %jit3A_44, %jit3A_45 : i32
    %jit3A_47 = arith.constant 2 : i32
    %div3A = arith.divsi %select_n3A_46, %jit3A_47 : i32
    %sign3A = arith.constant 0 : i32
    %sign3A_48 = arith.cmpi sgt, %select_n3A_46, %sign3A : i32
    %sign3A_49 = arith.extui %sign3A_48 : i1 to i32
    %sign3A_50 = arith.constant 0 : i32
    %sign3A_51 = arith.cmpi slt, %select_n3A_46, %sign3A_50 : i32
    %sign3A_52 = arith.extui %sign3A_51 : i1 to i32
    %sign3A_53 = arith.subi %sign3A_49, %sign3A_52 : i32
    %sign3A_54 = arith.constant 0 : i32
    %sign3A_55 = arith.cmpi sgt, %jit3A_47, %sign3A_54 : i32
    %sign3A_56 = arith.extui %sign3A_55 : i1 to i32
    %sign3A_57 = arith.constant 0 : i32
    %sign3A_58 = arith.cmpi slt, %jit3A_47, %sign3A_57 : i32
    %sign3A_59 = arith.extui %sign3A_58 : i1 to i32
    %sign3A_60 = arith.subi %sign3A_56, %sign3A_59 : i32
    %ne3A = arith.cmpi ne, %sign3A_53, %sign3A_60 : i32
    %rem3A = arith.remsi %select_n3A_46, %jit3A_47 : i32
    %ne3A_61 = arith.constant 0 : i32
    %ne3A_62 = arith.cmpi ne, %rem3A, %ne3A_61 : i32
    %and3A = arith.andi %ne3A, %ne3A_62 : i1
    %sub3A = arith.constant 1 : i32
    %sub3A_63 = arith.subi %div3A, %sub3A : i32
    %select_n3A_64 = arith.select %and3A, %sub3A_63, %div3A : i32
    %dma_start3A = arith.constant 0 : i32
    %dma_start3A_65 = arith.constant 0 : i32
    %dma_start3A_66 = tpu.memref_slice %arg6[%dma_start3A, %dma_start3A_65] : memref<80x128xi32, #tpu.memory_space<vmem>> -> memref<1x128xi32, #tpu.memory_space<vmem>>
    %dma_start3A_67 = tpu.memref_squeeze %dma_start3A_66 : memref<1x128xi32, #tpu.memory_space<vmem>> -> memref<128xi32, #tpu.memory_space<vmem>>
    %dma_start3A_68 = arith.constant 0 : i32
    %dma_start3A_69 = arith.constant 0 : i32
    %dma_start3A_70 = tpu.memref_slice %arg3[%dma_start3A_68, %dma_start3A_69] : memref<10000x32xf32, #tpu.memory_space<hbm>> -> memref<10000x32xf32, #tpu.memory_space<hbm>>
    tpu.enqueue_indirect_dma source(%dma_start3A_70 : memref<10000x32xf32, #tpu.memory_space<hbm>>) target(%arg8 : memref<128x32xf32, #tpu.memory_space<vmem>>) offsets(%dma_start3A_67 : memref<128xi32, #tpu.memory_space<vmem>>) semaphore(%arg11 : memref<!tpu.dma_semaphore, #tpu.memory_space<semaphore_mem>>)
    %while3A_71 = arith.constant 0 : i32
    %while3A_72 = arith.constant 0 : i32
    %while3A_73 = arith.subi %select_n3A_64, %while3A_71 : i32
    %while3A_74 = arith.addi %while3A_71, %while3A_73 : i32
    %while3A_75 = arith.constant 1 : i32
    %while3A_76 = arith.divsi %while3A_73, %while3A_75 : i32
    %while3A_77 = arith.muli %while3A_76, %while3A_75 : i32
    %while3A_78 = arith.addi %while3A_71, %while3A_77 : i32
    %while3A_79 = arith.constant 1 : i32
    %while3A_80 = scf.for %while3A_100 = %while3A_71 to %while3A_78 step %while3A_79 iter_args(%while3A_101 = %while3A_72) -> (i32)  : i32 {
      %mul3A_102 = arith.constant 2 : i32
      %mul3A_103 = arith.muli %mul3A_102, %while3A_100 : i32
      %add3A_104 = arith.constant 1 : i32
      %add3A_105 = arith.addi %mul3A_103, %add3A_104 : i32
      %dma_wait3A_106 = arith.constant 0 : i32
      %dma_wait3A_107 = tpu.memref_slice %arg6[%mul3A_103, %dma_wait3A_106] : memref<80x128xi32, #tpu.memory_space<vmem>> -> memref<1x128xi32, #tpu.memory_space<vmem>>
      %dma_wait3A_108 = tpu.memref_squeeze %dma_wait3A_107 : memref<1x128xi32, #tpu.memory_space<vmem>> -> memref<128xi32, #tpu.memory_space<vmem>>
      %dma_wait3A_109 = arith.constant 0 : i32
      %dma_wait3A_110 = arith.constant 0 : i32
      %dma_wait3A_111 = tpu.memref_slice %arg3[%dma_wait3A_109, %dma_wait3A_110] : memref<10000x32xf32, #tpu.memory_space<hbm>> -> memref<10000x32xf32, #tpu.memory_space<hbm>>
      tpu.wait_indirect_dma semaphore(%arg11 : memref<!tpu.dma_semaphore, #tpu.memory_space<semaphore_mem>>) src(%dma_wait3A_111 : memref<10000x32xf32, #tpu.memory_space<hbm>>) dst(%arg8 : memref<128x32xf32, #tpu.memory_space<vmem>>)
      %dma_start3A_112 = arith.constant 0 : i32
      %dma_start3A_113 = tpu.memref_slice %arg7[%mul3A_103, %dma_start3A_112] : memref<80x128xi32, #tpu.memory_space<vmem>> -> memref<1x128xi32, #tpu.memory_space<vmem>>
      %dma_start3A_114 = tpu.memref_squeeze %dma_start3A_113 : memref<1x128xi32, #tpu.memory_space<vmem>> -> memref<128xi32, #tpu.memory_space<vmem>>
      %dma_start3A_115 = arith.constant 0 : i32
      %dma_start3A_116 = arith.constant 0 : i32
      %dma_start3A_117 = tpu.memref_slice %arg10[%dma_start3A_115, %dma_start3A_116] : memref<10000x32xf32, #tpu.memory_space<vmem_shared>> -> memref<10000x32xf32, #tpu.memory_space<vmem_shared>>
      tpu.enqueue_indirect_dma source(%arg8 : memref<128x32xf32, #tpu.memory_space<vmem>>) target(%dma_start3A_117 : memref<10000x32xf32, #tpu.memory_space<vmem_shared>>) offsets(%dma_start3A_114 : memref<128xi32, #tpu.memory_space<vmem>>) semaphore(%arg13 : memref<!tpu.dma_semaphore, #tpu.memory_space<semaphore_mem>>) {add = true}
      %gt3A = arith.constant 0 : i32
      %gt3A_118 = arith.cmpi sgt, %while3A_100, %gt3A : i32
      %convert_element_type3A_119 = arith.extui %gt3A_118 : i1 to i32
      %cond3A_120 = arith.constant 0 : i32
      %cond3A_121 = arith.cmpi ne, %convert_element_type3A_119, %cond3A_120 : i32
      scf.if %cond3A_121 {
        %dma_wait3A_153 = arith.constant 0 : i32
        %dma_wait3A_154 = tpu.memref_slice %arg7[%mul3A_103, %dma_wait3A_153] : memref<80x128xi32, #tpu.memory_space<vmem>> -> memref<1x128xi32, #tpu.memory_space<vmem>>
        %dma_wait3A_155 = tpu.memref_squeeze %dma_wait3A_154 : memref<1x128xi32, #tpu.memory_space<vmem>> -> memref<128xi32, #tpu.memory_space<vmem>>
        %dma_wait3A_156 = arith.constant 0 : i32
        %dma_wait3A_157 = arith.constant 0 : i32
        %dma_wait3A_158 = tpu.memref_slice %arg10[%dma_wait3A_156, %dma_wait3A_157] : memref<10000x32xf32, #tpu.memory_space<vmem_shared>> -> memref<10000x32xf32, #tpu.memory_space<vmem_shared>>
        tpu.wait_indirect_dma semaphore(%arg14 : memref<!tpu.dma_semaphore, #tpu.memory_space<semaphore_mem>>) src(%arg9 : memref<128x32xf32, #tpu.memory_space<vmem>>) dst(%dma_wait3A_158 : memref<10000x32xf32, #tpu.memory_space<vmem_shared>>)
      } else {
      }
      %dma_start3A_122 = arith.constant 0 : i32
      %dma_start3A_123 = tpu.memref_slice %arg6[%add3A_105, %dma_start3A_122] : memref<80x128xi32, #tpu.memory_space<vmem>> -> memref<1x128xi32, #tpu.memory_space<vmem>>
      %dma_start3A_124 = tpu.memref_squeeze %dma_start3A_123 : memref<1x128xi32, #tpu.memory_space<vmem>> -> memref<128xi32, #tpu.memory_space<vmem>>
      %dma_start3A_125 = arith.constant 0 : i32
      %dma_start3A_126 = arith.constant 0 : i32
      %dma_start3A_127 = tpu.memref_slice %arg3[%dma_start3A_125, %dma_start3A_126] : memref<10000x32xf32, #tpu.memory_space<hbm>> -> memref<10000x32xf32, #tpu.memory_space<hbm>>
      tpu.enqueue_indirect_dma source(%dma_start3A_127 : memref<10000x32xf32, #tpu.memory_space<hbm>>) target(%arg9 : memref<128x32xf32, #tpu.memory_space<vmem>>) offsets(%dma_start3A_124 : memref<128xi32, #tpu.memory_space<vmem>>) semaphore(%arg12 : memref<!tpu.dma_semaphore, #tpu.memory_space<semaphore_mem>>)
      %dma_wait3A_128 = arith.constant 0 : i32
      %dma_wait3A_129 = tpu.memref_slice %arg6[%add3A_105, %dma_wait3A_128] : memref<80x128xi32, #tpu.memory_space<vmem>> -> memref<1x128xi32, #tpu.memory_space<vmem>>
      %dma_wait3A_130 = tpu.memref_squeeze %dma_wait3A_129 : memref<1x128xi32, #tpu.memory_space<vmem>> -> memref<128xi32, #tpu.memory_space<vmem>>
      %dma_wait3A_131 = arith.constant 0 : i32
      %dma_wait3A_132 = arith.constant 0 : i32
      %dma_wait3A_133 = tpu.memref_slice %arg3[%dma_wait3A_131, %dma_wait3A_132] : memref<10000x32xf32, #tpu.memory_space<hbm>> -> memref<10000x32xf32, #tpu.memory_space<hbm>>
      tpu.wait_indirect_dma semaphore(%arg12 : memref<!tpu.dma_semaphore, #tpu.memory_space<semaphore_mem>>) src(%dma_wait3A_133 : memref<10000x32xf32, #tpu.memory_space<hbm>>) dst(%arg9 : memref<128x32xf32, #tpu.memory_space<vmem>>)
      %dma_start3A_134 = arith.constant 0 : i32
      %dma_start3A_135 = tpu.memref_slice %arg7[%add3A_105, %dma_start3A_134] : memref<80x128xi32, #tpu.memory_space<vmem>> -> memref<1x128xi32, #tpu.memory_space<vmem>>
      %dma_start3A_136 = tpu.memref_squeeze %dma_start3A_135 : memref<1x128xi32, #tpu.memory_space<vmem>> -> memref<128xi32, #tpu.memory_space<vmem>>
      %dma_start3A_137 = arith.constant 0 : i32
      %dma_start3A_138 = arith.constant 0 : i32
      %dma_start3A_139 = tpu.memref_slice %arg10[%dma_start3A_137, %dma_start3A_138] : memref<10000x32xf32, #tpu.memory_space<vmem_shared>> -> memref<10000x32xf32, #tpu.memory_space<vmem_shared>>
      tpu.enqueue_indirect_dma source(%arg9 : memref<128x32xf32, #tpu.memory_space<vmem>>) target(%dma_start3A_139 : memref<10000x32xf32, #tpu.memory_space<vmem_shared>>) offsets(%dma_start3A_136 : memref<128xi32, #tpu.memory_space<vmem>>) semaphore(%arg14 : memref<!tpu.dma_semaphore, #tpu.memory_space<semaphore_mem>>) {add = true}
      %dma_wait3A_140 = arith.constant 0 : i32
      %dma_wait3A_141 = tpu.memref_slice %arg7[%mul3A_103, %dma_wait3A_140] : memref<80x128xi32, #tpu.memory_space<vmem>> -> memref<1x128xi32, #tpu.memory_space<vmem>>
      %dma_wait3A_142 = tpu.memref_squeeze %dma_wait3A_141 : memref<1x128xi32, #tpu.memory_space<vmem>> -> memref<128xi32, #tpu.memory_space<vmem>>
      %dma_wait3A_143 = arith.constant 0 : i32
      %dma_wait3A_144 = arith.constant 0 : i32
      %dma_wait3A_145 = tpu.memref_slice %arg10[%dma_wait3A_143, %dma_wait3A_144] : memref<10000x32xf32, #tpu.memory_space<vmem_shared>> -> memref<10000x32xf32, #tpu.memory_space<vmem_shared>>
      tpu.wait_indirect_dma semaphore(%arg13 : memref<!tpu.dma_semaphore, #tpu.memory_space<semaphore_mem>>) src(%arg8 : memref<128x32xf32, #tpu.memory_space<vmem>>) dst(%dma_wait3A_145 : memref<10000x32xf32, #tpu.memory_space<vmem_shared>>)
      %sub3A_146 = arith.constant 1 : i32
      %sub3A_147 = arith.subi %select_n3A_64, %sub3A_146 : i32
      %lt3A_148 = arith.cmpi slt, %while3A_100, %sub3A_147 : i32
      %convert_element_type3A_149 = arith.extui %lt3A_148 : i1 to i32
      %cond3A_150 = arith.constant 0 : i32
      %cond3A_151 = arith.cmpi ne, %convert_element_type3A_149, %cond3A_150 : i32
      scf.if %cond3A_151 {
        %add3A_153 = arith.constant 2 : i32
        %add3A_154 = arith.addi %mul3A_103, %add3A_153 : i32
        %dma_start3A_155 = arith.constant 0 : i32
        %dma_start3A_156 = tpu.memref_slice %arg6[%add3A_154, %dma_start3A_155] : memref<80x128xi32, #tpu.memory_space<vmem>> -> memref<1x128xi32, #tpu.memory_space<vmem>>
        %dma_start3A_157 = tpu.memref_squeeze %dma_start3A_156 : memref<1x128xi32, #tpu.memory_space<vmem>> -> memref<128xi32, #tpu.memory_space<vmem>>
        %dma_start3A_158 = arith.constant 0 : i32
        %dma_start3A_159 = arith.constant 0 : i32
        %dma_start3A_160 = tpu.memref_slice %arg3[%dma_start3A_158, %dma_start3A_159] : memref<10000x32xf32, #tpu.memory_space<hbm>> -> memref<10000x32xf32, #tpu.memory_space<hbm>>
        tpu.enqueue_indirect_dma source(%dma_start3A_160 : memref<10000x32xf32, #tpu.memory_space<hbm>>) target(%arg8 : memref<128x32xf32, #tpu.memory_space<vmem>>) offsets(%dma_start3A_157 : memref<128xi32, #tpu.memory_space<vmem>>) semaphore(%arg11 : memref<!tpu.dma_semaphore, #tpu.memory_space<semaphore_mem>>)
      } else {
      }
      %while3A_152 = arith.constant 0 : i32
      scf.yield %while3A_152 : i32
    }
    %while3A_81 = arith.constant 1 : i32
    %while3A_82 = scf.for %while3A_100 = %while3A_78 to %while3A_74 step %while3A_81 iter_args(%while3A_101 = %while3A_80) -> (i32)  : i32 {
      %mul3A_102 = arith.constant 2 : i32
      %mul3A_103 = arith.muli %mul3A_102, %while3A_100 : i32
      %add3A_104 = arith.constant 1 : i32
      %add3A_105 = arith.addi %mul3A_103, %add3A_104 : i32
      %dma_wait3A_106 = arith.constant 0 : i32
      %dma_wait3A_107 = tpu.memref_slice %arg6[%mul3A_103, %dma_wait3A_106] : memref<80x128xi32, #tpu.memory_space<vmem>> -> memref<1x128xi32, #tpu.memory_space<vmem>>
      %dma_wait3A_108 = tpu.memref_squeeze %dma_wait3A_107 : memref<1x128xi32, #tpu.memory_space<vmem>> -> memref<128xi32, #tpu.memory_space<vmem>>
      %dma_wait3A_109 = arith.constant 0 : i32
      %dma_wait3A_110 = arith.constant 0 : i32
      %dma_wait3A_111 = tpu.memref_slice %arg3[%dma_wait3A_109, %dma_wait3A_110] : memref<10000x32xf32, #tpu.memory_space<hbm>> -> memref<10000x32xf32, #tpu.memory_space<hbm>>
      tpu.wait_indirect_dma semaphore(%arg11 : memref<!tpu.dma_semaphore, #tpu.memory_space<semaphore_mem>>) src(%dma_wait3A_111 : memref<10000x32xf32, #tpu.memory_space<hbm>>) dst(%arg8 : memref<128x32xf32, #tpu.memory_space<vmem>>)
      %dma_start3A_112 = arith.constant 0 : i32
      %dma_start3A_113 = tpu.memref_slice %arg7[%mul3A_103, %dma_start3A_112] : memref<80x128xi32, #tpu.memory_space<vmem>> -> memref<1x128xi32, #tpu.memory_space<vmem>>
      %dma_start3A_114 = tpu.memref_squeeze %dma_start3A_113 : memref<1x128xi32, #tpu.memory_space<vmem>> -> memref<128xi32, #tpu.memory_space<vmem>>
      %dma_start3A_115 = arith.constant 0 : i32
      %dma_start3A_116 = arith.constant 0 : i32
      %dma_start3A_117 = tpu.memref_slice %arg10[%dma_start3A_115, %dma_start3A_116] : memref<10000x32xf32, #tpu.memory_space<vmem_shared>> -> memref<10000x32xf32, #tpu.memory_space<vmem_shared>>
      tpu.enqueue_indirect_dma source(%arg8 : memref<128x32xf32, #tpu.memory_space<vmem>>) target(%dma_start3A_117 : memref<10000x32xf32, #tpu.memory_space<vmem_shared>>) offsets(%dma_start3A_114 : memref<128xi32, #tpu.memory_space<vmem>>) semaphore(%arg13 : memref<!tpu.dma_semaphore, #tpu.memory_space<semaphore_mem>>) {add = true}
      %gt3A = arith.constant 0 : i32
      %gt3A_118 = arith.cmpi sgt, %while3A_100, %gt3A : i32
      %convert_element_type3A_119 = arith.extui %gt3A_118 : i1 to i32
      %cond3A_120 = arith.constant 0 : i32
      %cond3A_121 = arith.cmpi ne, %convert_element_type3A_119, %cond3A_120 : i32
      scf.if %cond3A_121 {
        %dma_wait3A_153 = arith.constant 0 : i32
        %dma_wait3A_154 = tpu.memref_slice %arg7[%mul3A_103, %dma_wait3A_153] : memref<80x128xi32, #tpu.memory_space<vmem>> -> memref<1x128xi32, #tpu.memory_space<vmem>>
        %dma_wait3A_155 = tpu.memref_squeeze %dma_wait3A_154 : memref<1x128xi32, #tpu.memory_space<vmem>> -> memref<128xi32, #tpu.memory_space<vmem>>
        %dma_wait3A_156 = arith.constant 0 : i32
        %dma_wait3A_157 = arith.constant 0 : i32
        %dma_wait3A_158 = tpu.memref_slice %arg10[%dma_wait3A_156, %dma_wait3A_157] : memref<10000x32xf32, #tpu.memory_space<vmem_shared>> -> memref<10000x32xf32, #tpu.memory_space<vmem_shared>>
        tpu.wait_indirect_dma semaphore(%arg14 : memref<!tpu.dma_semaphore, #tpu.memory_space<semaphore_mem>>) src(%arg9 : memref<128x32xf32, #tpu.memory_space<vmem>>) dst(%dma_wait3A_158 : memref<10000x32xf32, #tpu.memory_space<vmem_shared>>)
      } else {
      }
      %dma_start3A_122 = arith.constant 0 : i32
      %dma_start3A_123 = tpu.memref_slice %arg6[%add3A_105, %dma_start3A_122] : memref<80x128xi32, #tpu.memory_space<vmem>> -> memref<1x128xi32, #tpu.memory_space<vmem>>
      %dma_start3A_124 = tpu.memref_squeeze %dma_start3A_123 : memref<1x128xi32, #tpu.memory_space<vmem>> -> memref<128xi32, #tpu.memory_space<vmem>>
      %dma_start3A_125 = arith.constant 0 : i32
      %dma_start3A_126 = arith.constant 0 : i32
      %dma_start3A_127 = tpu.memref_slice %arg3[%dma_start3A_125, %dma_start3A_126] : memref<10000x32xf32, #tpu.memory_space<hbm>> -> memref<10000x32xf32, #tpu.memory_space<hbm>>
      tpu.enqueue_indirect_dma source(%dma_start3A_127 : memref<10000x32xf32, #tpu.memory_space<hbm>>) target(%arg9 : memref<128x32xf32, #tpu.memory_space<vmem>>) offsets(%dma_start3A_124 : memref<128xi32, #tpu.memory_space<vmem>>) semaphore(%arg12 : memref<!tpu.dma_semaphore, #tpu.memory_space<semaphore_mem>>)
      %dma_wait3A_128 = arith.constant 0 : i32
      %dma_wait3A_129 = tpu.memref_slice %arg6[%add3A_105, %dma_wait3A_128] : memref<80x128xi32, #tpu.memory_space<vmem>> -> memref<1x128xi32, #tpu.memory_space<vmem>>
      %dma_wait3A_130 = tpu.memref_squeeze %dma_wait3A_129 : memref<1x128xi32, #tpu.memory_space<vmem>> -> memref<128xi32, #tpu.memory_space<vmem>>
      %dma_wait3A_131 = arith.constant 0 : i32
      %dma_wait3A_132 = arith.constant 0 : i32
      %dma_wait3A_133 = tpu.memref_slice %arg3[%dma_wait3A_131, %dma_wait3A_132] : memref<10000x32xf32, #tpu.memory_space<hbm>> -> memref<10000x32xf32, #tpu.memory_space<hbm>>
      tpu.wait_indirect_dma semaphore(%arg12 : memref<!tpu.dma_semaphore, #tpu.memory_space<semaphore_mem>>) src(%dma_wait3A_133 : memref<10000x32xf32, #tpu.memory_space<hbm>>) dst(%arg9 : memref<128x32xf32, #tpu.memory_space<vmem>>)
      %dma_start3A_134 = arith.constant 0 : i32
      %dma_start3A_135 = tpu.memref_slice %arg7[%add3A_105, %dma_start3A_134] : memref<80x128xi32, #tpu.memory_space<vmem>> -> memref<1x128xi32, #tpu.memory_space<vmem>>
      %dma_start3A_136 = tpu.memref_squeeze %dma_start3A_135 : memref<1x128xi32, #tpu.memory_space<vmem>> -> memref<128xi32, #tpu.memory_space<vmem>>
      %dma_start3A_137 = arith.constant 0 : i32
      %dma_start3A_138 = arith.constant 0 : i32
      %dma_start3A_139 = tpu.memref_slice %arg10[%dma_start3A_137, %dma_start3A_138] : memref<10000x32xf32, #tpu.memory_space<vmem_shared>> -> memref<10000x32xf32, #tpu.memory_space<vmem_shared>>
      tpu.enqueue_indirect_dma source(%arg9 : memref<128x32xf32, #tpu.memory_space<vmem>>) target(%dma_start3A_139 : memref<10000x32xf32, #tpu.memory_space<vmem_shared>>) offsets(%dma_start3A_136 : memref<128xi32, #tpu.memory_space<vmem>>) semaphore(%arg14 : memref<!tpu.dma_semaphore, #tpu.memory_space<semaphore_mem>>) {add = true}
      %dma_wait3A_140 = arith.constant 0 : i32
      %dma_wait3A_141 = tpu.memref_slice %arg7[%mul3A_103, %dma_wait3A_140] : memref<80x128xi32, #tpu.memory_space<vmem>> -> memref<1x128xi32, #tpu.memory_space<vmem>>
      %dma_wait3A_142 = tpu.memref_squeeze %dma_wait3A_141 : memref<1x128xi32, #tpu.memory_space<vmem>> -> memref<128xi32, #tpu.memory_space<vmem>>
      %dma_wait3A_143 = arith.constant 0 : i32
      %dma_wait3A_144 = arith.constant 0 : i32
      %dma_wait3A_145 = tpu.memref_slice %arg10[%dma_wait3A_143, %dma_wait3A_144] : memref<10000x32xf32, #tpu.memory_space<vmem_shared>> -> memref<10000x32xf32, #tpu.memory_space<vmem_shared>>
      tpu.wait_indirect_dma semaphore(%arg13 : memref<!tpu.dma_semaphore, #tpu.memory_space<semaphore_mem>>) src(%arg8 : memref<128x32xf32, #tpu.memory_space<vmem>>) dst(%dma_wait3A_145 : memref<10000x32xf32, #tpu.memory_space<vmem_shared>>)
      %sub3A_146 = arith.constant 1 : i32
      %sub3A_147 = arith.subi %select_n3A_64, %sub3A_146 : i32
      %lt3A_148 = arith.cmpi slt, %while3A_100, %sub3A_147 : i32
      %convert_element_type3A_149 = arith.extui %lt3A_148 : i1 to i32
      %cond3A_150 = arith.constant 0 : i32
      %cond3A_151 = arith.cmpi ne, %convert_element_type3A_149, %cond3A_150 : i32
      scf.if %cond3A_151 {
        %add3A_153 = arith.constant 2 : i32
        %add3A_154 = arith.addi %mul3A_103, %add3A_153 : i32
        %dma_start3A_155 = arith.constant 0 : i32
        %dma_start3A_156 = tpu.memref_slice %arg6[%add3A_154, %dma_start3A_155] : memref<80x128xi32, #tpu.memory_space<vmem>> -> memref<1x128xi32, #tpu.memory_space<vmem>>
        %dma_start3A_157 = tpu.memref_squeeze %dma_start3A_156 : memref<1x128xi32, #tpu.memory_space<vmem>> -> memref<128xi32, #tpu.memory_space<vmem>>
        %dma_start3A_158 = arith.constant 0 : i32
        %dma_start3A_159 = arith.constant 0 : i32
        %dma_start3A_160 = tpu.memref_slice %arg3[%dma_start3A_158, %dma_start3A_159] : memref<10000x32xf32, #tpu.memory_space<hbm>> -> memref<10000x32xf32, #tpu.memory_space<hbm>>
        tpu.enqueue_indirect_dma source(%dma_start3A_160 : memref<10000x32xf32, #tpu.memory_space<hbm>>) target(%arg8 : memref<128x32xf32, #tpu.memory_space<vmem>>) offsets(%dma_start3A_157 : memref<128xi32, #tpu.memory_space<vmem>>) semaphore(%arg11 : memref<!tpu.dma_semaphore, #tpu.memory_space<semaphore_mem>>)
      } else {
      }
      %while3A_152 = arith.constant 0 : i32
      scf.yield %while3A_152 : i32
    }
    %dma_wait3A = arith.constant 0 : i32
    %dma_wait3A_83 = arith.constant 0 : i32
    %dma_wait3A_84 = tpu.memref_slice %arg7[%dma_wait3A, %dma_wait3A_83] : memref<80x128xi32, #tpu.memory_space<vmem>> -> memref<1x128xi32, #tpu.memory_space<vmem>>
    %dma_wait3A_85 = tpu.memref_squeeze %dma_wait3A_84 : memref<1x128xi32, #tpu.memory_space<vmem>> -> memref<128xi32, #tpu.memory_space<vmem>>
    %dma_wait3A_86 = arith.constant 0 : i32
    %dma_wait3A_87 = arith.constant 0 : i32
    %dma_wait3A_88 = tpu.memref_slice %arg10[%dma_wait3A_86, %dma_wait3A_87] : memref<10000x32xf32, #tpu.memory_space<vmem_shared>> -> memref<10000x32xf32, #tpu.memory_space<vmem_shared>>
    tpu.wait_indirect_dma semaphore(%arg14 : memref<!tpu.dma_semaphore, #tpu.memory_space<semaphore_mem>>) src(%arg9 : memref<128x32xf32, #tpu.memory_space<vmem>>) dst(%dma_wait3A_88 : memref<10000x32xf32, #tpu.memory_space<vmem_shared>>)
    %barrier3A_89 = arith.constant 0 : index
    tpu.barrier barrier_id(%barrier3A_89)
    %lt3A_90 = arith.constant 15 : i32
    %lt3A_91 = arith.cmpi slt, %arg1, %lt3A_90 : i32
    %convert_element_type3A_92 = arith.extui %lt3A_91 : i1 to i32
    %cond3A_93 = arith.constant 0 : i32
    %cond3A_94 = arith.cmpi ne, %convert_element_type3A_92, %cond3A_93 : i32
    scf.if %cond3A_94 {
      %mul3A_100 = arith.constant 640 : i32
      %mul3A_101 = arith.muli %arg1, %mul3A_100 : i32
      %eq3A_102 = arith.constant 0 : i32
      %eq3A_103 = arith.cmpi eq, %arg0, %eq3A_102 : i32
      %convert_element_type3A_104 = arith.extui %eq3A_103 : i1 to i32
      %cond3A_105 = arith.constant 0 : i32
      %cond3A_106 = arith.cmpi ne, %convert_element_type3A_104, %cond3A_105 : i32
      scf.if %cond3A_106 {
        "tpu.region"() ({
          %run_scoped3A = tpu.sem_alloc : memref<!tpu.dma_semaphore, #tpu.memory_space<semaphore_mem>>
          %dma_start3A_112 = arith.constant 0 : i32
          %dma_start3A_113 = tpu.memref_slice %arg4[%mul3A_101, %dma_start3A_112] : memref<10000x32xf32, #tpu.memory_space<hbm>> -> memref<640x32xf32, #tpu.memory_space<hbm>>
          %dma_start3A_114 = arith.constant 0 : i32
          %dma_start3A_115 = tpu.memref_slice %arg10[%mul3A_101, %dma_start3A_114] : memref<10000x32xf32, #tpu.memory_space<vmem_shared>> -> memref<640x32xf32, #tpu.memory_space<vmem_shared>>
          tpu.enqueue_dma source(%dma_start3A_115 : memref<640x32xf32, #tpu.memory_space<vmem_shared>>) target(%dma_start3A_113 : memref<640x32xf32, #tpu.memory_space<hbm>>) target_semaphore(%run_scoped3A : memref<!tpu.dma_semaphore, #tpu.memory_space<semaphore_mem>>)
          %dma_wait3A_116 = arith.constant 0 : i32
          %dma_wait3A_117 = tpu.memref_slice %arg4[%mul3A_101, %dma_wait3A_116] : memref<10000x32xf32, #tpu.memory_space<hbm>> -> memref<640x32xf32, #tpu.memory_space<hbm>>
          %dma_wait3A_118 = arith.constant 0 : i32
          %dma_wait3A_119 = tpu.memref_slice %arg10[%mul3A_101, %dma_wait3A_118] : memref<10000x32xf32, #tpu.memory_space<vmem_shared>> -> memref<640x32xf32, #tpu.memory_space<vmem_shared>>
          tpu.wait_dma2 semaphore(%run_scoped3A : memref<!tpu.dma_semaphore, #tpu.memory_space<semaphore_mem>>) src(%dma_wait3A_119 : memref<640x32xf32, #tpu.memory_space<vmem_shared>>) dst(%dma_wait3A_117 : memref<640x32xf32, #tpu.memory_space<hbm>>)
          tpu.yield
        }) : () -> ()
      } else {
      }
      %eq3A_107 = arith.constant 1 : i32
      %eq3A_108 = arith.cmpi eq, %arg0, %eq3A_107 : i32
      %convert_element_type3A_109 = arith.extui %eq3A_108 : i1 to i32
      %cond3A_110 = arith.constant 0 : i32
      %cond3A_111 = arith.cmpi ne, %convert_element_type3A_109, %cond3A_110 : i32
      scf.if %cond3A_111 {
        "tpu.region"() ({
          %run_scoped3A = tpu.sem_alloc : memref<!tpu.dma_semaphore, #tpu.memory_space<semaphore_mem>>
          %dma_start3A_112 = arith.constant 0 : i32
          %dma_start3A_113 = tpu.memref_slice %arg5[%mul3A_101, %dma_start3A_112] : memref<10000x32xf32, #tpu.memory_space<hbm>> -> memref<640x32xf32, #tpu.memory_space<hbm>>
          %dma_start3A_114 = arith.constant 0 : i32
          %dma_start3A_115 = tpu.memref_slice %arg10[%mul3A_101, %dma_start3A_114] : memref<10000x32xf32, #tpu.memory_space<vmem_shared>> -> memref<640x32xf32, #tpu.memory_space<vmem_shared>>
          tpu.enqueue_dma source(%dma_start3A_115 : memref<640x32xf32, #tpu.memory_space<vmem_shared>>) target(%dma_start3A_113 : memref<640x32xf32, #tpu.memory_space<hbm>>) target_semaphore(%run_scoped3A : memref<!tpu.dma_semaphore, #tpu.memory_space<semaphore_mem>>)
          %dma_wait3A_116 = arith.constant 0 : i32
          %dma_wait3A_117 = tpu.memref_slice %arg5[%mul3A_101, %dma_wait3A_116] : memref<10000x32xf32, #tpu.memory_space<hbm>> -> memref<640x32xf32, #tpu.memory_space<hbm>>
          %dma_wait3A_118 = arith.constant 0 : i32
          %dma_wait3A_119 = tpu.memref_slice %arg10[%mul3A_101, %dma_wait3A_118] : memref<10000x32xf32, #tpu.memory_space<vmem_shared>> -> memref<640x32xf32, #tpu.memory_space<vmem_shared>>
          tpu.wait_dma2 semaphore(%run_scoped3A : memref<!tpu.dma_semaphore, #tpu.memory_space<semaphore_mem>>) src(%dma_wait3A_119 : memref<640x32xf32, #tpu.memory_space<vmem_shared>>) dst(%dma_wait3A_117 : memref<640x32xf32, #tpu.memory_space<hbm>>)
          tpu.yield
        }) : () -> ()
      } else {
      }
    } else {
    }
    %eq3A_95 = arith.constant 15 : i32
    %eq3A_96 = arith.cmpi eq, %arg1, %eq3A_95 : i32
    %convert_element_type3A_97 = arith.extui %eq3A_96 : i1 to i32
    %cond3A_98 = arith.constant 0 : i32
    %cond3A_99 = arith.cmpi ne, %convert_element_type3A_97, %cond3A_98 : i32
    scf.if %cond3A_99 {
      %eq3A_100 = arith.constant 0 : i32
      %eq3A_101 = arith.cmpi eq, %arg0, %eq3A_100 : i32
      %convert_element_type3A_102 = arith.extui %eq3A_101 : i1 to i32
      %cond3A_103 = arith.constant 0 : i32
      %cond3A_104 = arith.cmpi ne, %convert_element_type3A_102, %cond3A_103 : i32
      scf.if %cond3A_104 {
        "tpu.region"() ({
          %run_scoped3A = tpu.sem_alloc : memref<!tpu.dma_semaphore, #tpu.memory_space<semaphore_mem>>
          %dma_start3A_110 = arith.constant 9600 : i32
          %dma_start3A_111 = arith.constant 0 : i32
          %dma_start3A_112 = tpu.memref_slice %arg4[%dma_start3A_110, %dma_start3A_111] : memref<10000x32xf32, #tpu.memory_space<hbm>> -> memref<400x32xf32, #tpu.memory_space<hbm>>
          %dma_start3A_113 = arith.constant 9600 : i32
          %dma_start3A_114 = arith.constant 0 : i32
          %dma_start3A_115 = tpu.memref_slice %arg10[%dma_start3A_113, %dma_start3A_114] : memref<10000x32xf32, #tpu.memory_space<vmem_shared>> -> memref<400x32xf32, #tpu.memory_space<vmem_shared>>
          tpu.enqueue_dma source(%dma_start3A_115 : memref<400x32xf32, #tpu.memory_space<vmem_shared>>) target(%dma_start3A_112 : memref<400x32xf32, #tpu.memory_space<hbm>>) target_semaphore(%run_scoped3A : memref<!tpu.dma_semaphore, #tpu.memory_space<semaphore_mem>>)
          %dma_wait3A_116 = arith.constant 9600 : i32
          %dma_wait3A_117 = arith.constant 0 : i32
          %dma_wait3A_118 = tpu.memref_slice %arg4[%dma_wait3A_116, %dma_wait3A_117] : memref<10000x32xf32, #tpu.memory_space<hbm>> -> memref<400x32xf32, #tpu.memory_space<hbm>>
          %dma_wait3A_119 = arith.constant 9600 : i32
          %dma_wait3A_120 = arith.constant 0 : i32
          %dma_wait3A_121 = tpu.memref_slice %arg10[%dma_wait3A_119, %dma_wait3A_120] : memref<10000x32xf32, #tpu.memory_space<vmem_shared>> -> memref<400x32xf32, #tpu.memory_space<vmem_shared>>
          tpu.wait_dma2 semaphore(%run_scoped3A : memref<!tpu.dma_semaphore, #tpu.memory_space<semaphore_mem>>) src(%dma_wait3A_121 : memref<400x32xf32, #tpu.memory_space<vmem_shared>>) dst(%dma_wait3A_118 : memref<400x32xf32, #tpu.memory_space<hbm>>)
          tpu.yield
        }) : () -> ()
      } else {
      }
      %eq3A_105 = arith.constant 1 : i32
      %eq3A_106 = arith.cmpi eq, %arg0, %eq3A_105 : i32
      %convert_element_type3A_107 = arith.extui %eq3A_106 : i1 to i32
      %cond3A_108 = arith.constant 0 : i32
      %cond3A_109 = arith.cmpi ne, %convert_element_type3A_107, %cond3A_108 : i32
      scf.if %cond3A_109 {
        "tpu.region"() ({
          %run_scoped3A = tpu.sem_alloc : memref<!tpu.dma_semaphore, #tpu.memory_space<semaphore_mem>>
          %dma_start3A_110 = arith.constant 9600 : i32
          %dma_start3A_111 = arith.constant 0 : i32
          %dma_start3A_112 = tpu.memref_slice %arg5[%dma_start3A_110, %dma_start3A_111] : memref<10000x32xf32, #tpu.memory_space<hbm>> -> memref<400x32xf32, #tpu.memory_space<hbm>>
          %dma_start3A_113 = arith.constant 9600 : i32
          %dma_start3A_114 = arith.constant 0 : i32
          %dma_start3A_115 = tpu.memref_slice %arg10[%dma_start3A_113, %dma_start3A_114] : memref<10000x32xf32, #tpu.memory_space<vmem_shared>> -> memref<400x32xf32, #tpu.memory_space<vmem_shared>>
          tpu.enqueue_dma source(%dma_start3A_115 : memref<400x32xf32, #tpu.memory_space<vmem_shared>>) target(%dma_start3A_112 : memref<400x32xf32, #tpu.memory_space<hbm>>) target_semaphore(%run_scoped3A : memref<!tpu.dma_semaphore, #tpu.memory_space<semaphore_mem>>)
          %dma_wait3A_116 = arith.constant 9600 : i32
          %dma_wait3A_117 = arith.constant 0 : i32
          %dma_wait3A_118 = tpu.memref_slice %arg5[%dma_wait3A_116, %dma_wait3A_117] : memref<10000x32xf32, #tpu.memory_space<hbm>> -> memref<400x32xf32, #tpu.memory_space<hbm>>
          %dma_wait3A_119 = arith.constant 9600 : i32
          %dma_wait3A_120 = arith.constant 0 : i32
          %dma_wait3A_121 = tpu.memref_slice %arg10[%dma_wait3A_119, %dma_wait3A_120] : memref<10000x32xf32, #tpu.memory_space<vmem_shared>> -> memref<400x32xf32, #tpu.memory_space<vmem_shared>>
          tpu.wait_dma2 semaphore(%run_scoped3A : memref<!tpu.dma_semaphore, #tpu.memory_space<semaphore_mem>>) src(%dma_wait3A_121 : memref<400x32xf32, #tpu.memory_space<vmem_shared>>) dst(%dma_wait3A_118 : memref<400x32xf32, #tpu.memory_space<hbm>>)
          tpu.yield
        }) : () -> ()
      } else {
      }
    } else {
    }
    return
  }
}

module attributes {stable_mosaic.version = 14 : i64} {
  func.func @_k1_body(%arg0: i32, %arg1: memref<2000x128xf32, #tpu.memory_space<vmem>>, %arg2: memref<128x64xf32, #tpu.memory_space<vmem>>, %arg3: memref<2000x1xf32, #tpu.memory_space<vmem>>, %arg4: memref<2000x1xf32, #tpu.memory_space<vmem>>, %arg5: memref<2000x64xf32, #tpu.memory_space<vmem>>, %arg6: memref<2000x1xf32, #tpu.memory_space<vmem>>) attributes {dimension_semantics = [#tpu.dimension_semantics<arbitrary>], iteration_bounds = array<i64: 5>, scalar_prefetch = 0 : i64, scratch_operands = 0 : i64, tpu.core_type = #tpu.core_type<tc>, window_params = [{transform_indices = @transform_0, window_bounds = array<i64: 2000, 128>}, {pipeline_mode = #tpu.pipeline_mode<synchronous>, transform_indices = @transform_1, window_bounds = array<i64: 128, 64>}, {transform_indices = @transform_2, window_bounds = array<i64: 2000, 1>}, {transform_indices = @transform_3, window_bounds = array<i64: 2000, 1>}, {transform_indices = @transform_4, window_bounds = array<i64: 2000, 64>}, {transform_indices = @transform_5, window_bounds = array<i64: 2000, 1>}]} {
    %get3A = arith.constant 0 : index
    %get3A_0 = arith.constant 0 : index
    %get3A_1 = vector.load %arg3[%get3A, %get3A_0] : memref<2000x1xf32, #tpu.memory_space<vmem>>, vector<2000x1xf32>
    %get3A_2 = arith.constant 0 : index
    %get3A_3 = arith.constant 0 : index
    %get3A_4 = vector.load %arg4[%get3A_2, %get3A_3] : memref<2000x1xf32, #tpu.memory_space<vmem>>, vector<2000x1xf32>
    %add3A = arith.addf %get3A_1, %get3A_4 : vector<2000x1xf32>
    %add3A_5 = arith.constant 1.000000e+00 : f32
    %add3A_6 = vector.broadcast %add3A_5 : f32 to vector<2000x1xf32>
    %add3A_7 = arith.addf %add3A, %add3A_6 : vector<2000x1xf32>
    %rsqrt3A = math.rsqrt %add3A_7 : vector<2000x1xf32>
    %get3A_8 = arith.constant 0 : index
    %get3A_9 = arith.constant 0 : index
    %get3A_10 = vector.load %arg1[%get3A_8, %get3A_9] : memref<2000x128xf32, #tpu.memory_space<vmem>>, vector<2000x128xf32>
    %get3A_11 = arith.constant 0 : index
    %get3A_12 = arith.constant 0 : index
    %get3A_13 = vector.load %arg2[%get3A_11, %get3A_12] : memref<128x64xf32, #tpu.memory_space<vmem>>, vector<128x64xf32>
    %dot_general3A = arith.constant dense<0.000000e+00> : vector<2000x64xf32>
    %dot_general3A_14 = tpu.matmul %get3A_10, %get3A_13, %dot_general3A {dimension_numbers = #tpu.dot_dimension_numbers<[1], [0], [0], [1], [0, 0, 1, 1], [], []>, transpose_lhs_hint = false} : vector<2000x128xf32>, vector<128x64xf32>, vector<2000x64xf32> -> vector<2000x64xf32>
    %mul3A = vector.broadcast %rsqrt3A : vector<2000x1xf32> to vector<2000x64xf32>
    %mul3A_15 = arith.mulf %dot_general3A_14, %mul3A : vector<2000x64xf32>
    %swap3A = arith.constant 0 : index
    %swap3A_16 = arith.constant 0 : index
    %swap3A_17 = vector.load %arg5[%swap3A, %swap3A_16] : memref<2000x64xf32, #tpu.memory_space<vmem>>, vector<2000x64xf32>
    tpu.vector_store %arg5[%swap3A, %swap3A_16], %mul3A_15 {strides = array<i32>} : memref<2000x64xf32, #tpu.memory_space<vmem>>, vector<2000x64xf32>,
    %swap3A_18 = arith.constant 0 : index
    %swap3A_19 = arith.constant 0 : index
    %swap3A_20 = vector.load %arg6[%swap3A_18, %swap3A_19] : memref<2000x1xf32, #tpu.memory_space<vmem>>, vector<2000x1xf32>
    tpu.vector_store %arg6[%swap3A_18, %swap3A_19], %rsqrt3A {strides = array<i32>} : memref<2000x1xf32, #tpu.memory_space<vmem>>, vector<2000x1xf32>,
    return
  }
  func.func @transform_0(%arg0: i32) -> (i32, i32) {
    %c0_i32 = arith.constant 0 : i32
    %c0_i32_0 = arith.constant 0 : i32
    return %arg0, %c0_i32 : i32, i32
  }
  func.func @transform_1(%arg0: i32) -> (i32, i32) {
    %c0_i32 = arith.constant 0 : i32
    %c0_i32_0 = arith.constant 0 : i32
    %c0_i32_1 = arith.constant 0 : i32
    return %c0_i32, %c0_i32_0 : i32, i32
  }
  func.func @transform_2(%arg0: i32) -> (i32, i32) {
    %c0_i32 = arith.constant 0 : i32
    %c0_i32_0 = arith.constant 0 : i32
    return %arg0, %c0_i32 : i32, i32
  }
  func.func @transform_3(%arg0: i32) -> (i32, i32) {
    %c0_i32 = arith.constant 0 : i32
    %c0_i32_0 = arith.constant 0 : i32
    return %arg0, %c0_i32 : i32, i32
  }
  func.func @transform_4(%arg0: i32) -> (i32, i32) {
    %c0_i32 = arith.constant 0 : i32
    %c0_i32_0 = arith.constant 0 : i32
    return %arg0, %c0_i32 : i32, i32
  }
  func.func @transform_5(%arg0: i32) -> (i32, i32) {
    %c0_i32 = arith.constant 0 : i32
    %c0_i32_0 = arith.constant 0 : i32
    return %arg0, %c0_i32 : i32, i32
  }
}

module attributes {stable_mosaic.version = 14 : i64} {
  func.func @_k2_body(%arg0: i32, %arg1: memref<2000x64xf32, #tpu.memory_space<vmem>>, %arg2: memref<2000x64xf32, #tpu.memory_space<vmem>>, %arg3: memref<2000x64xf32, #tpu.memory_space<vmem>>, %arg4: memref<2000x1xf32, #tpu.memory_space<vmem>>, %arg5: memref<1x64xf32, #tpu.memory_space<vmem>>, %arg6: memref<64x32xf32, #tpu.memory_space<vmem>>, %arg7: memref<2000x32xf32, #tpu.memory_space<vmem>>) attributes {dimension_semantics = [#tpu.dimension_semantics<arbitrary>], iteration_bounds = array<i64: 5>, scalar_prefetch = 0 : i64, scratch_operands = 0 : i64, tpu.core_type = #tpu.core_type<tc>, window_params = [{transform_indices = @transform_0, window_bounds = array<i64: 2000, 64>}, {transform_indices = @transform_1, window_bounds = array<i64: 2000, 64>}, {transform_indices = @transform_2, window_bounds = array<i64: 2000, 64>}, {transform_indices = @transform_3, window_bounds = array<i64: 2000, 1>}, {pipeline_mode = #tpu.pipeline_mode<synchronous>, transform_indices = @transform_4, window_bounds = array<i64: 1, 64>}, {pipeline_mode = #tpu.pipeline_mode<synchronous>, transform_indices = @transform_5, window_bounds = array<i64: 64, 32>}, {transform_indices = @transform_6, window_bounds = array<i64: 2000, 32>}]} {
    %get3A = arith.constant 0 : index
    %get3A_0 = arith.constant 0 : index
    %get3A_1 = vector.load %arg4[%get3A, %get3A_0] : memref<2000x1xf32, #tpu.memory_space<vmem>>, vector<2000x1xf32>
    %get3A_2 = arith.constant 0 : index
    %get3A_3 = arith.constant 0 : index
    %get3A_4 = vector.load %arg1[%get3A_2, %get3A_3] : memref<2000x64xf32, #tpu.memory_space<vmem>>, vector<2000x64xf32>
    %get3A_5 = arith.constant 0 : index
    %get3A_6 = arith.constant 0 : index
    %get3A_7 = vector.load %arg2[%get3A_5, %get3A_6] : memref<2000x64xf32, #tpu.memory_space<vmem>>, vector<2000x64xf32>
    %add3A = arith.addf %get3A_4, %get3A_7 : vector<2000x64xf32>
    %get3A_8 = arith.constant 0 : index
    %get3A_9 = arith.constant 0 : index
    %get3A_10 = vector.load %arg3[%get3A_8, %get3A_9] : memref<2000x64xf32, #tpu.memory_space<vmem>>, vector<2000x64xf32>
    %add3A_11 = arith.addf %add3A, %get3A_10 : vector<2000x64xf32>
    %mul3A = vector.broadcast %get3A_1 : vector<2000x1xf32> to vector<2000x64xf32>
    %mul3A_12 = arith.mulf %add3A_11, %mul3A : vector<2000x64xf32>
    %get3A_13 = arith.constant 0 : index
    %get3A_14 = arith.constant 0 : index
    %get3A_15 = vector.load %arg5[%get3A_13, %get3A_14] : memref<1x64xf32, #tpu.memory_space<vmem>>, vector<1x64xf32>
    %add3A_16 = vector.broadcast %get3A_15 : vector<1x64xf32> to vector<2000x64xf32>
    %add3A_17 = arith.addf %mul3A_12, %add3A_16 : vector<2000x64xf32>
    %max3A = arith.constant 0.000000e+00 : f32
    %max3A_18 = vector.broadcast %max3A : f32 to vector<2000x64xf32>
    %max3A_19 = arith.maximumf %add3A_17, %max3A_18 : vector<2000x64xf32>
    %get3A_20 = arith.constant 0 : index
    %get3A_21 = arith.constant 0 : index
    %get3A_22 = vector.load %arg6[%get3A_20, %get3A_21] : memref<64x32xf32, #tpu.memory_space<vmem>>, vector<64x32xf32>
    %dot_general3A = arith.constant dense<0.000000e+00> : vector<2000x32xf32>
    %dot_general3A_23 = tpu.matmul %max3A_19, %get3A_22, %dot_general3A {dimension_numbers = #tpu.dot_dimension_numbers<[1], [0], [0], [1], [0, 0, 1, 1], [], []>, transpose_lhs_hint = false} : vector<2000x64xf32>, vector<64x32xf32>, vector<2000x32xf32> -> vector<2000x32xf32>
    %mul3A_24 = vector.broadcast %get3A_1 : vector<2000x1xf32> to vector<2000x32xf32>
    %mul3A_25 = arith.mulf %dot_general3A_23, %mul3A_24 : vector<2000x32xf32>
    %swap3A = arith.constant 0 : index
    %swap3A_26 = arith.constant 0 : index
    %swap3A_27 = vector.load %arg7[%swap3A, %swap3A_26] : memref<2000x32xf32, #tpu.memory_space<vmem>>, vector<2000x32xf32>
    tpu.vector_store %arg7[%swap3A, %swap3A_26], %mul3A_25 {strides = array<i32>} : memref<2000x32xf32, #tpu.memory_space<vmem>>, vector<2000x32xf32>,
    return
  }
  func.func @transform_0(%arg0: i32) -> (i32, i32) {
    %c0_i32 = arith.constant 0 : i32
    %c0_i32_0 = arith.constant 0 : i32
    return %arg0, %c0_i32 : i32, i32
  }
  func.func @transform_1(%arg0: i32) -> (i32, i32) {
    %c0_i32 = arith.constant 0 : i32
    %c0_i32_0 = arith.constant 0 : i32
    return %arg0, %c0_i32 : i32, i32
  }
  func.func @transform_2(%arg0: i32) -> (i32, i32) {
    %c0_i32 = arith.constant 0 : i32
    %c0_i32_0 = arith.constant 0 : i32
    return %arg0, %c0_i32 : i32, i32
  }
  func.func @transform_3(%arg0: i32) -> (i32, i32) {
    %c0_i32 = arith.constant 0 : i32
    %c0_i32_0 = arith.constant 0 : i32
    return %arg0, %c0_i32 : i32, i32
  }
  func.func @transform_4(%arg0: i32) -> (i32, i32) {
    %c0_i32 = arith.constant 0 : i32
    %c0_i32_0 = arith.constant 0 : i32
    %c0_i32_1 = arith.constant 0 : i32
    return %c0_i32, %c0_i32_0 : i32, i32
  }
  func.func @transform_5(%arg0: i32) -> (i32, i32) {
    %c0_i32 = arith.constant 0 : i32
    %c0_i32_0 = arith.constant 0 : i32
    %c0_i32_1 = arith.constant 0 : i32
    return %c0_i32, %c0_i32_0 : i32, i32
  }
  func.func @transform_6(%arg0: i32) -> (i32, i32) {
    %c0_i32 = arith.constant 0 : i32
    %c0_i32_0 = arith.constant 0 : i32
    return %arg0, %c0_i32 : i32, i32
  }
}

module attributes {stable_mosaic.version = 14 : i64} {
  func.func @_k3_body(%arg0: i32, %arg1: memref<2000x32xf32, #tpu.memory_space<vmem>>, %arg2: memref<2000x32xf32, #tpu.memory_space<vmem>>, %arg3: memref<2000x32xf32, #tpu.memory_space<vmem>>, %arg4: memref<2000x1xf32, #tpu.memory_space<vmem>>, %arg5: memref<1x32xf32, #tpu.memory_space<vmem>>, %arg6: memref<2000x32xf32, #tpu.memory_space<vmem>>) attributes {dimension_semantics = [#tpu.dimension_semantics<arbitrary>], iteration_bounds = array<i64: 5>, scalar_prefetch = 0 : i64, scratch_operands = 0 : i64, tpu.core_type = #tpu.core_type<tc>, window_params = [{transform_indices = @transform_0, window_bounds = array<i64: 2000, 32>}, {transform_indices = @transform_1, window_bounds = array<i64: 2000, 32>}, {transform_indices = @transform_2, window_bounds = array<i64: 2000, 32>}, {transform_indices = @transform_3, window_bounds = array<i64: 2000, 1>}, {pipeline_mode = #tpu.pipeline_mode<synchronous>, transform_indices = @transform_4, window_bounds = array<i64: 1, 32>}, {transform_indices = @transform_5, window_bounds = array<i64: 2000, 32>}]} {
    %get3A = arith.constant 0 : index
    %get3A_0 = arith.constant 0 : index
    %get3A_1 = vector.load %arg1[%get3A, %get3A_0] : memref<2000x32xf32, #tpu.memory_space<vmem>>, vector<2000x32xf32>
    %get3A_2 = arith.constant 0 : index
    %get3A_3 = arith.constant 0 : index
    %get3A_4 = vector.load %arg2[%get3A_2, %get3A_3] : memref<2000x32xf32, #tpu.memory_space<vmem>>, vector<2000x32xf32>
    %add3A = arith.addf %get3A_1, %get3A_4 : vector<2000x32xf32>
    %get3A_5 = arith.constant 0 : index
    %get3A_6 = arith.constant 0 : index
    %get3A_7 = vector.load %arg3[%get3A_5, %get3A_6] : memref<2000x32xf32, #tpu.memory_space<vmem>>, vector<2000x32xf32>
    %add3A_8 = arith.addf %add3A, %get3A_7 : vector<2000x32xf32>
    %get3A_9 = arith.constant 0 : index
    %get3A_10 = arith.constant 0 : index
    %get3A_11 = vector.load %arg4[%get3A_9, %get3A_10] : memref<2000x1xf32, #tpu.memory_space<vmem>>, vector<2000x1xf32>
    %mul3A = vector.broadcast %get3A_11 : vector<2000x1xf32> to vector<2000x32xf32>
    %mul3A_12 = arith.mulf %add3A_8, %mul3A : vector<2000x32xf32>
    %get3A_13 = arith.constant 0 : index
    %get3A_14 = arith.constant 0 : index
    %get3A_15 = vector.load %arg5[%get3A_13, %get3A_14] : memref<1x32xf32, #tpu.memory_space<vmem>>, vector<1x32xf32>
    %add3A_16 = vector.broadcast %get3A_15 : vector<1x32xf32> to vector<2000x32xf32>
    %add3A_17 = arith.addf %mul3A_12, %add3A_16 : vector<2000x32xf32>
    %max3A = arith.constant 0.000000e+00 : f32
    %max3A_18 = vector.broadcast %max3A : f32 to vector<2000x32xf32>
    %max3A_19 = arith.maximumf %add3A_17, %max3A_18 : vector<2000x32xf32>
    %swap3A = arith.constant 0 : index
    %swap3A_20 = arith.constant 0 : index
    %swap3A_21 = vector.load %arg6[%swap3A, %swap3A_20] : memref<2000x32xf32, #tpu.memory_space<vmem>>, vector<2000x32xf32>
    tpu.vector_store %arg6[%swap3A, %swap3A_20], %max3A_19 {strides = array<i32>} : memref<2000x32xf32, #tpu.memory_space<vmem>>, vector<2000x32xf32>,
    return
  }
  func.func @transform_0(%arg0: i32) -> (i32, i32) {
    %c0_i32 = arith.constant 0 : i32
    %c0_i32_0 = arith.constant 0 : i32
    return %arg0, %c0_i32 : i32, i32
  }
  func.func @transform_1(%arg0: i32) -> (i32, i32) {
    %c0_i32 = arith.constant 0 : i32
    %c0_i32_0 = arith.constant 0 : i32
    return %arg0, %c0_i32 : i32, i32
  }
  func.func @transform_2(%arg0: i32) -> (i32, i32) {
    %c0_i32 = arith.constant 0 : i32
    %c0_i32_0 = arith.constant 0 : i32
    return %arg0, %c0_i32 : i32, i32
  }
  func.func @transform_3(%arg0: i32) -> (i32, i32) {
    %c0_i32 = arith.constant 0 : i32
    %c0_i32_0 = arith.constant 0 : i32
    return %arg0, %c0_i32 : i32, i32
  }
  func.func @transform_4(%arg0: i32) -> (i32, i32) {
    %c0_i32 = arith.constant 0 : i32
    %c0_i32_0 = arith.constant 0 : i32
    %c0_i32_1 = arith.constant 0 : i32
    return %c0_i32, %c0_i32_0 : i32, i32
  }
  func.func @transform_5(%arg0: i32) -> (i32, i32) {
    %c0_i32 = arith.constant 0 : i32
    %c0_i32_0 = arith.constant 0 : i32
    return %arg0, %c0_i32 : i32, i32
  }
}

</mosaic_0001>

<sc_bundles>
// kernel: kernel.11.cloned.1.call-start
scs
__scs_entry_jumppad:
0x0: {  	(pc) =	sbr.rel $0x88, $3  }
0x1: {  	(tag) =	ssettag $0x0;
	lr =	simm.s32 $0x1  }
0x2: {  	[smem:$0x3F9B] =	sst lr;
	_ =	strace $0xD0000000  }
0x3: {  	_ = 	snop  }
0x4: {  	_ = 	snop  }
0x5: {  	_ = 	snop  }
0x6: {  	_ = 	snop  }
0x7: {  	_ = 	snop  }
__scs_overlays_trampoline_lowered:
0x8: {  	[smem:$0x3FAA] =	sst s0  }
0x9: {  	[smem:$0x3FAB] =	sst s1  }
0xa: {  	[smem:$0x3FAC] =	sst s2  }
0xb: {  	[smem:$0x3FAD] =	sst s3  }
0xc: {  	[smem:$0x3FAE] =	sst s4  }
0xd: {  	[smem:$0x3FAF] =	sst s5  }
0xe: {  	[smem:$0x3FB0] =	sst s6  }
0xf: {  	[smem:$0x3FB1] =	sst s7  }
0x10: {  	[smem:$0x3FB2] =	sst s8  }
0x11: {  	[smem:$0x3FB3] =	sst s9;
	s0 =	simm.s32 @!p0 $0x0  }
0x12: {  	s1 =	sld [smem:$0x3F99];
	s0 =	simm.s32 @p0 $0x1  }
0x13: {  	[smem:$0x3FB4] =	sst s0;
	s0 =	simm.s32 @!p1 $0x0  }
0x14: {  	s2 =	sld [smem:$0x3F98];
	s0 =	simm.s32 @p1 $0x1  }
0x15: {  	[smem:$0x3FB5] =	sst s0;
	s0 =	simm.s32 @!p2 $0x0  }
0x16: {  	s3 =	sld [smem:$0x3FDB];
	s0 =	simm.s32 @p2 $0x1  }
0x17: {  	s4 =	simm.s32 $0x1BF5;
	[smem:$0x3FB7] =	sst s0  }
0x18: {  	s0 =	sld [smem:$0x3F9A];
	_ =	swait.ge [sflag:s4], $0x0  }
0x19: {  	s7 =	sld [smem:$0x3F9B]  }
0x1a: {  	s8 =	sadd.s32 $0xFFFFE003, lr  }
0x1b: {  	s9 =	sadd.s32 $0xFFFFFEF7, lr;
	s5 =	simm.s32 $0xFFFFFFFF;
	p2 =	slt.u32 s8, $0xFFFFF086  }
0x1c: {  	p1 =	slt.u32 s9, $0xF7A;
	s5 =	simm.s32 @!p2 $0x0  }
0x1d: {  	s5 =	simm.s32 @p1 $0x1;
	p0 =	seq.s32 s7, s2  }
0x1e: {  	s7 =	smul.u32 @!p0 $0xF7A, s2;
	p2 =	seq.s32 @!p0 s5, $0x0  }
0x1f: {  	s9 =	smul.u32 $0xF7A, s1;
	s8 =	simm.s32 @!p0 $0x1BF5;
	p2 =	por !p2, p0  }
0x20: {  	[sflag:s8] =	ssyncset.s32 @!p0 $0xFFFFF086;
	s6 =	sadd.s32 @!p0 s3, s7;
	s7 =	simm.s32 @!p0 $0x108  }
0x21: {  	s3 =	sadd.s32 s3, s9;
	s6 =	sadd.s32 @!p0 $0x88, s6;
	s7 =	simm.s32 @p2 $0x1082  }
0x22: {  	[simem:s7], [sflag:s8] =	dma.local @!p0 [hbm:s6], $0xF7A  }
0x23: {  	s9 =	sor.u32 $0xD0000000, s2;
	s6 =	simm.s32 $0x108;
	_ =	swait.ge @!p0 [sflag:s8], $0x0  }
0x24: {  	s3 =	sadd.s32 $0x88, s3;
	s6 =	simm.s32 @!p1 $0x1082;
	[sflag:s4] =	ssyncset.s32 $0xFFFFF086  }
0x25: {  	[simem:s6], [sflag:s4] =	dma.local [hbm:s3], $0xF7A  }
0x26: {  	[smem:$0x3F9B] =	sst s1;
	(tag) =	ssettag s2;
	_ =	strace s9  }
0x27: {  	s1 =	sld [smem:$0x3FAB]  }
0x28: {  	s2 =	sld [smem:$0x3FAC]  }
0x29: {  	s4 =	sld [smem:$0x3FAE]  }
0x2a: {  	p0 =	seq.s32 s5, $0x0;
	s5 =	sld [smem:$0x3FAF]  }
0x2b: {  	s6 =	sld [smem:$0x3FB0]  }
0x2c: {  	s7 =	sld [smem:$0x3FB1]  }
0x2d: {  	s3 =	simm.s32 $0x108;
	s8 =	sld [smem:$0x3FB2]  }
0x2e: {  	s3 =	simm.s32 @!p0 $0x1082;
	s9 =	sld [smem:$0x3FB3]  }
0x2f: {  	lr =	sadd.s32 s0, s3;
	s0 =	sld [smem:$0x3FAA]  }
0x30: {  	s3 =	sld [smem:$0x3FAD]  }
0x31: {  	[smem:$0x3FB6] =	sst s10  }
0x32: {  	s10 =	sld [smem:$0x3FB4];
	_ =	sdelay $0x3  }
0x33: {  	p0 =	seq.s32 s10, $0x1;
	s10 =	sld [smem:$0x3FB6];
	_ =	sdelay $0x3  }
0x34: {  	[smem:$0x3FB6] =	sst s10  }
0x35: {  	s10 =	sld [smem:$0x3FB5];
	_ =	sdelay $0x3  }
0x36: {  	p1 =	seq.s32 s10, $0x1;
	s10 =	sld [smem:$0x3FB6];
	_ =	sdelay $0x3  }
0x37: {  	[smem:$0x3FB6] =	sst s10  }
0x38: {  	s10 =	sld [smem:$0x3FB7]  }
0x39: {  	_ = 	snop;
	(pc) =	sbr.ind lr, $3  }
0x3a: {  	_ = 	snop  }
0x3b: {  	_ = 	snop  }
0x3c: {  	p2 =	seq.s32 s10, $0x1;
	s10 =	sld [smem:$0x3FB6]  }
0x3d: {  	_ =	shalt  }
0x3e: {  	_ =	shalt  }
0x3f: {  	_ =	shalt  }
0x40: {  	_ =	shalt  }
0x41: {  	_ =	shalt  }
0x42: {  	_ =	shalt  }
0x43: {  	_ =	shalt  }
0x44: {  	_ =	shalt  }
0x45: {  	_ =	shalt  }
0x46: {  	_ =	shalt  }
0x47: {  	_ =	shalt  }
0x48: {  	_ =	shalt  }
0x49: {  	_ =	shalt  }
0x4a: {  	_ =	shalt  }
0x4b: {  	_ =	shalt  }
0x4c: {  	_ =	shalt  }
0x4d: {  	_ =	shalt  }
0x4e: {  	_ =	shalt  }
0x4f: {  	_ =	shalt  }
0x50: {  	_ =	shalt  }
0x51: {  	_ =	shalt  }
0x52: {  	_ =	shalt  }
0x53: {  	_ =	shalt  }
0x54: {  	_ =	shalt  }
0x55: {  	_ =	shalt  }
0x56: {  	_ =	shalt  }
0x57: {  	_ =	shalt  }
0x58: {  	_ =	shalt  }
0x59: {  	_ =	shalt  }
0x5a: {  	_ =	shalt  }
0x5b: {  	_ =	shalt  }
0x5c: {  	_ =	shalt  }
0x5d: {  	_ =	shalt  }
0x5e: {  	_ =	shalt  }
0x5f: {  	_ =	shalt  }
0x60: {  	_ =	shalt  }
0x61: {  	_ =	shalt  }
0x62: {  	_ =	shalt  }
0x63: {  	_ =	shalt  }
0x64: {  	_ =	shalt  }
0x65: {  	_ =	shalt  }
0x66: {  	_ =	shalt  }
0x67: {  	_ =	shalt  }
0x68: {  	_ =	shalt  }
0x69: {  	_ =	shalt  }
0x6a: {  	_ =	shalt  }
0x6b: {  	_ =	shalt  }
0x6c: {  	_ =	shalt  }
0x6d: {  	_ =	shalt  }
0x6e: {  	_ =	shalt  }
0x6f: {  	_ =	shalt  }
0x70: {  	_ =	shalt  }
0x71: {  	_ =	shalt  }
0x72: {  	_ =	shalt  }
0x73: {  	_ =	shalt  }
0x74: {  	_ =	shalt  }
0x75: {  	_ =	shalt  }
0x76: {  	_ =	shalt  }
0x77: {  	_ =	shalt  }
0x78: {  	_ =	shalt  }
0x79: {  	_ =	shalt  }
0x7a: {  	_ =	shalt  }
0x7b: {  	_ =	shalt  }
0x7c: {  	_ =	shalt  }
0x7d: {  	_ =	shalt  }
0x7e: {  	_ =	shalt  }
0x7f: {  	_ =	shalt  }
0x80: {  	_ =	shalt  }
0x81: {  	_ =	shalt  }
0x82: {  	_ =	shalt  }
0x83: {  	_ =	shalt  }
0x84: {  	_ =	shalt  }
0x85: {  	_ =	shalt  }
0x86: {  	_ =	shalt  }
0x87: {  	_ =	shalt  }
.Lfunc_end0:
.L_simem_size_0:
called_computation.1_lowered:
.L_overlay_start_0:
0x88: {  	s2 =	sld [smem:$0x3FD9]  }
0x89: {  	s3 =	sld [smem:$0x3FFE];
	_ =	sdelay $0x1  }
0x8a: {  	s1 =	srdreg.scid  }
0x8b: {  	s0 =	sand.u32 $0x1, s1  }
0x8c: {  	s16 =	sshll.u32 s0, $0xA;
	s2 =	sadd.s32 s3, s2  }
0x8d: {  	s2 =	sadd.s32 s2, s16  }
0x8e: {  	[smem:$0x3FC2] =	sst s2  }
0x8f: {  	_ = 	snop  }
0x90: {  	(tm) =	ssettm $0x1  }
0x91: {  	s17 =	sld [smem:$0x3FFB];
	_ =	sdelay $0x3  }
0x92: {  	_ =	strace s17  }
0x93: {  	s2 =	sld [smem:$0x3FFC];
	_ =	sdelay $0x3  }
0x94: {  	_ =	strace s2  }
0x95: {  	s2 =	sld [smem:$0x3FFD];
	_ =	sdelay $0x3  }
0x96: {  	_ =	strace s2  }
0x97: {  	_ =	strace $0x8FFFFFFF  }
0x98: {  	s18 =	sld [smem:$0x3FDB];
	_ =	sdelay $0x1  }
0x99: {  	s19 =	simm.s32 $_scs_section_size  }
0x9a: {  	s4 =	simm.s32 $_size__tile_overlayer_lowered;
	s5 =	simm.s32 $_tile_overlayer_lowered  }
0x9b: {  	s22 =	simm.s32 $0x1BFF;
	s21 =	sshll.u32 s5, $0x1;
	s2 =	sadd.s32 s19, s18  }
0x9c: {  	s6 =	simm.s32 $0x0;
	s20 =	sshll.u32 s4, $0x1;
	s4 =	sadd.s32 s21, s2  }
0x9d: {  	[timem:s6], [sflag:s22] =	dma.local [hbm:s4], s20  }
0x9e: {  	_ =	swait.ge [sflag:s22], s20  }
0x9f: {  	s3 =	ssub.s32 $0x0, s20;
	[sflag:s22] =	ssyncset.done $0x0  }
0xa0: {  	[sflag:s22] =	ssyncadd.s32 s3;
	_ =	sdelay $0x1  }
0xa1: {  	s23 =	simm.s32 $0x1B8B  }
0xa2: {  	_ =	swait.ge [sflag:s23], $0x1  }
0xa3: {  	[sflag:s23] =	ssyncset.done $0x0  }
0xa4: {  	s25 =	simm.s32 $0x1B8E;
	s24 =	sld [smem:$0x3FFE];
	[sflag:s23] =	ssyncadd.s32 $0xFFFFFFFF  }
0xa5: {  	s26 =	simm.s32 $execute0_lowered;
	[smem:$0x3FD2] =	sst s25  }
0xa6: {  	s4 =	sshll.u32 s26, $0x1;
	_ =	strace $0x80000049;
	[dreg:$0x1] =	wrdreg $0xFFFFFFFF  }
0xa7: {  	s28 =	simm.s32 $_size_execute0_lowered;
	s2 =	sadd.s32 s2, s4;
	[dreg:$0x0] =	wrdreg $0x0  }
0xa8: {  	s4 =	sshll.u32 s28, $0x1;
	[dreg:$0x2] =	wrdreg s2  }
0xa9: {  	[dreg:$0x3] =	wrdreg s4  }
0xaa: {  	[dreg:$0x4] =	wrdreg $0xC0  }
0xab: {  	_ =	task [dreg:s6], $0x5FFFF  }
0xac: {  	[dreg:$0x1] =	wrdreg $0xFFFFFFFF  }
0xad: {  	[dreg:$0x0] =	wrdreg $0x60  }
0xae: {  	[dreg:$0x2] =	wrdreg s24  }
0xaf: {  	[dreg:$0x3] =	wrdreg $0x90000  }
0xb0: {  	[dreg:$0x4] =	wrdreg $0x9  }
0xb1: {  	_ =	task.clear_ibuf [dreg:s6], $0x5FFFF;
	_ =	strace $0x90000049  }
0xb2: {  	s29 =	simm.s32 $0x9;
	_ =	strace $0x8000004B  }
0xb3: {  	_ =	swait.ge [sflag:s29], $0x1  }
0xb4: {  	[sflag:s29] =	ssyncadd.s32 $0xFFFFFFFF  }
0xb5: {  	_ =	strace $0x9000004B  }
0xb6: {  	_ =	sfence  }
0xb7: {  	s30 =	sld [smem:$0x0];
	_ =	sdelay $0x2  }
0xb8: {  	s31 =	sshll.u32 s1, $0xD;
	s1 =	sshrl.u32 s1, $0x2  }
0xb9: {  	s3 =	sand.u32 $0x4000, s31;
	s1 =	sadd.s32 s1, s30  }
0xba: {  	s0 =	sor.u32 s3, s0;
	s1 =	sshll.u32 s1, $0x11  }
0xbb: {  	s0 =	sor.u32 s1, s0  }
0xbc: {  	s0 =	sadd.s32 $0x8F2B, s0  }
0xbd: {  	[sflag:s0] =	ssyncadd.remote.s32 $0x1  }
0xbe: {  	_ =	sfence.sel $0xFFFF  }
0xbf: {  	[dreg:$0x0] =	wrdreg $0xFFFFFFFF;
	(pc) =	sbr.abs _section_cstart, $3  }
0xc0: {  	[dreg:$0x1] =	wrdreg $0xFFFFFFFF  }
0xc1: {  	_ =	task.clear_ibuf [dreg:s6], $0x2FFFF;
	_ =	strace $0x9FFFFFFF  }
0xc2: {  	(tm) =	ssettm $0x7FFFFFFF  }
0xc3: {  	_ =	shalt  }
tec
execute0_lowered:
.L_overlay_start_1:
0x0: {  	(tag) =	ssettag $0x1  }
0x1: {  	s0 =	rddreg [dreg:$0x0]  }
0x2: {  	s1 =	rddreg [dreg:$0x1];
	s3 =	simm.s32 $0x0  }
0x3: {  	s2 =	srdreg.scid;
	s24 =	stileid.u32;
	s22 =	simm.s32 $0x5000  }
0x4: {  	s23 =	simm.s32 $0x5;
	s28 =	simm.s32 $0x7000;
	s29 =	simm.s32 $0x2  }
0x5: {  	[smem:$0x7FF] =	sst s3;
	s2 =	sand.u32 $0x1, s2;
	s6 =	smul.u32 $0xA000, s24  }
0x6: {  	s5 =	sadd.s32 $0x3200, s0;
	s30 =	sadd.s32 $0xCD00, s0;
	s31 =	smul.u32 $0x28000, s24  }
0x7: {  	p5 =	seq.s32 s24, $0xF;
	s17 =	sadd.s32 $0x77E00, s0;
	s18 =	sadd.s32 $0x96000, s1  }
0x8: {  	s19 =	sadd.s32 $0x64400, s0;
	p1 =	sne.s32 s24, $0xF;
	_ =	strace $0x8000004A  }
0x9: {  	s4 =	sshll.u32 s2, $0x4;
	s8 =	ssub.s32 $0x2, s2;
	[dreg:$0x5] =	wrdreg s30  }
0xa: {  	p6 =	seq.s32 s2, $0x1;
	s7 =	sor.u32 s24, s4;
	s4 =	sadd.s32 $0x3DE00, s0  }
0xb: {  	s10 =	sshrl.u32 s6, $0x3;
	s11 =	sshrl.u32 s8, $0x1;
	s15 =	sadd.s32 s6, s1  }
0xc: {  	s24 =	simm.s32 $0x80;
	p2 =	por !p6, !p5;
	s9 =	smul.u32 $0x2800, s7  }
0xd: {  	p3 =	por p6, !p5;
	p4 =	por !p6, p5;
	s12 =	smul.u32 $0x500, s7  }
0xe: {  	s16 =	sadd.s32 s10, s0;
	s20 =	ssub.s32 s8, s11;
	p0 =	seq.s32 s7, $0x1F  }
0xf: {  	s8 =	sadd.s32 $0x16940, s0;
	s10 =	simm.s32 $0x3;
	s7 =	simm.s32 $0xA  }
0x10: {  	s0 =	simm.s32 $0x4;
	s10 =	simm.s32 @!p5 $0x5;
	s7 =	simm.s32 @!p0 $0x28  }
0x11: {  	s14 =	sadd.s32 $0x65200, s16;
	s16 =	sadd.s32 $0x51800, s16;
	s20 =	smax.u32 s20, $0x1  }
0x12: {  	p5 =	por p6, p5;
	s25 =	sshrl.u32 s9, $0x3;
	s26 =	sadd.s32 s5, s12  }
0x13: {  	s9 =	simm.s32 $0x3;
	s12 =	sadd.s32 $0x9C000, s1;
	s5 =	sadd.s32 s5, s25  }
0x14: {  	s13 =	sadd.s32 $0xFFFFFFFF, s7;
	[dreg:$0x3] =	wrdreg s26;
	s5 =	sadd.s32 $0x9C40, s5  }
0x15: {  	s21 =	ssub.s32 $0x2, s7;
	[dreg:$0x4] =	wrdreg s5;
	s5 =	sshrl.u32 s31, $0x2  }
0x16: {  	v0 =	vimm.f32 $0.0e+00;
	s25 =	simm.s32 $0x1;
	s26 =	simm.s32 $0x0;
	s11 =	sadd.s32 s5, s1  }
.LBB2_1:
0x17: {  	s2 =	simm.s32 @p0 $0x0;
	s3 =	rddreg [dreg:$0x5];
	s5 =	simm.s32 @p0 $0x5  }
0x18: {  	[tilespmem:s2], [sflag:$0x5] =	stream.linear.gather @p0 [hbm4b:s3+s2], $0xA00, $0x38;
	[tilespmem:$0x12C40] =	vst v63  }
0x19: {  	_ =	swait.ge @p0 [sflag:s5], $0xA00  }
0x1a: {  	[sflag:s5] =	ssyncset.done @p0 $0x0  }
0x1b: {  	s6 =	simm.s32 @p0 $0x2800;
	[sflag:s5] =	ssyncadd.s32 @p0 $0xFFFFF600  }
0x1c: {  	[tilespmem:s6], [sflag:$0x5] =	stream.linear.gather @p0 [hbm4b:s8+s2], $0xA00, $0x38;
	[tilespmem:$0x12C40] =	vst v63  }
0x1d: {  	_ =	swait.ge @p0 [sflag:s5], $0xA00  }
0x1e: {  	s2 =	simm.s32 @!p0 $0x0;
	[sflag:s5] =	ssyncset.done @p0 $0x0  }
0x1f: {  	s3 =	rddreg [dreg:$0x3];
	[sflag:s5] =	ssyncadd.s32 @p0 $0xFFFFF600;
	s5 =	simm.s32 @!p0 $0x5  }
0x20: {  	[tilespmem:s2], [sflag:$0x5] =	stream.linear.gather @!p0 [hbm4b:s3+s2], $0x2800, $0x38;
	[tilespmem:$0x12C40] =	vst v63  }
0x21: {  	_ =	swait.ge @!p0 [sflag:s5], $0x2800  }
0x22: {  	[sflag:s5] =	ssyncset.done @!p0 $0x0  }
0x23: {  	s6 =	simm.s32 @!p0 $0x2800;
	s3 =	rddreg [dreg:$0x4];
	[sflag:s5] =	ssyncadd.s32 @!p0 $0xFFFFD800  }
0x24: {  	[tilespmem:s6], [sflag:$0x5] =	stream.linear.gather @!p0 [hbm4b:s3+s2], $0x2800, $0x38;
	[tilespmem:$0x12C40] =	vst v63  }
0x25: {  	s6 =	simm.s32 $0x0  }
0x26: {  	s2 =	simm.s32 $0x40;
	_ =	swait.ge @!p0 [sflag:s5], $0x2800;
	s7 =	sand.u32 $0x7F00, s6  }
0x27: {  	s30 =	sand.u32 $0x30, s6;
	[sflag:s5] =	ssyncset.done @!p0 $0x0;
	s31 =	sshrl.u32 s7, $0x2  }
0x28: {  	[sflag:s5] =	ssyncadd.s32 @!p0 $0xFFFFD800;
	s6 =	sor.u32 s30, s31;
	s5 =	simm.s32 $0x0  }
.LBB2_2:
0x29: {  	p6 =	sne.s32 s2, $0x7FC0  }
0x2a: {  	[tilespmem:s6+$0x5000] =	vst v0;
	s5 =	sadd.s32 $0x10, s5;
	s6 =	smov.u32 s2;
	s2 =	sadd.s32 $0x40, s2  }
.Ltmp0:
0x2b: {  	(pc) =	sbr.rel @p6 .LBB2_2-.Ltmp0, $4  }
0x2c: {  	_ = 	snop  }
0x2d: {  	s6 =	sand.u32 $0x7F00, s6  }
0x2e: {  	s7 =	sand.u32 $0x30, s5;
	s6 =	sshrl.u32 s6, $0x2  }
0x2f: {  	s6 =	sor.u32 s7, s6  }
0x30: {  	p6 =	sne.s32 s10, $0x1  }
.Ltmp1:
0x31: {  	_ = 	snop;
	(pc) =	sbr.rel @!p6 .LBB2_5-.Ltmp1, $4  }
0x32: {  	[tilespmem:s6+$0x5000] =	vst v0  }
0x33: {  	[spmem:s11] =	stream.linear.scatter [tilespmem:s22], [sflag:$0x5], $0x2000, $0x38;
	[tilespmem:$0x12C40] =	vst v63  }
0x34: {  	_ =	swait.ge [sflag:s23], $0x2000  }
0x35: {  	s2 =	sadd.s32 $0xFFFFFFFF, s10;
	s5 =	smov.u32 s11;
	[sflag:s23] =	ssyncset.done $0x0  }
.LBB2_4:
0x36: {  	p6 =	sne.s32 s2, $0x1;
	[sflag:s23] =	ssyncadd.s32 $0xFFFFE000;
	s5 =	sadd.s32 $0x2000, s5  }
.Ltmp2:
0x37: {  	s2 =	sadd.s32 $0xFFFFFFFF, s2;
	(pc) =	sbr.rel @p6 .LBB2_4-.Ltmp2, $4  }
0x38: {  	_ = 	snop  }
0x39: {  	[spmem:s5] =	stream.linear.scatter [tilespmem:s22], [sflag:$0x5], $0x2000, $0x38;
	[tilespmem:$0x12C40] =	vst v63  }
0x3a: {  	_ =	swait.ge [sflag:s23], $0x2000  }
0x3b: {  	[sflag:s23] =	ssyncset.done $0x0  }
.LBB2_5:
0x3c: {  	[sflag:s23] =	ssyncadd.s32 $0xFFFFE000;
	s2 =	simm.s32 @!p1 $0x5000  }
0x3d: {  	[spmem:s12] =	stream.linear.scatter @!p1 [tilespmem:s2], [sflag:$0x5], $0x400, $0x38;
	[tilespmem:$0x12C40] =	vst v63  }
0x3e: {  	s2 =	simm.s32 @!p1 $0x5  }
0x3f: {  	_ =	swait.ge @!p1 [sflag:s2], $0x400  }
0x40: {  	[sflag:s2] =	ssyncset.done @!p1 $0x0  }
0x41: {  	[sflag:s2] =	ssyncadd.s32 @!p1 $0xFFFFFC00  }
0x42: {  	s5 =	simm.s32 $0x0;
	[bflag:$0x0] =	sbarrier.arrive $0xFFFF  }
0x43: {  	[tilespmem:s22], [sflag:$0x1] =	stream.indirect.gather [hbm4b:s4+s24], $0x40, s5, s24, $0xb8;
	[tilespmem:$0x12C40] =	vst v63  }
0x44: {  	_ =	swait.ge [sflag:s25], $0x2000  }
0x45: {  	[sflag:s25] =	ssyncset.done $0x0  }
0x46: {  	s6 =	simm.s32 $0x2800;
	[sflag:s25] =	ssyncadd.s32 $0xFFFFE000  }
0x47: {  	[spmem:s1] =	stream.indirect.scatter.add.f32 [tilespmem:s22], [sflag:$0x3], $0x40, s6, s24, $0xb8;
	[tilespmem:$0x12C40] =	vst v63  }
0x48: {  	_ = 	snop  }
0x49: {  	[tilespmem:s28], [sflag:$0x2] =	stream.indirect.gather [hbm4b:s4+s24], $0x40, s24, s24, $0xb8;
	[tilespmem:$0x12C40] =	vst v63  }
0x4a: {  	_ =	swait.ge [sflag:s29], $0x2000  }
0x4b: {  	[sflag:s29] =	ssyncset.done $0x0  }
0x4c: {  	s7 =	simm.s32 $0x2880;
	[sflag:s29] =	ssyncadd.s32 $0xFFFFE000  }
0x4d: {  	[spmem:s1] =	stream.indirect.scatter.add.f32 [tilespmem:s28], [sflag:$0x4], $0x40, s7, s24, $0xb8;
	[tilespmem:$0x12C40] =	vst v63  }
0x4e: {  	_ =	swait.ge [sflag:s9], $0x2000  }
0x4f: {  	[sflag:s9] =	ssyncset.done $0x0  }
0x50: {  	s3 =	simm.s32 $0x100;
	[sflag:s9] =	ssyncadd.s32 $0xFFFFE000  }
0x51: {  	[tilespmem:s22], [sflag:$0x1] =	stream.indirect.gather [hbm4b:s4+s24], $0x40, s3, s24, $0xb8;
	[tilespmem:$0x12C40] =	vst v63  }
0x52: {  	_ =	swait.ge [sflag:s25], $0x2000  }
0x53: {  	[sflag:s25] =	ssyncset.done $0x0  }
0x54: {  	s6 =	simm.s32 $0x2900;
	[sflag:s25] =	ssyncadd.s32 $0xFFFFE000  }
0x55: {  	[spmem:s1] =	stream.indirect.scatter.add.f32 [tilespmem:s22], [sflag:$0x3], $0x40, s6, s24, $0xb8;
	[tilespmem:$0x12C40] =	vst v63  }
0x56: {  	_ =	swait.ge [sflag:s0], $0x2000  }
0x57: {  	[sflag:s0] =	ssyncset.done $0x0  }
0x58: {  	s5 =	simm.s32 $0x180;
	[sflag:s0] =	ssyncadd.s32 $0xFFFFE000  }
0x59: {  	[tilespmem:s28], [sflag:$0x2] =	stream.indirect.gather [hbm4b:s4+s24], $0x40, s5, s24, $0xb8;
	[tilespmem:$0x12C40] =	vst v63  }
0x5a: {  	_ =	swait.ge [sflag:s29], $0x2000  }
0x5b: {  	p6 =	sne.s32 s21, $0xFFFFFFFF;
	[sflag:s29] =	ssyncset.done $0x0  }
.Ltmp3:
0x5c: {  	s7 =	simm.s32 $0x2980;
	[sflag:s29] =	ssyncadd.s32 $0xFFFFE000;
	(pc) =	sbr.rel @!p6 .LBB2_7-.Ltmp3, $4  }
0x5d: {  	[spmem:s1] =	stream.indirect.scatter.add.f32 [tilespmem:s28], [sflag:$0x4], $0x40, s7, s24, $0xb8;
	[tilespmem:$0x12C40] =	vst v63  }
0x5e: {  	s31 =	simm.s32 $0x300;
	_ =	swait.ge [sflag:s9], $0x2000  }
0x5f: {  	s30 =	simm.s32 $0x2A00;
	s2 =	simm.s32 $0xFFFFFFFF;
	[sflag:s9] =	ssyncset.done $0x0  }
0x60: {  	s5 =	simm.s32 $0x200;
	s7 =	simm.s32 $0x200;
	[sflag:s9] =	ssyncadd.s32 $0xFFFFE000  }
.LBB2_6:
0x61: {  	s5 =	smov.u32 s31;
	s6 =	smov.u32 s30  }
0x62: {  	[tilespmem:s22], [sflag:$0x1] =	stream.indirect.gather [hbm4b:s4+s24], $0x40, s7, s24, $0xb8;
	[tilespmem:$0x12C40] =	vst v63  }
0x63: {  	s2 =	sadd.s32 $0xFFFFFFFF, s2;
	s7 =	smov.u32 s31;
	_ =	swait.ge [sflag:s25], $0x2000  }
0x64: {  	p6 =	sne.s32 s21, s2;
	[sflag:s25] =	ssyncset.done $0x0  }
0x65: {  	[sflag:s25] =	ssyncadd.s32 $0xFFFFE000  }
0x66: {  	[spmem:s1] =	stream.indirect.scatter.add.f32 [tilespmem:s22], [sflag:$0x3], $0x40, s30, s24, $0xb8;
	[tilespmem:$0x12C40] =	vst v63  }
0x67: {  	_ =	swait.ge [sflag:s0], $0x2000  }
0x68: {  	[sflag:s0] =	ssyncset.done $0x0  }
0x69: {  	s3 =	sadd.s32 $0xFFFFFF80, s31;
	[sflag:s0] =	ssyncadd.s32 $0xFFFFE000  }
0x6a: {  	[tilespmem:s28], [sflag:$0x2] =	stream.indirect.gather [hbm4b:s4+s24], $0x40, s3, s24, $0xb8;
	[tilespmem:$0x12C40] =	vst v63  }
0x6b: {  	_ =	swait.ge [sflag:s29], $0x2000  }
0x6c: {  	[sflag:s29] =	ssyncset.done $0x0  }
.Ltmp4:
0x6d: {  	s3 =	sadd.s32 $0x80, s30;
	[sflag:s29] =	ssyncadd.s32 $0xFFFFE000;
	(pc) =	sbr.rel @p6 .LBB2_6-.Ltmp4, $4  }
0x6e: {  	[spmem:s1] =	stream.indirect.scatter.add.f32 [tilespmem:s28], [sflag:$0x4], $0x40, s3, s24, $0xb8;
	[tilespmem:$0x12C40] =	vst v63  }
0x6f: {  	_ =	swait.ge [sflag:s9], $0x2000  }
0x70: {  	[sflag:s9] =	ssyncset.done $0x0  }
0x71: {  	s31 =	sadd.s32 $0x100, s31;
	s30 =	sadd.s32 $0x100, s30;
	[sflag:s9] =	ssyncadd.s32 $0xFFFFE000  }
.LBB2_7:
0x72: {  	[tilespmem:s22], [sflag:$0x1] =	stream.indirect.gather [hbm4b:s4+s24], $0x40, s7, s24, $0xb8;
	[tilespmem:$0x12C40] =	vst v63  }
0x73: {  	_ =	swait.ge [sflag:s25], $0x2000  }
0x74: {  	[sflag:s25] =	ssyncset.done $0x0  }
0x75: {  	[sflag:s25] =	ssyncadd.s32 $0xFFFFE000  }
0x76: {  	[spmem:s1] =	stream.indirect.scatter.add.f32 [tilespmem:s22], [sflag:$0x3], $0x40, s30, s24, $0xb8;
	[tilespmem:$0x12C40] =	vst v63  }
0x77: {  	_ =	swait.ge [sflag:s0], $0x2000  }
0x78: {  	[sflag:s0] =	ssyncset.done $0x0  }
0x79: {  	s3 =	sadd.s32 $0x80, s5;
	[sflag:s0] =	ssyncadd.s32 $0xFFFFE000  }
0x7a: {  	[tilespmem:s28], [sflag:$0x2] =	stream.indirect.gather [hbm4b:s4+s24], $0x40, s3, s24, $0xb8;
	[tilespmem:$0x12C40] =	vst v63  }
0x7b: {  	_ =	swait.ge [sflag:s29], $0x2000  }
0x7c: {  	[sflag:s29] =	ssyncset.done $0x0  }
0x7d: {  	s30 =	sadd.s32 $0x180, s6;
	[sflag:s29] =	ssyncadd.s32 $0xFFFFE000  }
0x7e: {  	[spmem:s1] =	stream.indirect.scatter.add.f32 [tilespmem:s28], [sflag:$0x4], $0x40, s30, s24, $0xb8;
	[tilespmem:$0x12C40] =	vst v63  }
0x7f: {  	s2 =	ssub.s32 $0x1, s2;
	_ =	swait.ge [sflag:s9], $0x2000  }
0x80: {  	p6 =	sge.u32 s2, s13;
	[sflag:s9] =	ssyncset.done $0x0  }
0x81: {  	s2 =	simm.s32 @!p6 $0x80;
	s3 =	simm.s32 @!p6 $0x5000;
	[sflag:s9] =	ssyncadd.s32 $0xFFFFE000  }
0x82: {  	[tilespmem:s3], [sflag:$0x1] =	stream.indirect.gather @!p6 [hbm4b:s4+s2], $0x40, s31, s2, $0xb8;
	[tilespmem:$0x12C40] =	vst v63  }
0x83: {  	_ =	swait.ge [sflag:s0], $0x2000  }
0x84: {  	[sflag:s0] =	ssyncset.done $0x0  }
0x85: {  	[sflag:s0] =	ssyncadd.s32 $0xFFFFE000  }
0x86: {  	s2 =	sshrl.u32 @!p2 s18, $0x3;
	s3 =	simm.s32 @!p2 $0x1FC5;
	[bflag:$0x0] =	sbarrier.arrive $0xFFFF  }
0x87: {  	[hbm:s19], [sflag:s3] =	dma.local @!p2 [spmem:s2], $0xC80  }
0x88: {  	s2 =	simm.s32 @!p2 $0x5  }
0x89: {  	_ =	swait.ge @!p2 [sflag:s2], $0xC80  }
0x8a: {  	[sflag:s2] =	ssyncset.done @!p2 $0x0  }
0x8b: {  	s3 =	simm.s32 @!p3 $0x1FC5;
	[sflag:s2] =	ssyncadd.s32 @!p2 $0xFFFFF380;
	s2 =	sshrl.u32 @!p3 s18, $0x3  }
0x8c: {  	[hbm:s17], [sflag:s3] =	dma.local @!p3 [spmem:s2], $0xC80  }
0x8d: {  	s2 =	simm.s32 @!p3 $0x5  }
0x8e: {  	s6 =	stileid.u32;
	_ =	swait.ge @!p3 [sflag:s2], $0xC80  }
0x8f: {  	s3 =	sshll.u32 @!p4 s6, $0x6;
	[sflag:s2] =	ssyncset.done @!p3 $0x0  }
0x90: {  	[sflag:s2] =	ssyncadd.s32 @!p3 $0xFFFFF380;
	s2 =	sor.u32 @!p4 $0x1C05, s3;
	s3 =	sshrl.u32 @!p4 s15, $0x3  }
0x91: {  	[hbm:s16], [sflag:s2] =	dma.local @!p4 [spmem:s3], $0x1400  }
0x92: {  	s2 =	simm.s32 @!p4 $0x5  }
0x93: {  	s26 =	sadd.s32 $0x1, s26;
	_ =	swait.ge @!p4 [sflag:s2], $0x1400  }
0x94: {  	p6 =	sne.s32 s26, s20;
	s3 =	sshll.u32 @!p5 s6, $0x6;
	[sflag:s2] =	ssyncset.done @!p4 $0x0  }
0x95: {  	[sflag:s2] =	ssyncadd.s32 @!p4 $0xFFFFEC00;
	s2 =	sor.u32 @!p5 $0x1C05, s3;
	s3 =	sshrl.u32 @!p5 s15, $0x3  }
0x96: {  	[hbm:s14], [sflag:s2] =	dma.local @!p5 [spmem:s3], $0x1400  }
.Ltmp5:
0x97: {  	_ = 	snop;
	(pc) =	sbr.rel @p6 .LBB2_1-.Ltmp5, $4  }
0x98: {  	s2 =	simm.s32 @!p5 $0x5  }
0x99: {  	_ =	swait.ge @!p5 [sflag:s2], $0x1400  }
0x9a: {  	[sflag:s2] =	ssyncset.done @!p5 $0x0  }
0x9b: {  	s5 =	stileid.u32;
	[sflag:s2] =	ssyncadd.s32 @!p5 $0xFFFFEC00  }
0x9c: {  	_ =	sfence.sel $0x180000  }
0x9d: {  	[bflag:$0x0] =	sbarrier.arrive $0xFFFF  }
0x9e: {  	_ =	strace $0x9000004A  }
0x9f: {  	[bflag:$0x2] =	sbarrier.arrive $0xFFFF  }
0xa0: {  	p0 =	sne.s32 s5, $0x0;
	s0 =	rddreg [dreg:$0x2]  }
0xa1: {  	s0 =	sadd.s32 @!p0 $0x100000, s0  }
0xa2: {  	[sflag:s0] =	ssyncadd.tile.s32 @!p0 $0x1;
	_ =	shalt  }
.Lfunc_end2:
_tile_overlayer_lowered:
.L_overlay_start_2:
0xa3: {  	(tag) =	ssettag $0x2  }
0xa4: {  	s0 =	rddreg [dreg:$0x0];
	s2 =	stileid.u32  }
0xa5: {  	s1 =	rddreg [dreg:$0x1];
	p0 =	sne.s32 s2, $0x0  }
0xa6: {  	s3 =	rddreg [dreg:$0x2];
	[bflag:$0x3] =	sbarrier.arrive $0xFFFF;
	s2 =	simm.s32 @!p0 $0x1C05  }
0xa7: {  	[timem:s3], [sflag:s2] =	dma.local @!p0 [hbm:s0], s1  }
0xa8: {  	s0 =	simm.s32 @!p0 $0x5  }
0xa9: {  	_ =	swait.ge @!p0 [sflag:s0], s1  }
0xaa: {  	s1 =	ssub.s32 @!p0 $0x0, s1;
	[sflag:s0] =	ssyncset.done @!p0 $0x0  }
0xab: {  	[sflag:s0] =	ssyncadd.s32 @!p0 s1  }
0xac: {  	[bflag:$0x3] =	sbarrier.arrive $0xFFFF  }
0xad: {  	_ =	shalt  }

// kernel: kernel.14.cloned.1.call-start
scs
__scs_entry_jumppad:
0x0: {  	(pc) =	sbr.rel $0x88, $3  }
0x1: {  	(tag) =	ssettag $0x0;
	lr =	simm.s32 $0x1  }
0x2: {  	[smem:$0x3F9B] =	sst lr;
	_ =	strace $0xD0000000  }
0x3: {  	_ = 	snop  }
0x4: {  	_ = 	snop  }
0x5: {  	_ = 	snop  }
0x6: {  	_ = 	snop  }
0x7: {  	_ = 	snop  }
__scs_overlays_trampoline_lowered:
0x8: {  	[smem:$0x3FAA] =	sst s0  }
0x9: {  	[smem:$0x3FAB] =	sst s1  }
0xa: {  	[smem:$0x3FAC] =	sst s2  }
0xb: {  	[smem:$0x3FAD] =	sst s3  }
0xc: {  	[smem:$0x3FAE] =	sst s4  }
0xd: {  	[smem:$0x3FAF] =	sst s5  }
0xe: {  	[smem:$0x3FB0] =	sst s6  }
0xf: {  	[smem:$0x3FB1] =	sst s7  }
0x10: {  	[smem:$0x3FB2] =	sst s8  }
0x11: {  	[smem:$0x3FB3] =	sst s9;
	s0 =	simm.s32 @!p0 $0x0  }
0x12: {  	s1 =	sld [smem:$0x3F99];
	s0 =	simm.s32 @p0 $0x1  }
0x13: {  	[smem:$0x3FB4] =	sst s0;
	s0 =	simm.s32 @!p1 $0x0  }
0x14: {  	s2 =	sld [smem:$0x3F98];
	s0 =	simm.s32 @p1 $0x1  }
0x15: {  	[smem:$0x3FB5] =	sst s0;
	s0 =	simm.s32 @!p2 $0x0  }
0x16: {  	s3 =	sld [smem:$0x3FDB];
	s0 =	simm.s32 @p2 $0x1  }
0x17: {  	s4 =	simm.s32 $0x1BF5;
	[smem:$0x3FB7] =	sst s0  }
0x18: {  	s0 =	sld [smem:$0x3F9A];
	_ =	swait.ge [sflag:s4], $0x0  }
0x19: {  	s7 =	sld [smem:$0x3F9B]  }
0x1a: {  	s8 =	sadd.s32 $0xFFFFE003, lr  }
0x1b: {  	s9 =	sadd.s32 $0xFFFFFEF7, lr;
	s5 =	simm.s32 $0xFFFFFFFF;
	p2 =	slt.u32 s8, $0xFFFFF086  }
0x1c: {  	p1 =	slt.u32 s9, $0xF7A;
	s5 =	simm.s32 @!p2 $0x0  }
0x1d: {  	s5 =	simm.s32 @p1 $0x1;
	p0 =	seq.s32 s7, s2  }
0x1e: {  	s7 =	smul.u32 @!p0 $0xF7A, s2;
	p2 =	seq.s32 @!p0 s5, $0x0  }
0x1f: {  	s9 =	smul.u32 $0xF7A, s1;
	s8 =	simm.s32 @!p0 $0x1BF5;
	p2 =	por !p2, p0  }
0x20: {  	[sflag:s8] =	ssyncset.s32 @!p0 $0xFFFFF086;
	s6 =	sadd.s32 @!p0 s3, s7;
	s7 =	simm.s32 @!p0 $0x108  }
0x21: {  	s3 =	sadd.s32 s3, s9;
	s6 =	sadd.s32 @!p0 $0x88, s6;
	s7 =	simm.s32 @p2 $0x1082  }
0x22: {  	[simem:s7], [sflag:s8] =	dma.local @!p0 [hbm:s6], $0xF7A  }
0x23: {  	s9 =	sor.u32 $0xD0000000, s2;
	s6 =	simm.s32 $0x108;
	_ =	swait.ge @!p0 [sflag:s8], $0x0  }
0x24: {  	s3 =	sadd.s32 $0x88, s3;
	s6 =	simm.s32 @!p1 $0x1082;
	[sflag:s4] =	ssyncset.s32 $0xFFFFF086  }
0x25: {  	[simem:s6], [sflag:s4] =	dma.local [hbm:s3], $0xF7A  }
0x26: {  	[smem:$0x3F9B] =	sst s1;
	(tag) =	ssettag s2;
	_ =	strace s9  }
0x27: {  	s1 =	sld [smem:$0x3FAB]  }
0x28: {  	s2 =	sld [smem:$0x3FAC]  }
0x29: {  	s4 =	sld [smem:$0x3FAE]  }
0x2a: {  	p0 =	seq.s32 s5, $0x0;
	s5 =	sld [smem:$0x3FAF]  }
0x2b: {  	s6 =	sld [smem:$0x3FB0]  }
0x2c: {  	s7 =	sld [smem:$0x3FB1]  }
0x2d: {  	s3 =	simm.s32 $0x108;
	s8 =	sld [smem:$0x3FB2]  }
0x2e: {  	s3 =	simm.s32 @!p0 $0x1082;
	s9 =	sld [smem:$0x3FB3]  }
0x2f: {  	lr =	sadd.s32 s0, s3;
	s0 =	sld [smem:$0x3FAA]  }
0x30: {  	s3 =	sld [smem:$0x3FAD]  }
0x31: {  	[smem:$0x3FB6] =	sst s10  }
0x32: {  	s10 =	sld [smem:$0x3FB4];
	_ =	sdelay $0x3  }
0x33: {  	p0 =	seq.s32 s10, $0x1;
	s10 =	sld [smem:$0x3FB6];
	_ =	sdelay $0x3  }
0x34: {  	[smem:$0x3FB6] =	sst s10  }
0x35: {  	s10 =	sld [smem:$0x3FB5];
	_ =	sdelay $0x3  }
0x36: {  	p1 =	seq.s32 s10, $0x1;
	s10 =	sld [smem:$0x3FB6];
	_ =	sdelay $0x3  }
0x37: {  	[smem:$0x3FB6] =	sst s10  }
0x38: {  	s10 =	sld [smem:$0x3FB7]  }
0x39: {  	_ = 	snop;
	(pc) =	sbr.ind lr, $3  }
0x3a: {  	_ = 	snop  }
0x3b: {  	_ = 	snop  }
0x3c: {  	p2 =	seq.s32 s10, $0x1;
	s10 =	sld [smem:$0x3FB6]  }
0x3d: {  	_ =	shalt  }
0x3e: {  	_ =	shalt  }
0x3f: {  	_ =	shalt  }
0x40: {  	_ =	shalt  }
0x41: {  	_ =	shalt  }
0x42: {  	_ =	shalt  }
0x43: {  	_ =	shalt  }
0x44: {  	_ =	shalt  }
0x45: {  	_ =	shalt  }
0x46: {  	_ =	shalt  }
0x47: {  	_ =	shalt  }
0x48: {  	_ =	shalt  }
0x49: {  	_ =	shalt  }
0x4a: {  	_ =	shalt  }
0x4b: {  	_ =	shalt  }
0x4c: {  	_ =	shalt  }
0x4d: {  	_ =	shalt  }
0x4e: {  	_ =	shalt  }
0x4f: {  	_ =	shalt  }
0x50: {  	_ =	shalt  }
0x51: {  	_ =	shalt  }
0x52: {  	_ =	shalt  }
0x53: {  	_ =	shalt  }
0x54: {  	_ =	shalt  }
0x55: {  	_ =	shalt  }
0x56: {  	_ =	shalt  }
0x57: {  	_ =	shalt  }
0x58: {  	_ =	shalt  }
0x59: {  	_ =	shalt  }
0x5a: {  	_ =	shalt  }
0x5b: {  	_ =	shalt  }
0x5c: {  	_ =	shalt  }
0x5d: {  	_ =	shalt  }
0x5e: {  	_ =	shalt  }
0x5f: {  	_ =	shalt  }
0x60: {  	_ =	shalt  }
0x61: {  	_ =	shalt  }
0x62: {  	_ =	shalt  }
0x63: {  	_ =	shalt  }
0x64: {  	_ =	shalt  }
0x65: {  	_ =	shalt  }
0x66: {  	_ =	shalt  }
0x67: {  	_ =	shalt  }
0x68: {  	_ =	shalt  }
0x69: {  	_ =	shalt  }
0x6a: {  	_ =	shalt  }
0x6b: {  	_ =	shalt  }
0x6c: {  	_ =	shalt  }
0x6d: {  	_ =	shalt  }
0x6e: {  	_ =	shalt  }
0x6f: {  	_ =	shalt  }
0x70: {  	_ =	shalt  }
0x71: {  	_ =	shalt  }
0x72: {  	_ =	shalt  }
0x73: {  	_ =	shalt  }
0x74: {  	_ =	shalt  }
0x75: {  	_ =	shalt  }
0x76: {  	_ =	shalt  }
0x77: {  	_ =	shalt  }
0x78: {  	_ =	shalt  }
0x79: {  	_ =	shalt  }
0x7a: {  	_ =	shalt  }
0x7b: {  	_ =	shalt  }
0x7c: {  	_ =	shalt  }
0x7d: {  	_ =	shalt  }
0x7e: {  	_ =	shalt  }
0x7f: {  	_ =	shalt  }
0x80: {  	_ =	shalt  }
0x81: {  	_ =	shalt  }
0x82: {  	_ =	shalt  }
0x83: {  	_ =	shalt  }
0x84: {  	_ =	shalt  }
0x85: {  	_ =	shalt  }
0x86: {  	_ =	shalt  }
0x87: {  	_ =	shalt  }
.Lfunc_end0:
.L_simem_size_0:
called_computation.2_lowered:
.L_overlay_start_0:
0x88: {  	s2 =	sld [smem:$0x3FD9]  }
0x89: {  	s3 =	sld [smem:$0x3FFE];
	_ =	sdelay $0x1  }
0x8a: {  	s1 =	srdreg.scid  }
0x8b: {  	s0 =	sand.u32 $0x1, s1  }
0x8c: {  	s17 =	sshll.u32 s0, $0xA;
	s2 =	sadd.s32 s3, s2  }
0x8d: {  	s2 =	sadd.s32 s2, s17  }
0x8e: {  	[smem:$0x3FC2] =	sst s2  }
0x8f: {  	_ = 	snop  }
0x90: {  	s2 =	sld [smem:$0x3FD0];
	(tm) =	ssettm $0x1  }
0x91: {  	s18 =	sld [smem:$0x3FFB];
	_ =	sdelay $0x3  }
0x92: {  	_ =	strace s18  }
0x93: {  	s3 =	sld [smem:$0x3FFC];
	_ =	sdelay $0x3  }
0x94: {  	_ =	strace s3  }
0x95: {  	s3 =	sld [smem:$0x3FFD];
	_ =	sdelay $0x3  }
0x96: {  	_ =	strace s3  }
0x97: {  	_ =	strace $0x8FFFFFFF  }
0x98: {  	s19 =	sld [smem:$0x3FDB];
	_ =	sdelay $0x1  }
0x99: {  	s4 =	simm.s32 $_scs_section_size  }
0x9a: {  	s5 =	simm.s32 $_size__tile_overlayer_lowered;
	s6 =	simm.s32 $_tile_overlayer_lowered  }
0x9b: {  	s22 =	simm.s32 $0x1BFF;
	s21 =	sshll.u32 s6, $0x1;
	s3 =	sadd.s32 s4, s19  }
0x9c: {  	s7 =	simm.s32 $0x0;
	s20 =	sshll.u32 s5, $0x1;
	s5 =	sadd.s32 s21, s3  }
0x9d: {  	[timem:s7], [sflag:s22] =	dma.local [hbm:s5], s20  }
0x9e: {  	_ =	swait.ge [sflag:s22], s20  }
0x9f: {  	s4 =	ssub.s32 $0x0, s20;
	[sflag:s22] =	ssyncset.done $0x0  }
0xa0: {  	[sflag:s22] =	ssyncadd.s32 s4;
	_ =	sdelay $0x1  }
0xa1: {  	s23 =	simm.s32 $0x1B8B  }
0xa2: {  	_ =	swait.ge [sflag:s23], $0x1  }
0xa3: {  	[sflag:s23] =	ssyncset.done $0x0  }
0xa4: {  	s25 =	simm.s32 $0x1B8E;
	s24 =	sld [smem:$0x3FFE];
	[sflag:s23] =	ssyncadd.s32 $0xFFFFFFFF  }
0xa5: {  	s26 =	simm.s32 $execute0_lowered;
	[smem:$0x3FD2] =	sst s25  }
0xa6: {  	s5 =	sshll.u32 s26, $0x1;
	_ =	strace $0x8000004C;
	[dreg:$0x1] =	wrdreg $0xFFFFFFFF  }
0xa7: {  	s28 =	simm.s32 $_size_execute0_lowered;
	s3 =	sadd.s32 s3, s5;
	[dreg:$0x0] =	wrdreg $0x0  }
0xa8: {  	s5 =	sshll.u32 s28, $0x1;
	[dreg:$0x2] =	wrdreg s3  }
0xa9: {  	[dreg:$0x3] =	wrdreg s5  }
0xaa: {  	[dreg:$0x4] =	wrdreg $0xC0  }
0xab: {  	_ =	task [dreg:s7], $0x5FFFF  }
0xac: {  	[dreg:$0x1] =	wrdreg $0xFFFFFFFF  }
0xad: {  	[dreg:$0x0] =	wrdreg $0x60  }
0xae: {  	[dreg:$0x2] =	wrdreg s24  }
0xaf: {  	[dreg:$0x3] =	wrdreg s2  }
0xb0: {  	[dreg:$0x4] =	wrdreg $0x70000  }
0xb1: {  	[dreg:$0x5] =	wrdreg $0x9  }
0xb2: {  	_ =	task.clear_ibuf [dreg:s7], $0x6FFFF;
	_ =	strace $0x9000004C  }
0xb3: {  	s29 =	simm.s32 $0x9;
	_ =	strace $0x8000004E  }
0xb4: {  	_ =	swait.ge [sflag:s29], $0x1  }
0xb5: {  	[sflag:s29] =	ssyncadd.s32 $0xFFFFFFFF  }
0xb6: {  	_ =	strace $0x9000004E  }
0xb7: {  	_ =	sfence  }
0xb8: {  	s30 =	sld [smem:$0x0];
	_ =	sdelay $0x2  }
0xb9: {  	s31 =	sshll.u32 s1, $0xD;
	s1 =	sshrl.u32 s1, $0x2  }
0xba: {  	s3 =	sand.u32 $0x4000, s31;
	s1 =	sadd.s32 s1, s30  }
0xbb: {  	s0 =	sor.u32 s3, s0;
	s1 =	sshll.u32 s1, $0x11  }
0xbc: {  	s0 =	sor.u32 s1, s0  }
0xbd: {  	s0 =	sadd.s32 $0x8F2B, s0  }
0xbe: {  	[sflag:s0] =	ssyncadd.remote.s32 $0x1  }
0xbf: {  	_ =	sfence.sel $0xFFFF  }
0xc0: {  	[dreg:$0x0] =	wrdreg $0xFFFFFFFF;
	(pc) =	sbr.abs _section_cstart, $3  }
0xc1: {  	[dreg:$0x1] =	wrdreg $0xFFFFFFFF  }
0xc2: {  	_ =	task.clear_ibuf [dreg:s7], $0x2FFFF;
	_ =	strace $0x9FFFFFFF  }
0xc3: {  	(tm) =	ssettm $0x7FFFFFFF  }
tec
execute0_lowered:
.L_overlay_start_1:
0x0: {  	(tag) =	ssettag $0x1  }
0x1: {  	s0 =	rddreg [dreg:$0x0]  }
0x2: {  	s1 =	rddreg [dreg:$0x1]  }
0x3: {  	s2 =	rddreg [dreg:$0x2]  }
0x4: {  	s3 =	srdreg.scid;
	s5 =	simm.s32 $0x0;
	s22 =	simm.s32 $0x5000  }
0x5: {  	s28 =	simm.s32 $0x6000;
	s29 =	simm.s32 $0x2;
	s4 =	sand.u32 $0x1, s3  }
0x6: {  	[smem:$0x7FF] =	sst s5;
	s3 =	stileid.u32;
	s7 =	sadd.s32 $0x3200, s0  }
0x7: {  	s30 =	sadd.s32 $0xCD00, s0;
	s17 =	sadd.s32 $0x51200, s0;
	s18 =	sadd.s32 $0x4B000, s2  }
0x8: {  	s19 =	sadd.s32 $0x47400, s0;
	s23 =	sshll.u32 s4, $0x4;
	_ =	strace $0x8000004D  }
0x9: {  	s6 =	smul.u32 $0x5000, s3;
	s8 =	ssub.s32 $0x2, s4;
	[dreg:$0x6] =	wrdreg s30  }
0xa: {  	s31 =	smul.u32 $0x14000, s3;
	p5 =	seq.s32 s3, $0xF;
	p6 =	seq.s32 s4, $0x1  }
0xb: {  	p1 =	sne.s32 s3, $0xF;
	s5 =	sor.u32 s3, s23;
	s11 =	sshrl.u32 s8, $0x1  }
0xc: {  	s23 =	simm.s32 $0x5;
	p2 =	por !p6, !p5;
	p3 =	por p6, !p5  }
0xd: {  	p4 =	por !p6, p5;
	s9 =	smul.u32 $0x2800, s5;
	s10 =	sshrl.u32 s6, $0x3  }
0xe: {  	s12 =	smul.u32 $0x500, s5;
	s20 =	ssub.s32 s8, s11;
	p0 =	seq.s32 s5, $0x1F  }
0xf: {  	s8 =	sadd.s32 $0x16940, s0;
	s15 =	sadd.s32 s6, s2;
	s16 =	sadd.s32 s10, s0  }
0x10: {  	s10 =	simm.s32 $0x3;
	s20 =	smax.u32 s20, $0x1;
	s0 =	simm.s32 $0x4  }
0x11: {  	s24 =	sshrl.u32 s9, $0x3;
	s25 =	sadd.s32 s7, s12;
	s9 =	simm.s32 $0x3  }
0x12: {  	s10 =	simm.s32 @!p5 $0x5;
	s12 =	sadd.s32 $0x4E000, s2;
	s14 =	sadd.s32 $0x47C00, s16  }
0x13: {  	s16 =	sadd.s32 $0x3DE00, s16;
	p5 =	por p6, p5;
	[dreg:$0x4] =	wrdreg s25  }
0x14: {  	s26 =	sadd.s32 s7, s24;
	s7 =	simm.s32 $0xA;
	s24 =	simm.s32 $0x80  }
0x15: {  	s25 =	simm.s32 $0x1;
	s5 =	sadd.s32 $0x9C40, s26;
	s7 =	simm.s32 @!p0 $0x28  }
0x16: {  	s26 =	simm.s32 $0x0;
	[dreg:$0x5] =	wrdreg s5;
	s5 =	sshrl.u32 s31, $0x2  }
0x17: {  	v0 =	vimm.f32 $0.0e+00;
	s13 =	sadd.s32 $0xFFFFFFFF, s7;
	s21 =	ssub.s32 $0x2, s7;
	s11 =	sadd.s32 s5, s2  }
.LBB2_1:
0x18: {  	s4 =	simm.s32 @p0 $0x0;
	s3 =	rddreg [dreg:$0x6];
	s5 =	simm.s32 @p0 $0x5  }
0x19: {  	[tilespmem:s4], [sflag:$0x5] =	stream.linear.gather @p0 [hbm4b:s3+s4], $0xA00, $0x38;
	[tilespmem:$0xBE20] =	vst v63  }
0x1a: {  	_ =	swait.ge @p0 [sflag:s5], $0xA00  }
0x1b: {  	[sflag:s5] =	ssyncset.done @p0 $0x0  }
0x1c: {  	s6 =	simm.s32 @p0 $0x2800;
	[sflag:s5] =	ssyncadd.s32 @p0 $0xFFFFF600  }
0x1d: {  	[tilespmem:s6], [sflag:$0x5] =	stream.linear.gather @p0 [hbm4b:s8+s4], $0xA00, $0x38;
	[tilespmem:$0xBE20] =	vst v63  }
0x1e: {  	_ =	swait.ge @p0 [sflag:s5], $0xA00  }
0x1f: {  	s4 =	simm.s32 @!p0 $0x0;
	[sflag:s5] =	ssyncset.done @p0 $0x0  }
0x20: {  	s3 =	rddreg [dreg:$0x4];
	[sflag:s5] =	ssyncadd.s32 @p0 $0xFFFFF600;
	s5 =	simm.s32 @!p0 $0x5  }
0x21: {  	[tilespmem:s4], [sflag:$0x5] =	stream.linear.gather @!p0 [hbm4b:s3+s4], $0x2800, $0x38;
	[tilespmem:$0xBE20] =	vst v63  }
0x22: {  	_ =	swait.ge @!p0 [sflag:s5], $0x2800  }
0x23: {  	[sflag:s5] =	ssyncset.done @!p0 $0x0  }
0x24: {  	s6 =	simm.s32 @!p0 $0x2800;
	s3 =	rddreg [dreg:$0x5];
	[sflag:s5] =	ssyncadd.s32 @!p0 $0xFFFFD800  }
0x25: {  	[tilespmem:s6], [sflag:$0x5] =	stream.linear.gather @!p0 [hbm4b:s3+s4], $0x2800, $0x38;
	[tilespmem:$0xBE20] =	vst v63  }
0x26: {  	s6 =	simm.s32 $0x0  }
0x27: {  	s4 =	simm.s32 $0x40;
	_ =	swait.ge @!p0 [sflag:s5], $0x2800;
	s7 =	sand.u32 $0x3F80, s6  }
0x28: {  	s30 =	sand.u32 $0x10, s6;
	[sflag:s5] =	ssyncset.done @!p0 $0x0;
	s31 =	sshrl.u32 s7, $0x2  }
0x29: {  	[sflag:s5] =	ssyncadd.s32 @!p0 $0xFFFFD800;
	s6 =	sor.u32 s30, s31;
	s5 =	simm.s32 $0x0  }
.LBB2_2:
0x2a: {  	p6 =	sne.s32 s4, $0x3FC0  }
0x2b: {  	[tilespmem:s6+$0x5000] =	vst v0;
	s5 =	sadd.s32 $0x10, s5;
	s6 =	smov.u32 s4;
	s4 =	sadd.s32 $0x40, s4  }
.Ltmp0:
0x2c: {  	(pc) =	sbr.rel @p6 .LBB2_2-.Ltmp0, $4  }
0x2d: {  	_ = 	snop  }
0x2e: {  	s6 =	sand.u32 $0x3F80, s6  }
0x2f: {  	s7 =	sand.u32 $0x10, s5;
	s6 =	sshrl.u32 s6, $0x2  }
0x30: {  	s6 =	sor.u32 s7, s6  }
0x31: {  	p6 =	sne.s32 s10, $0x1  }
.Ltmp1:
0x32: {  	_ = 	snop;
	(pc) =	sbr.rel @!p6 .LBB2_5-.Ltmp1, $4  }
0x33: {  	[tilespmem:s6+$0x5000] =	vst v0  }
0x34: {  	[spmem:s11] =	stream.linear.scatter [tilespmem:s22], [sflag:$0x5], $0x1000, $0x38;
	[tilespmem:$0xBE20] =	vst v63  }
0x35: {  	_ =	swait.ge [sflag:s23], $0x1000  }
0x36: {  	s4 =	sadd.s32 $0xFFFFFFFF, s10;
	s5 =	smov.u32 s11;
	[sflag:s23] =	ssyncset.done $0x0  }
.LBB2_4:
0x37: {  	p6 =	sne.s32 s4, $0x1;
	[sflag:s23] =	ssyncadd.s32 $0xFFFFF000;
	s5 =	sadd.s32 $0x1000, s5  }
.Ltmp2:
0x38: {  	s4 =	sadd.s32 $0xFFFFFFFF, s4;
	(pc) =	sbr.rel @p6 .LBB2_4-.Ltmp2, $4  }
0x39: {  	_ = 	snop  }
0x3a: {  	[spmem:s5] =	stream.linear.scatter [tilespmem:s22], [sflag:$0x5], $0x1000, $0x38;
	[tilespmem:$0xBE20] =	vst v63  }
0x3b: {  	_ =	swait.ge [sflag:s23], $0x1000  }
0x3c: {  	[sflag:s23] =	ssyncset.done $0x0  }
.LBB2_5:
0x3d: {  	[sflag:s23] =	ssyncadd.s32 $0xFFFFF000;
	s4 =	simm.s32 @!p1 $0x5000  }
0x3e: {  	[spmem:s12] =	stream.linear.scatter @!p1 [tilespmem:s4], [sflag:$0x5], $0x200, $0x38;
	[tilespmem:$0xBE20] =	vst v63  }
0x3f: {  	s4 =	simm.s32 @!p1 $0x5  }
0x40: {  	_ =	swait.ge @!p1 [sflag:s4], $0x200  }
0x41: {  	[sflag:s4] =	ssyncset.done @!p1 $0x0  }
0x42: {  	[sflag:s4] =	ssyncadd.s32 @!p1 $0xFFFFFE00  }
0x43: {  	s6 =	simm.s32 $0x0;
	[bflag:$0x0] =	sbarrier.arrive $0xFFFF  }
0x44: {  	[tilespmem:s22], [sflag:$0x1] =	stream.indirect.gather [hbm4b:s1+s24], $0x20, s6, s24, $0xb8;
	[tilespmem:$0xBE20] =	vst v63  }
0x45: {  	_ =	swait.ge [sflag:s25], $0x1000  }
0x46: {  	[sflag:s25] =	ssyncset.done $0x0  }
0x47: {  	s3 =	simm.s32 $0x2800;
	[sflag:s25] =	ssyncadd.s32 $0xFFFFF000  }
0x48: {  	[spmem:s2] =	stream.indirect.scatter.add.f32 [tilespmem:s22], [sflag:$0x3], $0x20, s3, s24, $0xb8;
	[tilespmem:$0xBE20] =	vst v63  }
0x49: {  	_ = 	snop  }
0x4a: {  	[tilespmem:s28], [sflag:$0x2] =	stream.indirect.gather [hbm4b:s1+s24], $0x20, s24, s24, $0xb8;
	[tilespmem:$0xBE20] =	vst v63  }
0x4b: {  	_ =	swait.ge [sflag:s29], $0x1000  }
0x4c: {  	[sflag:s29] =	ssyncset.done $0x0  }
0x4d: {  	s7 =	simm.s32 $0x2880;
	[sflag:s29] =	ssyncadd.s32 $0xFFFFF000  }
0x4e: {  	[spmem:s2] =	stream.indirect.scatter.add.f32 [tilespmem:s28], [sflag:$0x4], $0x20, s7, s24, $0xb8;
	[tilespmem:$0xBE20] =	vst v63  }
0x4f: {  	_ =	swait.ge [sflag:s9], $0x1000  }
0x50: {  	[sflag:s9] =	ssyncset.done $0x0  }
0x51: {  	s4 =	simm.s32 $0x100;
	[sflag:s9] =	ssyncadd.s32 $0xFFFFF000  }
0x52: {  	[tilespmem:s22], [sflag:$0x1] =	stream.indirect.gather [hbm4b:s1+s24], $0x20, s4, s24, $0xb8;
	[tilespmem:$0xBE20] =	vst v63  }
0x53: {  	_ =	swait.ge [sflag:s25], $0x1000  }
0x54: {  	[sflag:s25] =	ssyncset.done $0x0  }
0x55: {  	s6 =	simm.s32 $0x2900;
	[sflag:s25] =	ssyncadd.s32 $0xFFFFF000  }
0x56: {  	[spmem:s2] =	stream.indirect.scatter.add.f32 [tilespmem:s22], [sflag:$0x3], $0x20, s6, s24, $0xb8;
	[tilespmem:$0xBE20] =	vst v63  }
0x57: {  	_ =	swait.ge [sflag:s0], $0x1000  }
0x58: {  	[sflag:s0] =	ssyncset.done $0x0  }
0x59: {  	s5 =	simm.s32 $0x180;
	[sflag:s0] =	ssyncadd.s32 $0xFFFFF000  }
0x5a: {  	[tilespmem:s28], [sflag:$0x2] =	stream.indirect.gather [hbm4b:s1+s24], $0x20, s5, s24, $0xb8;
	[tilespmem:$0xBE20] =	vst v63  }
0x5b: {  	_ =	swait.ge [sflag:s29], $0x1000  }
0x5c: {  	p6 =	sne.s32 s21, $0xFFFFFFFF;
	[sflag:s29] =	ssyncset.done $0x0  }
.Ltmp3:
0x5d: {  	s7 =	simm.s32 $0x2980;
	[sflag:s29] =	ssyncadd.s32 $0xFFFFF000;
	(pc) =	sbr.rel @!p6 .LBB2_7-.Ltmp3, $4  }
0x5e: {  	[spmem:s2] =	stream.indirect.scatter.add.f32 [tilespmem:s28], [sflag:$0x4], $0x20, s7, s24, $0xb8;
	[tilespmem:$0xBE20] =	vst v63  }
0x5f: {  	s31 =	simm.s32 $0x300;
	_ =	swait.ge [sflag:s9], $0x1000  }
0x60: {  	s30 =	simm.s32 $0x2A00;
	s4 =	simm.s32 $0xFFFFFFFF;
	[sflag:s9] =	ssyncset.done $0x0  }
0x61: {  	s5 =	simm.s32 $0x200;
	s7 =	simm.s32 $0x200;
	[sflag:s9] =	ssyncadd.s32 $0xFFFFF000  }
.LBB2_6:
0x62: {  	s5 =	smov.u32 s31;
	s6 =	smov.u32 s30  }
0x63: {  	[tilespmem:s22], [sflag:$0x1] =	stream.indirect.gather [hbm4b:s1+s24], $0x20, s7, s24, $0xb8;
	[tilespmem:$0xBE20] =	vst v63  }
0x64: {  	s4 =	sadd.s32 $0xFFFFFFFF, s4;
	s7 =	smov.u32 s31;
	_ =	swait.ge [sflag:s25], $0x1000  }
0x65: {  	p6 =	sne.s32 s21, s4;
	[sflag:s25] =	ssyncset.done $0x0  }
0x66: {  	[sflag:s25] =	ssyncadd.s32 $0xFFFFF000  }
0x67: {  	[spmem:s2] =	stream.indirect.scatter.add.f32 [tilespmem:s22], [sflag:$0x3], $0x20, s30, s24, $0xb8;
	[tilespmem:$0xBE20] =	vst v63  }
0x68: {  	_ =	swait.ge [sflag:s0], $0x1000  }
0x69: {  	[sflag:s0] =	ssyncset.done $0x0  }
0x6a: {  	s3 =	sadd.s32 $0xFFFFFF80, s31;
	[sflag:s0] =	ssyncadd.s32 $0xFFFFF000  }
0x6b: {  	[tilespmem:s28], [sflag:$0x2] =	stream.indirect.gather [hbm4b:s1+s24], $0x20, s3, s24, $0xb8;
	[tilespmem:$0xBE20] =	vst v63  }
0x6c: {  	_ =	swait.ge [sflag:s29], $0x1000  }
0x6d: {  	[sflag:s29] =	ssyncset.done $0x0  }
.Ltmp4:
0x6e: {  	s3 =	sadd.s32 $0x80, s30;
	[sflag:s29] =	ssyncadd.s32 $0xFFFFF000;
	(pc) =	sbr.rel @p6 .LBB2_6-.Ltmp4, $4  }
0x6f: {  	[spmem:s2] =	stream.indirect.scatter.add.f32 [tilespmem:s28], [sflag:$0x4], $0x20, s3, s24, $0xb8;
	[tilespmem:$0xBE20] =	vst v63  }
0x70: {  	_ =	swait.ge [sflag:s9], $0x1000  }
0x71: {  	[sflag:s9] =	ssyncset.done $0x0  }
0x72: {  	s31 =	sadd.s32 $0x100, s31;
	s30 =	sadd.s32 $0x100, s30;
	[sflag:s9] =	ssyncadd.s32 $0xFFFFF000  }
.LBB2_7:
0x73: {  	[tilespmem:s22], [sflag:$0x1] =	stream.indirect.gather [hbm4b:s1+s24], $0x20, s7, s24, $0xb8;
	[tilespmem:$0xBE20] =	vst v63  }
0x74: {  	_ =	swait.ge [sflag:s25], $0x1000  }
0x75: {  	[sflag:s25] =	ssyncset.done $0x0  }
0x76: {  	[sflag:s25] =	ssyncadd.s32 $0xFFFFF000  }
0x77: {  	[spmem:s2] =	stream.indirect.scatter.add.f32 [tilespmem:s22], [sflag:$0x3], $0x20, s30, s24, $0xb8;
	[tilespmem:$0xBE20] =	vst v63  }
0x78: {  	_ =	swait.ge [sflag:s0], $0x1000  }
0x79: {  	[sflag:s0] =	ssyncset.done $0x0  }
0x7a: {  	s3 =	sadd.s32 $0x80, s5;
	[sflag:s0] =	ssyncadd.s32 $0xFFFFF000  }
0x7b: {  	[tilespmem:s28], [sflag:$0x2] =	stream.indirect.gather [hbm4b:s1+s24], $0x20, s3, s24, $0xb8;
	[tilespmem:$0xBE20] =	vst v63  }
0x7c: {  	_ =	swait.ge [sflag:s29], $0x1000  }
0x7d: {  	[sflag:s29] =	ssyncset.done $0x0  }
0x7e: {  	s7 =	sadd.s32 $0x180, s6;
	[sflag:s29] =	ssyncadd.s32 $0xFFFFF000  }
0x7f: {  	[spmem:s2] =	stream.indirect.scatter.add.f32 [tilespmem:s28], [sflag:$0x4], $0x20, s7, s24, $0xb8;
	[tilespmem:$0xBE20] =	vst v63  }
0x80: {  	s30 =	ssub.s32 $0x1, s4;
	_ =	swait.ge [sflag:s9], $0x1000  }
0x81: {  	p6 =	sge.u32 s30, s13;
	[sflag:s9] =	ssyncset.done $0x0  }
0x82: {  	s4 =	simm.s32 @!p6 $0x5000;
	s3 =	simm.s32 @!p6 $0x80;
	[sflag:s9] =	ssyncadd.s32 $0xFFFFF000  }
0x83: {  	[tilespmem:s4], [sflag:$0x1] =	stream.indirect.gather @!p6 [hbm4b:s1+s3], $0x20, s31, s3, $0xb8;
	[tilespmem:$0xBE20] =	vst v63  }
0x84: {  	_ =	swait.ge [sflag:s0], $0x1000  }
0x85: {  	[sflag:s0] =	ssyncset.done $0x0  }
0x86: {  	[sflag:s0] =	ssyncadd.s32 $0xFFFFF000  }
0x87: {  	s3 =	sshrl.u32 @!p2 s18, $0x3;
	s4 =	simm.s32 @!p2 $0x1FC5;
	[bflag:$0x0] =	sbarrier.arrive $0xFFFF  }
0x88: {  	[hbm:s19], [sflag:s4] =	dma.local @!p2 [spmem:s3], $0x640  }
0x89: {  	s3 =	simm.s32 @!p2 $0x5  }
0x8a: {  	_ =	swait.ge @!p2 [sflag:s3], $0x640  }
0x8b: {  	[sflag:s3] =	ssyncset.done @!p2 $0x0  }
0x8c: {  	s4 =	simm.s32 @!p3 $0x1FC5;
	[sflag:s3] =	ssyncadd.s32 @!p2 $0xFFFFF9C0;
	s3 =	sshrl.u32 @!p3 s18, $0x3  }
0x8d: {  	[hbm:s17], [sflag:s4] =	dma.local @!p3 [spmem:s3], $0x640  }
0x8e: {  	s3 =	simm.s32 @!p3 $0x5  }
0x8f: {  	s6 =	stileid.u32;
	_ =	swait.ge @!p3 [sflag:s3], $0x640  }
0x90: {  	s4 =	sshll.u32 @!p4 s6, $0x6;
	[sflag:s3] =	ssyncset.done @!p3 $0x0  }
0x91: {  	[sflag:s3] =	ssyncadd.s32 @!p3 $0xFFFFF9C0;
	s3 =	sor.u32 @!p4 $0x1C05, s4;
	s4 =	sshrl.u32 @!p4 s15, $0x3  }
0x92: {  	[hbm:s16], [sflag:s3] =	dma.local @!p4 [spmem:s4], $0xA00  }
0x93: {  	s3 =	simm.s32 @!p4 $0x5  }
0x94: {  	s26 =	sadd.s32 $0x1, s26;
	_ =	swait.ge @!p4 [sflag:s3], $0xA00  }
0x95: {  	p6 =	sne.s32 s26, s20;
	s4 =	sshll.u32 @!p5 s6, $0x6;
	[sflag:s3] =	ssyncset.done @!p4 $0x0  }
0x96: {  	[sflag:s3] =	ssyncadd.s32 @!p4 $0xFFFFF600;
	s3 =	sor.u32 @!p5 $0x1C05, s4;
	s4 =	sshrl.u32 @!p5 s15, $0x3  }
0x97: {  	[hbm:s14], [sflag:s3] =	dma.local @!p5 [spmem:s4], $0xA00  }
.Ltmp5:
0x98: {  	_ = 	snop;
	(pc) =	sbr.rel @p6 .LBB2_1-.Ltmp5, $4  }
0x99: {  	s3 =	simm.s32 @!p5 $0x5  }
0x9a: {  	_ =	swait.ge @!p5 [sflag:s3], $0xA00  }
0x9b: {  	[sflag:s3] =	ssyncset.done @!p5 $0x0  }
0x9c: {  	s5 =	stileid.u32;
	[sflag:s3] =	ssyncadd.s32 @!p5 $0xFFFFF600  }
0x9d: {  	_ =	sfence.sel $0x180000  }
0x9e: {  	[bflag:$0x0] =	sbarrier.arrive $0xFFFF  }
0x9f: {  	_ =	strace $0x9000004D  }
0xa0: {  	[bflag:$0x2] =	sbarrier.arrive $0xFFFF  }
0xa1: {  	p0 =	sne.s32 s5, $0x0;
	s0 =	rddreg [dreg:$0x3]  }
0xa2: {  	s0 =	sadd.s32 @!p0 $0x100000, s0  }
0xa3: {  	[sflag:s0] =	ssyncadd.tile.s32 @!p0 $0x1;
	_ =	shalt  }
.Lfunc_end2:
_tile_overlayer_lowered:
.L_overlay_start_2:
0xa4: {  	(tag) =	ssettag $0x2  }
0xa5: {  	s0 =	rddreg [dreg:$0x0];
	s2 =	stileid.u32  }
0xa6: {  	s1 =	rddreg [dreg:$0x1];
	p0 =	sne.s32 s2, $0x0  }
0xa7: {  	s3 =	rddreg [dreg:$0x2];
	[bflag:$0x3] =	sbarrier.arrive $0xFFFF;
	s2 =	simm.s32 @!p0 $0x1C05  }
0xa8: {  	[timem:s3], [sflag:s2] =	dma.local @!p0 [hbm:s0], s1  }
0xa9: {  	s0 =	simm.s32 @!p0 $0x5  }
0xaa: {  	_ =	swait.ge @!p0 [sflag:s0], s1  }
0xab: {  	s1 =	ssub.s32 @!p0 $0x0, s1;
	[sflag:s0] =	ssyncset.done @!p0 $0x0  }
0xac: {  	[sflag:s0] =	ssyncadd.s32 @!p0 s1  }
0xad: {  	[bflag:$0x3] =	sbarrier.arrive $0xFFFF  }
0xae: {  	_ =	shalt  }

// kernel: kernel.8.cloned.1.call-start
scs
__scs_entry_jumppad:
0x0: {  	(pc) =	sbr.rel $0x88, $3  }
0x1: {  	(tag) =	ssettag $0x0;
	lr =	simm.s32 $0x1  }
0x2: {  	[smem:$0x3F9B] =	sst lr;
	_ =	strace $0xD0000000  }
0x3: {  	_ = 	snop  }
0x4: {  	_ = 	snop  }
0x5: {  	_ = 	snop  }
0x6: {  	_ = 	snop  }
0x7: {  	_ = 	snop  }
__scs_overlays_trampoline_lowered:
0x8: {  	[smem:$0x3FAA] =	sst s0  }
0x9: {  	[smem:$0x3FAB] =	sst s1  }
0xa: {  	[smem:$0x3FAC] =	sst s2  }
0xb: {  	[smem:$0x3FAD] =	sst s3  }
0xc: {  	[smem:$0x3FAE] =	sst s4  }
0xd: {  	[smem:$0x3FAF] =	sst s5  }
0xe: {  	[smem:$0x3FB0] =	sst s6  }
0xf: {  	[smem:$0x3FB1] =	sst s7  }
0x10: {  	[smem:$0x3FB2] =	sst s8  }
0x11: {  	[smem:$0x3FB3] =	sst s9;
	s0 =	simm.s32 @!p0 $0x0  }
0x12: {  	s1 =	sld [smem:$0x3F99];
	s0 =	simm.s32 @p0 $0x1  }
0x13: {  	[smem:$0x3FB4] =	sst s0;
	s0 =	simm.s32 @!p1 $0x0  }
0x14: {  	s2 =	sld [smem:$0x3F98];
	s0 =	simm.s32 @p1 $0x1  }
0x15: {  	[smem:$0x3FB5] =	sst s0;
	s0 =	simm.s32 @!p2 $0x0  }
0x16: {  	s3 =	sld [smem:$0x3FDB];
	s0 =	simm.s32 @p2 $0x1  }
0x17: {  	s4 =	simm.s32 $0x1BF5;
	[smem:$0x3FB7] =	sst s0  }
0x18: {  	s0 =	sld [smem:$0x3F9A];
	_ =	swait.ge [sflag:s4], $0x0  }
0x19: {  	s7 =	sld [smem:$0x3F9B]  }
0x1a: {  	s8 =	sadd.s32 $0xFFFFE003, lr  }
0x1b: {  	s9 =	sadd.s32 $0xFFFFFEF7, lr;
	s5 =	simm.s32 $0xFFFFFFFF;
	p2 =	slt.u32 s8, $0xFFFFF086  }
0x1c: {  	p1 =	slt.u32 s9, $0xF7A;
	s5 =	simm.s32 @!p2 $0x0  }
0x1d: {  	s5 =	simm.s32 @p1 $0x1;
	p0 =	seq.s32 s7, s2  }
0x1e: {  	s7 =	smul.u32 @!p0 $0xF7A, s2;
	p2 =	seq.s32 @!p0 s5, $0x0  }
0x1f: {  	s9 =	smul.u32 $0xF7A, s1;
	s8 =	simm.s32 @!p0 $0x1BF5;
	p2 =	por !p2, p0  }
0x20: {  	[sflag:s8] =	ssyncset.s32 @!p0 $0xFFFFF086;
	s6 =	sadd.s32 @!p0 s3, s7;
	s7 =	simm.s32 @!p0 $0x108  }
0x21: {  	s3 =	sadd.s32 s3, s9;
	s6 =	sadd.s32 @!p0 $0x88, s6;
	s7 =	simm.s32 @p2 $0x1082  }
0x22: {  	[simem:s7], [sflag:s8] =	dma.local @!p0 [hbm:s6], $0xF7A  }
0x23: {  	s9 =	sor.u32 $0xD0000000, s2;
	s6 =	simm.s32 $0x108;
	_ =	swait.ge @!p0 [sflag:s8], $0x0  }
0x24: {  	s3 =	sadd.s32 $0x88, s3;
	s6 =	simm.s32 @!p1 $0x1082;
	[sflag:s4] =	ssyncset.s32 $0xFFFFF086  }
0x25: {  	[simem:s6], [sflag:s4] =	dma.local [hbm:s3], $0xF7A  }
0x26: {  	[smem:$0x3F9B] =	sst s1;
	(tag) =	ssettag s2;
	_ =	strace s9  }
0x27: {  	s1 =	sld [smem:$0x3FAB]  }
0x28: {  	s2 =	sld [smem:$0x3FAC]  }
0x29: {  	s4 =	sld [smem:$0x3FAE]  }
0x2a: {  	p0 =	seq.s32 s5, $0x0;
	s5 =	sld [smem:$0x3FAF]  }
0x2b: {  	s6 =	sld [smem:$0x3FB0]  }
0x2c: {  	s7 =	sld [smem:$0x3FB1]  }
0x2d: {  	s3 =	simm.s32 $0x108;
	s8 =	sld [smem:$0x3FB2]  }
0x2e: {  	s3 =	simm.s32 @!p0 $0x1082;
	s9 =	sld [smem:$0x3FB3]  }
0x2f: {  	lr =	sadd.s32 s0, s3;
	s0 =	sld [smem:$0x3FAA]  }
0x30: {  	s3 =	sld [smem:$0x3FAD]  }
0x31: {  	[smem:$0x3FB6] =	sst s10  }
0x32: {  	s10 =	sld [smem:$0x3FB4];
	_ =	sdelay $0x3  }
0x33: {  	p0 =	seq.s32 s10, $0x1;
	s10 =	sld [smem:$0x3FB6];
	_ =	sdelay $0x3  }
0x34: {  	[smem:$0x3FB6] =	sst s10  }
0x35: {  	s10 =	sld [smem:$0x3FB5];
	_ =	sdelay $0x3  }
0x36: {  	p1 =	seq.s32 s10, $0x1;
	s10 =	sld [smem:$0x3FB6];
	_ =	sdelay $0x3  }
0x37: {  	[smem:$0x3FB6] =	sst s10  }
0x38: {  	s10 =	sld [smem:$0x3FB7]  }
0x39: {  	_ = 	snop;
	(pc) =	sbr.ind lr, $3  }
0x3a: {  	_ = 	snop  }
0x3b: {  	_ = 	snop  }
0x3c: {  	p2 =	seq.s32 s10, $0x1;
	s10 =	sld [smem:$0x3FB6]  }
0x3d: {  	_ =	shalt  }
0x3e: {  	_ =	shalt  }
0x3f: {  	_ =	shalt  }
0x40: {  	_ =	shalt  }
0x41: {  	_ =	shalt  }
0x42: {  	_ =	shalt  }
0x43: {  	_ =	shalt  }
0x44: {  	_ =	shalt  }
0x45: {  	_ =	shalt  }
0x46: {  	_ =	shalt  }
0x47: {  	_ =	shalt  }
0x48: {  	_ =	shalt  }
0x49: {  	_ =	shalt  }
0x4a: {  	_ =	shalt  }
0x4b: {  	_ =	shalt  }
0x4c: {  	_ =	shalt  }
0x4d: {  	_ =	shalt  }
0x4e: {  	_ =	shalt  }
0x4f: {  	_ =	shalt  }
0x50: {  	_ =	shalt  }
0x51: {  	_ =	shalt  }
0x52: {  	_ =	shalt  }
0x53: {  	_ =	shalt  }
0x54: {  	_ =	shalt  }
0x55: {  	_ =	shalt  }
0x56: {  	_ =	shalt  }
0x57: {  	_ =	shalt  }
0x58: {  	_ =	shalt  }
0x59: {  	_ =	shalt  }
0x5a: {  	_ =	shalt  }
0x5b: {  	_ =	shalt  }
0x5c: {  	_ =	shalt  }
0x5d: {  	_ =	shalt  }
0x5e: {  	_ =	shalt  }
0x5f: {  	_ =	shalt  }
0x60: {  	_ =	shalt  }
0x61: {  	_ =	shalt  }
0x62: {  	_ =	shalt  }
0x63: {  	_ =	shalt  }
0x64: {  	_ =	shalt  }
0x65: {  	_ =	shalt  }
0x66: {  	_ =	shalt  }
0x67: {  	_ =	shalt  }
0x68: {  	_ =	shalt  }
0x69: {  	_ =	shalt  }
0x6a: {  	_ =	shalt  }
0x6b: {  	_ =	shalt  }
0x6c: {  	_ =	shalt  }
0x6d: {  	_ =	shalt  }
0x6e: {  	_ =	shalt  }
0x6f: {  	_ =	shalt  }
0x70: {  	_ =	shalt  }
0x71: {  	_ =	shalt  }
0x72: {  	_ =	shalt  }
0x73: {  	_ =	shalt  }
0x74: {  	_ =	shalt  }
0x75: {  	_ =	shalt  }
0x76: {  	_ =	shalt  }
0x77: {  	_ =	shalt  }
0x78: {  	_ =	shalt  }
0x79: {  	_ =	shalt  }
0x7a: {  	_ =	shalt  }
0x7b: {  	_ =	shalt  }
0x7c: {  	_ =	shalt  }
0x7d: {  	_ =	shalt  }
0x7e: {  	_ =	shalt  }
0x7f: {  	_ =	shalt  }
0x80: {  	_ =	shalt  }
0x81: {  	_ =	shalt  }
0x82: {  	_ =	shalt  }
0x83: {  	_ =	shalt  }
0x84: {  	_ =	shalt  }
0x85: {  	_ =	shalt  }
0x86: {  	_ =	shalt  }
0x87: {  	_ =	shalt  }
.Lfunc_end0:
.L_simem_size_0:
called_computation_lowered:
.L_overlay_start_0:
0x88: {  	s2 =	sld [smem:$0x3FD9]  }
0x89: {  	s3 =	sld [smem:$0x3FFE];
	_ =	sdelay $0x1  }
0x8a: {  	s1 =	srdreg.scid  }
0x8b: {  	s0 =	sand.u32 $0x1, s1  }
0x8c: {  	s17 =	sshll.u32 s0, $0xA;
	s2 =	sadd.s32 s3, s2  }
0x8d: {  	s2 =	sadd.s32 s2, s17  }
0x8e: {  	[smem:$0x3FC2] =	sst s2  }
0x8f: {  	_ = 	snop  }
0x90: {  	s2 =	sld [smem:$0x3FD0];
	(tm) =	ssettm $0x1  }
0x91: {  	s18 =	sld [smem:$0x3FFB];
	_ =	sdelay $0x3  }
0x92: {  	_ =	strace s18  }
0x93: {  	s3 =	sld [smem:$0x3FFC];
	_ =	sdelay $0x3  }
0x94: {  	_ =	strace s3  }
0x95: {  	s3 =	sld [smem:$0x3FFD];
	_ =	sdelay $0x3  }
0x96: {  	_ =	strace s3  }
0x97: {  	_ =	strace $0x8FFFFFFF  }
0x98: {  	s19 =	sld [smem:$0x3FDB];
	_ =	sdelay $0x1  }
0x99: {  	s4 =	simm.s32 $_scs_section_size  }
0x9a: {  	s5 =	simm.s32 $_size__tile_overlayer_lowered;
	s6 =	simm.s32 $_tile_overlayer_lowered  }
0x9b: {  	s22 =	simm.s32 $0x1BFF;
	s21 =	sshll.u32 s6, $0x1;
	s3 =	sadd.s32 s4, s19  }
0x9c: {  	s7 =	simm.s32 $0x0;
	s20 =	sshll.u32 s5, $0x1;
	s5 =	sadd.s32 s21, s3  }
0x9d: {  	[timem:s7], [sflag:s22] =	dma.local [hbm:s5], s20  }
0x9e: {  	_ =	swait.ge [sflag:s22], s20  }
0x9f: {  	s4 =	ssub.s32 $0x0, s20;
	[sflag:s22] =	ssyncset.done $0x0  }
0xa0: {  	[sflag:s22] =	ssyncadd.s32 s4;
	_ =	sdelay $0x1  }
0xa1: {  	s23 =	simm.s32 $0x1B8B  }
0xa2: {  	_ =	swait.ge [sflag:s23], $0x1  }
0xa3: {  	[sflag:s23] =	ssyncset.done $0x0  }
0xa4: {  	s25 =	simm.s32 $0x1B8E;
	s24 =	sld [smem:$0x3FFE];
	[sflag:s23] =	ssyncadd.s32 $0xFFFFFFFF  }
0xa5: {  	s26 =	simm.s32 $execute0_lowered;
	[smem:$0x3FD2] =	sst s25  }
0xa6: {  	s5 =	sshll.u32 s26, $0x1;
	_ =	strace $0x80000046;
	[dreg:$0x1] =	wrdreg $0xFFFFFFFF  }
0xa7: {  	s28 =	simm.s32 $_size_execute0_lowered;
	s3 =	sadd.s32 s3, s5;
	[dreg:$0x0] =	wrdreg $0x0  }
0xa8: {  	s5 =	sshll.u32 s28, $0x1;
	[dreg:$0x2] =	wrdreg s3  }
0xa9: {  	[dreg:$0x3] =	wrdreg s5  }
0xaa: {  	[dreg:$0x4] =	wrdreg $0xC0  }
0xab: {  	_ =	task [dreg:s7], $0x5FFFF  }
0xac: {  	[dreg:$0x1] =	wrdreg $0xFFFFFFFF  }
0xad: {  	[dreg:$0x0] =	wrdreg $0x60  }
0xae: {  	[dreg:$0x2] =	wrdreg s24  }
0xaf: {  	[dreg:$0x3] =	wrdreg s2  }
0xb0: {  	[dreg:$0x4] =	wrdreg $0x2B000  }
0xb1: {  	[dreg:$0x5] =	wrdreg $0x9  }
0xb2: {  	_ =	task.clear_ibuf [dreg:s7], $0x6FFFF;
	_ =	strace $0x90000046  }
0xb3: {  	s29 =	simm.s32 $0x9;
	_ =	strace $0x80000048  }
0xb4: {  	_ =	swait.ge [sflag:s29], $0x1  }
0xb5: {  	[sflag:s29] =	ssyncadd.s32 $0xFFFFFFFF  }
0xb6: {  	_ =	strace $0x90000048  }
0xb7: {  	_ =	sfence  }
0xb8: {  	s30 =	sld [smem:$0x0];
	_ =	sdelay $0x2  }
0xb9: {  	s31 =	sshll.u32 s1, $0xD;
	s1 =	sshrl.u32 s1, $0x2  }
0xba: {  	s3 =	sand.u32 $0x4000, s31;
	s1 =	sadd.s32 s1, s30  }
0xbb: {  	s0 =	sor.u32 s3, s0;
	s1 =	sshll.u32 s1, $0x11  }
0xbc: {  	s0 =	sor.u32 s1, s0  }
0xbd: {  	s0 =	sadd.s32 $0x8F2B, s0  }
0xbe: {  	[sflag:s0] =	ssyncadd.remote.s32 $0x1  }
0xbf: {  	_ =	sfence.sel $0xFFFF  }
0xc0: {  	[dreg:$0x0] =	wrdreg $0xFFFFFFFF;
	(pc) =	sbr.abs _section_cstart, $3  }
0xc1: {  	[dreg:$0x1] =	wrdreg $0xFFFFFFFF  }
0xc2: {  	_ =	task.clear_ibuf [dreg:s7], $0x2FFFF;
	_ =	strace $0x9FFFFFFF  }
0xc3: {  	(tm) =	ssettm $0x7FFFFFFF  }
tec
execute0_lowered:
.L_overlay_start_1:
0x0: {  	(tag) =	ssettag $0x1  }
0x1: {  	s13 =	rddreg [dreg:$0x0]  }
0x2: {  	s12 =	rddreg [dreg:$0x1]  }
0x3: {  	s0 =	srdreg.scid;
	s2 =	rddreg [dreg:$0x2]  }
0x4: {  	s1 =	stileid.u32;
	s3 =	simm.s32 $0x0;
	s16 =	simm.s32 $0x2800  }
0x5: {  	s17 =	simm.s32 $0x1;
	s9 =	sand.u32 $0x1, s0;
	s0 =	rddreg [dreg:$0x3]  }
0x6: {  	s18 =	simm.s32 $0x0;
	s10 =	smul.u32 $0x280, s1;
	[smem:$0x7FF] =	sst s3  }
0x7: {  	s8 =	smul.u32 $0xA00, s1;
	p1 =	seq.s32 s1, $0xF;
	s4 =	sshll.u32 s9, $0x4  }
0x8: {  	_ =	strace $0x80000047;
	s6 =	ssub.s32 $0x2, s9;
	p5 =	seq.s32 s9, $0x1  }
0x9: {  	s4 =	sor.u32 s1, s4;
	s11 =	sshrl.u32 s10, $0x3;
	s7 =	sshrl.u32 s6, $0x1  }
0xa: {  	s31 =	sshrl.u32 s8, $0x2;
	s8 =	sadd.s32 $0x2580, s2;
	s10 =	sadd.s32 s10, s2  }
0xb: {  	p2 =	por !p5, !p1;
	p3 =	por p5, !p1;
	p4 =	por !p5, p1  }
0xc: {  	p5 =	por p5, p1;
	s5 =	smul.u32 $0x2800, s4;
	s14 =	sadd.s32 s11, s13  }
0xd: {  	s15 =	ssub.s32 s6, s7;
	p0 =	seq.s32 s4, $0x1F;
	s6 =	sadd.s32 s31, s2  }
0xe: {  	s7 =	simm.s32 $0x14;
	s9 =	sadd.s32 s12, s11;
	s12 =	sadd.s32 $0x4B0, s12  }
0xf: {  	s7 =	simm.s32 @!p0 $0x50;
	s11 =	sadd.s32 $0x16C00, s14;
	s5 =	sshrl.u32 s5, $0x3  }
0x10: {  	s14 =	smax.u32 s15, $0x1;
	s15 =	simm.s32 $0x80;
	s5 =	sadd.s32 s13, s5  }
0x11: {  	v0 =	vimm.f32 $0.0e+00;
	v1 =	vimm.f32 $1.000000000e+00;
	s4 =	sadd.s32 $0xCE40, s5;
	s5 =	sadd.s32 $0x16940, s13;
	s13 =	sadd.s32 $0x170B0, s13  }
.LBB2_1:
0x12: {  	s19 =	simm.s32 @p0 $0x0  }
0x13: {  	[tilespmem:s19], [sflag:$0x1] =	stream.linear.gather @p0 [hbm4b:s5+s19], $0xA00, $0x38;
	[tilespmem:$0x2D78] =	vst v63  }
0x14: {  	s19 =	simm.s32 @p0 $0x1  }
0x15: {  	_ =	swait.ge @p0 [sflag:s19], $0xA00  }
0x16: {  	[sflag:s19] =	ssyncset.done @p0 $0x0  }
0x17: {  	[sflag:s19] =	ssyncadd.s32 @p0 $0xFFFFF600;
	s19 =	simm.s32 @!p0 $0x0  }
0x18: {  	[tilespmem:s19], [sflag:$0x1] =	stream.linear.gather @!p0 [hbm4b:s4+s19], $0x2800, $0x38;
	[tilespmem:$0x2D78] =	vst v63  }
0x19: {  	s19 =	simm.s32 @!p0 $0x1  }
0x1a: {  	_ =	swait.ge @!p0 [sflag:s19], $0x2800  }
0x1b: {  	[sflag:s19] =	ssyncset.done @!p0 $0x0  }
0x1c: {  	[sflag:s19] =	ssyncadd.s32 @!p0 $0xFFFFD800  }
0x1d: {  	[tilespmem:$0x2880] =	vst v0  }
0x1e: {  	[tilespmem:$0x2890] =	vst v0  }
0x1f: {  	[tilespmem:$0x28A0] =	vst v0  }
0x20: {  	[tilespmem:$0x28B0] =	vst v0  }
0x21: {  	[tilespmem:$0x28C0] =	vst v0  }
0x22: {  	[tilespmem:$0x28D0] =	vst v0  }
0x23: {  	[tilespmem:$0x28E0] =	vst v0  }
0x24: {  	[tilespmem:$0x28F0] =	vst v0  }
0x25: {  	[tilespmem:$0x2900] =	vst v0  }
0x26: {  	[tilespmem:$0x2910] =	vst v0  }
0x27: {  	[tilespmem:$0x2920] =	vst v0  }
0x28: {  	[tilespmem:$0x2930] =	vst v0  }
0x29: {  	[tilespmem:$0x2940] =	vst v0  }
0x2a: {  	[tilespmem:$0x2950] =	vst v0  }
0x2b: {  	[tilespmem:$0x2960] =	vst v0  }
0x2c: {  	[tilespmem:$0x2970] =	vst v0  }
0x2d: {  	[tilespmem:$0x2980] =	vst v0  }
0x2e: {  	[tilespmem:$0x2990] =	vst v0  }
0x2f: {  	[tilespmem:$0x29A0] =	vst v0  }
0x30: {  	[tilespmem:$0x29B0] =	vst v0  }
0x31: {  	[tilespmem:$0x29C0] =	vst v0  }
0x32: {  	[tilespmem:$0x29D0] =	vst v0  }
0x33: {  	[tilespmem:$0x29E0] =	vst v0  }
0x34: {  	[tilespmem:$0x29F0] =	vst v0  }
0x35: {  	[tilespmem:$0x2A00] =	vst v0  }
0x36: {  	[tilespmem:$0x2A10] =	vst v0  }
0x37: {  	[tilespmem:$0x2A20] =	vst v0  }
0x38: {  	[tilespmem:$0x2A30] =	vst v0  }
0x39: {  	[tilespmem:$0x2A40] =	vst v0  }
0x3a: {  	[tilespmem:$0x2A50] =	vst v0  }
0x3b: {  	[tilespmem:$0x2A60] =	vst v0  }
0x3c: {  	[tilespmem:$0x2A70] =	vst v0  }
0x3d: {  	[tilespmem:$0x2A80] =	vst v0  }
0x3e: {  	[tilespmem:$0x2A90] =	vst v0  }
0x3f: {  	[tilespmem:$0x2AA0] =	vst v0  }
0x40: {  	[tilespmem:$0x2AB0] =	vst v0  }
0x41: {  	[tilespmem:$0x2AC0] =	vst v0  }
0x42: {  	[tilespmem:$0x2AD0] =	vst v0  }
0x43: {  	[tilespmem:$0x2AE0] =	vst v0  }
0x44: {  	[tilespmem:$0x2AF0] =	vst v0  }
0x45: {  	[tilespmem:$0x2800] =	vst v1  }
0x46: {  	[tilespmem:$0x2810] =	vst v1  }
0x47: {  	[tilespmem:$0x2820] =	vst v1  }
0x48: {  	[tilespmem:$0x2830] =	vst v1  }
0x49: {  	[tilespmem:$0x2840] =	vst v1  }
0x4a: {  	[tilespmem:$0x2850] =	vst v1  }
0x4b: {  	[tilespmem:$0x2860] =	vst v1  }
0x4c: {  	s19 =	simm.s32 @p1 $0x2880;
	[tilespmem:$0x2870] =	vst v1  }
0x4d: {  	[spmem:s8] =	stream.linear.scatter @p1 [tilespmem:s19], [sflag:$0x1], $0x190, $0x38;
	[tilespmem:$0x2D78] =	vst v63  }
0x4e: {  	s19 =	simm.s32 @p1 $0x1  }
0x4f: {  	_ =	swait.ge @p1 [sflag:s19], $0x190  }
0x50: {  	[sflag:s19] =	ssyncset.done @p1 $0x0  }
0x51: {  	[sflag:s19] =	ssyncadd.s32 @p1 $0xFFFFFE70;
	s19 =	simm.s32 @!p1 $0x2880  }
0x52: {  	[spmem:s6] =	stream.linear.scatter @!p1 [tilespmem:s19], [sflag:$0x1], $0x280, $0x38;
	[tilespmem:$0x2D78] =	vst v63  }
0x53: {  	s19 =	simm.s32 @!p1 $0x1  }
0x54: {  	_ =	swait.ge @!p1 [sflag:s19], $0x280  }
0x55: {  	p6 =	sne.s32 s7, $0x1;
	[sflag:s19] =	ssyncset.done @!p1 $0x0  }
.Ltmp0:
0x56: {  	[sflag:s19] =	ssyncadd.s32 @!p1 $0xFFFFFD80;
	(pc) =	sbr.rel @!p6 .LBB2_3-.Ltmp0, $4  }
0x57: {  	[bflag:$0x0] =	sbarrier.arrive $0xFFFF  }
0x58: {  	[spmem:s2] =	stream.indirect.scatter.add.f32 [tilespmem:s16], [sflag:$0x1], $0x1, s3, s15, $0xb8;
	[tilespmem:$0x2D78] =	vst v63  }
0x59: {  	_ =	swait.ge [sflag:s17], $0x80  }
0x5a: {  	s20 =	simm.s32 $0x0;
	s19 =	sadd.s32 $0xFFFFFFFF, s7;
	[sflag:s17] =	ssyncset.done $0x0  }
.LBB2_2:
0x5b: {  	p6 =	sne.s32 s19, $0x1;
	[sflag:s17] =	ssyncadd.s32 $0xFFFFFF80;
	s20 =	sadd.s32 $0x80, s20  }
.Ltmp1:
0x5c: {  	s19 =	sadd.s32 $0xFFFFFFFF, s19;
	(pc) =	sbr.rel @p6 .LBB2_2-.Ltmp1, $4  }
0x5d: {  	_ = 	snop  }
0x5e: {  	[spmem:s2] =	stream.indirect.scatter.add.f32 [tilespmem:s16], [sflag:$0x1], $0x1, s20, s15, $0xb8;
	[tilespmem:$0x2D78] =	vst v63  }
0x5f: {  	_ =	swait.ge [sflag:s17], $0x80  }
0x60: {  	[sflag:s17] =	ssyncset.done $0x0  }
.LBB2_3:
0x61: {  	[sflag:s17] =	ssyncadd.s32 $0xFFFFFF80  }
0x62: {  	s19 =	sshrl.u32 @!p2 s8, $0x3;
	s20 =	simm.s32 @!p2 $0x1FC1;
	[bflag:$0x0] =	sbarrier.arrive $0xFFFF  }
0x63: {  	[hbm:s13], [sflag:s20] =	dma.local @!p2 [spmem:s19], $0x32  }
0x64: {  	s19 =	simm.s32 @!p2 $0x1  }
0x65: {  	_ =	swait.ge @!p2 [sflag:s19], $0x32  }
0x66: {  	[sflag:s19] =	ssyncset.done @!p2 $0x0  }
0x67: {  	s20 =	simm.s32 @!p3 $0x1FC1;
	[sflag:s19] =	ssyncadd.s32 @!p2 $0xFFFFFFCE;
	s19 =	sshrl.u32 @!p3 s8, $0x3  }
0x68: {  	[hbm:s12], [sflag:s20] =	dma.local @!p3 [spmem:s19], $0x32  }
0x69: {  	s19 =	simm.s32 @!p3 $0x1  }
0x6a: {  	_ =	swait.ge @!p3 [sflag:s19], $0x32  }
0x6b: {  	s20 =	sshll.u32 @!p4 s1, $0x6;
	[sflag:s19] =	ssyncset.done @!p3 $0x0  }
0x6c: {  	[sflag:s19] =	ssyncadd.s32 @!p3 $0xFFFFFFCE;
	s19 =	sor.u32 @!p4 $0x1C01, s20;
	s20 =	sshrl.u32 @!p4 s10, $0x3  }
0x6d: {  	[hbm:s11], [sflag:s19] =	dma.local @!p4 [spmem:s20], $0x50  }
0x6e: {  	s19 =	simm.s32 @!p4 $0x1  }
0x6f: {  	s18 =	sadd.s32 $0x1, s18;
	_ =	swait.ge @!p4 [sflag:s19], $0x50  }
0x70: {  	p6 =	sne.s32 s18, s14;
	s20 =	sshll.u32 @!p5 s1, $0x6;
	[sflag:s19] =	ssyncset.done @!p4 $0x0  }
0x71: {  	[sflag:s19] =	ssyncadd.s32 @!p4 $0xFFFFFFB0;
	s19 =	sor.u32 @!p5 $0x1C01, s20;
	s20 =	sshrl.u32 @!p5 s10, $0x3  }
0x72: {  	[hbm:s9], [sflag:s19] =	dma.local @!p5 [spmem:s20], $0x50  }
.Ltmp2:
0x73: {  	_ = 	snop;
	(pc) =	sbr.rel @p6 .LBB2_1-.Ltmp2, $4  }
0x74: {  	s19 =	simm.s32 @!p5 $0x1  }
0x75: {  	_ =	swait.ge @!p5 [sflag:s19], $0x50  }
0x76: {  	[sflag:s19] =	ssyncset.done @!p5 $0x0  }
0x77: {  	[sflag:s19] =	ssyncadd.s32 @!p5 $0xFFFFFFB0  }
0x78: {  	_ =	sfence.sel $0x180000  }
0x79: {  	[bflag:$0x0] =	sbarrier.arrive $0xFFFF  }
0x7a: {  	p0 =	sne.s32 s1, $0x0;
	_ =	strace $0x90000047  }
0x7b: {  	s0 =	sadd.s32 @!p0 $0x100000, s0;
	[bflag:$0x2] =	sbarrier.arrive $0xFFFF  }
0x7c: {  	[sflag:s0] =	ssyncadd.tile.s32 @!p0 $0x1;
	_ =	shalt  }
.Lfunc_end2:
_tile_overlayer_lowered:
.L_overlay_start_2:
0x7d: {  	(tag) =	ssettag $0x2  }
0x7e: {  	s0 =	rddreg [dreg:$0x0];
	s2 =	stileid.u32  }
0x7f: {  	s1 =	rddreg [dreg:$0x1];
	p0 =	sne.s32 s2, $0x0  }
0x80: {  	s3 =	rddreg [dreg:$0x2];
	[bflag:$0x3] =	sbarrier.arrive $0xFFFF;
	s2 =	simm.s32 @!p0 $0x1C01  }
0x81: {  	[timem:s3], [sflag:s2] =	dma.local @!p0 [hbm:s0], s1  }
0x82: {  	s0 =	simm.s32 @!p0 $0x1  }
0x83: {  	_ =	swait.ge @!p0 [sflag:s0], s1  }
0x84: {  	s1 =	ssub.s32 @!p0 $0x0, s1;
	[sflag:s0] =	ssyncset.done @!p0 $0x0  }
0x85: {  	[sflag:s0] =	ssyncadd.s32 @!p0 s1  }
0x86: {  	[bflag:$0x3] =	sbarrier.arrive $0xFFFF  }
0x87: {  	_ =	shalt  }

</sc_bundles>
